<compile_context>
chip_gen: v7x
topology: tpu7x:2x2x1
jax: 0.10.2.dev20260603
libtpu: 0.0.44.dev20260713+nightly
codegen_flags: <defaults>
</compile_context>

<pallas_src>
import functools

import jax
import jax.numpy as jnp
from jax import lax
from jax.experimental import pallas as pl
from jax.experimental.pallas import tpu as pltpu
from jax.experimental.pallas import tpu_sc as plsc

D = 128
NW = 32



def _sc_gather_pair(db, eh, src, dst, ch):
    E = src.shape[0]
    bpw = E // NW
    nch = bpw // ch
    mesh = plsc.VectorSubcoreMesh(core_axis_name="c", subcore_axis_name="s")

    @functools.partial(
        pl.kernel,
        out_type=[
            jax.ShapeDtypeStruct((E, 2 * D), jnp.float32),
            jax.ShapeDtypeStruct((E, D), jnp.float32),
        ],
        mesh=mesh,
        scratch_types=[
            pltpu.VMEM((ch,), jnp.int32),
            pltpu.VMEM((ch,), jnp.int32),
            pltpu.VMEM((ch, 2 * D), jnp.float32),
            pltpu.VMEM((ch, D), jnp.float32),
            pltpu.SemaphoreType.DMA,
            pltpu.SemaphoreType.DMA,
        ],
    )
    def k(db_hbm, eh_hbm, src_hbm, dst_hbm, gdb_hbm, geh_hbm,
          si_v, di_v, dbuf, ebuf, sem1, sem2):
        w = lax.axis_index("s") * 2 + lax.axis_index("c")
        base = w * bpw

        def body(j, carry):
            off = base + j * ch
            pltpu.sync_copy(src_hbm.at[pl.ds(off, ch)], si_v)
            pltpu.sync_copy(dst_hbm.at[pl.ds(off, ch)], di_v)
            cp1 = pltpu.async_copy(db_hbm.at[si_v], dbuf, sem1)
            cp2 = pltpu.async_copy(eh_hbm.at[di_v], ebuf, sem2)
            cp1.wait()
            cp2.wait()
            pltpu.sync_copy(dbuf, gdb_hbm.at[pl.ds(off, ch)])
            pltpu.sync_copy(ebuf, geh_hbm.at[pl.ds(off, ch)])
            return carry

        lax.fori_loop(0, nch, body, 0)

    return k(db, eh, src, dst)



def _node_linear_body(x_ref, w_ref, b_ref, a_ref, db_ref, eh_ref):
    out = jnp.dot(x_ref[...], w_ref[...], preferred_element_type=jnp.float32)
    out = out + b_ref[...]
    a_ref[...] = out[:, :D]
    db_ref[...] = out[:, D:3 * D]
    eh_ref[...] = out[:, 3 * D:]


def _node_linear(x, W, b, blk):
    M = x.shape[0]
    Wp = jnp.concatenate([W[0], W[2], W[1], W[3]], axis=1)
    bp = jnp.concatenate([b[0], b[2], b[1], b[3]], axis=0)[None, :]
    return pl.pallas_call(
        _node_linear_body,
        grid=(M // blk,),
        in_specs=[
            pl.BlockSpec((blk, D), lambda i: (i, 0)),
            pl.BlockSpec((D, 4 * D), lambda i: (0, 0)),
            pl.BlockSpec((1, 4 * D), lambda i: (0, 0)),
        ],
        out_specs=[
            pl.BlockSpec((blk, D), lambda i: (i, 0)),
            pl.BlockSpec((blk, 2 * D), lambda i: (i, 0)),
            pl.BlockSpec((blk, D), lambda i: (i, 0)),
        ],
        out_shape=[
            jax.ShapeDtypeStruct((M, D), jnp.float32),
            jax.ShapeDtypeStruct((M, 2 * D), jnp.float32),
            jax.ShapeDtypeStruct((M, D), jnp.float32),
        ],
    )(x, Wp, bp)


def _edge_linear_body(x_ref, w_ref, b_ref, o_ref):
    o_ref[...] = (
        jnp.dot(x_ref[...], w_ref[...], preferred_element_type=jnp.float32)
        + b_ref[...]
    )


def _edge_linear(x, W, b, blk):
    M = x.shape[0]
    return pl.pallas_call(
        _edge_linear_body,
        grid=(M // blk,),
        in_specs=[
            pl.BlockSpec((blk, D), lambda i: (i, 0)),
            pl.BlockSpec((D, D), lambda i: (0, 0)),
            pl.BlockSpec((1, D), lambda i: (0, 0)),
        ],
        out_specs=pl.BlockSpec((blk, D), lambda i: (i, 0)),
        out_shape=jax.ShapeDtypeStruct((M, D), jnp.float32),
    )(x, W, b[None, :])



def _edge_elem_body(gdb_ref, geh_ref, ce_ref, pay_ref, m_ref):
    gdb = gdb_ref[...]
    e_hat = gdb[:, :D] + geh_ref[...] + ce_ref[...]
    sigma = jax.nn.sigmoid(e_hat)
    prod = sigma * gdb[:, D:]
    pay_ref[...] = jnp.concatenate([prod, sigma], axis=1)
    m_ref[...] = jnp.maximum(e_hat, 0.0)


def _edge_elem(gdb, geh, ce, blk):
    E = gdb.shape[0]
    return pl.pallas_call(
        _edge_elem_body,
        grid=(E // blk,),
        in_specs=[
            pl.BlockSpec((blk, 2 * D), lambda i: (i, 0)),
            pl.BlockSpec((blk, D), lambda i: (i, 0)),
            pl.BlockSpec((blk, D), lambda i: (i, 0)),
        ],
        out_specs=[
            pl.BlockSpec((blk, 2 * D), lambda i: (i, 0)),
            pl.BlockSpec((blk, D), lambda i: (i, 0)),
        ],
        out_shape=[
            jax.ShapeDtypeStruct((E, 2 * D), jnp.float32),
            jax.ShapeDtypeStruct((E, D), jnp.float32),
        ],
    )(gdb, geh, ce)


def _node_final_body(a_ref, acc_ref, o_ref):
    acc = acc_ref[...]
    o_ref[...] = jnp.maximum(
        a_ref[...] + acc[:, :D] / (acc[:, D:] + 1e-6), 0.0
    )


def _node_final(ah, acc, blk):
    M = ah.shape[0]
    return pl.pallas_call(
        _node_final_body,
        grid=(M // blk,),
        in_specs=[
            pl.BlockSpec((blk, D), lambda i: (i, 0)),
            pl.BlockSpec((blk, 2 * D), lambda i: (i, 0)),
        ],
        out_specs=pl.BlockSpec((blk, D), lambda i: (i, 0)),
        out_shape=jax.ShapeDtypeStruct((M, D), jnp.float32),
    )(ah, acc)



def _layer(x_nodes, x_edges, src, dst, W, b, node_blk, edge_blk):
    n_nodes = x_nodes.shape[0]
    ah, db, eh = _node_linear(x_nodes, W, b, node_blk)
    ce = _edge_linear(x_edges, W[4], b[4], edge_blk)
    gdb, geh = _sc_gather_pair(db, eh, src, dst, ch=200)
    payload, e_new = _edge_elem(gdb, geh, ce, edge_blk)
    acc = jax.ops.segment_sum(payload, dst, num_segments=n_nodes)
    h_new = _node_final(ah, acc, node_blk)
    return h_new, e_new


def kernel(h, e, l, edge_index, lg_edge_index, W1, b1, W2, b2):
    h_out, m = _layer(h, e, edge_index[0], edge_index[1], W1, b1,
                      node_blk=400, edge_blk=1600)
    e_out, l_out = _layer(m, l, lg_edge_index[0], lg_edge_index[1], W2, b2,
                          node_blk=1600, edge_blk=1600)
    return (h_out, e_out, l_out)

# --- scband reference (transcript-rebuilt; emitter-appended) ---
"""Pipeline reference for scband-alignnlayer-46102178955277 (READ-ONLY COPY).

The authoritative reference and input builder live on the scoring server;
editing this copy changes nothing except your own understanding.
"""

import jax, jax.numpy as jnp
import numpy as np

N = 10000
E = 160000
ELG = 320000
D = 128


def setup_inputs(seed: int = 0) -> dict:
    key = jax.random.key(seed)
    ks = jax.random.split(key, 9)
    h = jax.random.normal(ks[0], (N, D), dtype=jnp.float32)
    e = jax.random.normal(ks[1], (E, D), dtype=jnp.float32)
    l = jax.random.normal(ks[2], (ELG, D), dtype=jnp.float32)
    edge_index = jax.random.randint(ks[3], (2, E), 0, N, dtype=jnp.int32)
    lg_edge_index = jax.random.randint(ks[4], (2, ELG), 0, E, dtype=jnp.int32)
    scale = 1.0 / np.sqrt(D)
    # 5 linear layers per GatedGCN layer: A, B, D, E (node) and C (edge), packed as [5, D, D]
    W1 = jax.random.normal(ks[5], (5, D, D), dtype=jnp.float32) * scale
    b1 = jax.random.normal(ks[6], (5, D), dtype=jnp.float32) * scale
    W2 = jax.random.normal(ks[7], (5, D, D), dtype=jnp.float32) * scale
    b2 = jax.random.normal(ks[8], (5, D), dtype=jnp.float32) * scale
    return {"h": h, "e": e, "l": l, "edge_index": edge_index, "lg_edge_index": lg_edge_index,
            "W1": W1, "b1": b1, "W2": W2, "b2": b2}


def _gated_gcn(src, dst, n_nodes, h, e, W, b):
    # GatedGCN (Dwivedi & Bresson) as used in ALIGNN. batch_norm=False, residual=False, dropout=0.
    Ah = h @ W[0] + b[0]
    Bh = h @ W[1] + b[1]
    Dh = h @ W[2] + b[2]
    Eh = h @ W[3] + b[3]
    Ce = e @ W[4] + b[4]
    # edge gate: e_hat_ij = D h_i + E h_j + C e_ij
    e_hat = Dh[src] + Eh[dst] + Ce
    sigma = jax.nn.sigmoid(e_hat)
    # h_i = A h_i + sum_j sigma_ij * B h_j / (sum_j sigma_ij + eps)
    num = jax.ops.segment_sum(sigma * Bh[src], dst, num_segments=n_nodes)
    den = jax.ops.segment_sum(sigma, dst, num_segments=n_nodes) + 1e-6
    h_new = jax.nn.relu(Ah + num / den)
    e_new = jax.nn.relu(e_hat)
    return h_new, e_new


def reference(h, e, l, edge_index, lg_edge_index, W1, b1, W2, b2):
    # node_update on g: updates node features h, produces updated edge features m
    h_out, m = _gated_gcn(edge_index[0], edge_index[1], h.shape[0], h, e, W1, b1)
    # edge_update on line graph lg: nodes of lg are edges of g (features m),
    # edge features of lg are the triplet features l
    e_out, l_out = _gated_gcn(lg_edge_index[0], lg_edge_index[1], m.shape[0], m, l, W2, b2)
    return (h_out, e_out, l_out)

if __name__ == "__main__":
    import jax
    _d = setup_inputs()
    print(jax.jit(kernel)(*tuple(_d.values())))

</pallas_src>

<mosaic_0001>
#map = affine_map<(d0, d1) -> (0, 0)>
#map1 = affine_map<(d0, d1) -> (0)>
module attributes {stable_mosaic.version = 14 : i64} {
  func.func @k(%arg0: i32, %arg1: i32, %arg2: memref<10000x256xf32, #tpu.memory_space<hbm>>, %arg3: memref<10000x128xf32, #tpu.memory_space<hbm>>, %arg4: memref<160000xi32, #tpu.memory_space<hbm>>, %arg5: memref<160000xi32, #tpu.memory_space<hbm>>, %arg6: memref<160000x256xf32, #tpu.memory_space<hbm>>, %arg7: memref<160000x128xf32, #tpu.memory_space<hbm>>, %arg8: memref<200xi32, #tpu.memory_space<vmem>>, %arg9: memref<200xi32, #tpu.memory_space<vmem>>, %arg10: memref<200x256xf32, #tpu.memory_space<vmem>>, %arg11: memref<200x128xf32, #tpu.memory_space<vmem>>, %arg12: memref<!tpu.dma_semaphore, #tpu.memory_space<semaphore_mem>>, %arg13: memref<!tpu.dma_semaphore, #tpu.memory_space<semaphore_mem>>) attributes {dimension_semantics = [#tpu.dimension_semantics<core_parallel>, #tpu.dimension_semantics<subcore_parallel>], iteration_bounds = array<i64: 2, 16>, scalar_prefetch = 0 : i64, scratch_operands = 6 : i64, tpu.core_type = #tpu.core_type<sc_vector_subcore>, window_params = [{transform_indices = #map}, {transform_indices = #map}, {transform_indices = #map1}, {transform_indices = #map1}, {transform_indices = #map}, {transform_indices = #map}]} {
    %mul3A = arith.constant 2 : i32
    %mul3A_0 = arith.muli %arg1, %mul3A : i32
    %add3A = arith.addi %mul3A_0, %arg0 : i32
    %mul3A_1 = arith.constant 5000 : i32
    %mul3A_2 = arith.muli %add3A, %mul3A_1 : i32
    %scan3A = arith.constant 0 : i32
    %scan3A_3 = arith.constant 0 : i32
    %scan3A_4 = arith.constant 25 : i32
    %scan3A_5 = arith.addi %scan3A_3, %scan3A_4 : i32
    %scan3A_6 = arith.constant 1 : i32
    scf.for %scan3A_8 = %scan3A_3 to %scan3A_5 step %scan3A_6  : i32 {
      %mul3A_9 = arith.constant 200 : i32
      %mul3A_10 = arith.muli %scan3A_8, %mul3A_9 : i32
      %add3A_11 = arith.addi %mul3A_2, %mul3A_10 : i32
      "tpu.region"() ({
        %run_scoped3A = tpu.sem_alloc : memref<!tpu.dma_semaphore, #tpu.memory_space<semaphore_mem>>
        %dma_start3A_22 = tpu.memref_slice %arg4[%add3A_11] : memref<160000xi32, #tpu.memory_space<hbm>> -> memref<200xi32, #tpu.memory_space<hbm>>
        %dma_start3A_23 = tpu.memref_slice %arg4[%add3A_11] : memref<160000xi32, #tpu.memory_space<hbm>> -> memref<200xi32, #tpu.memory_space<hbm>>
        tpu.enqueue_dma source(%dma_start3A_23 : memref<200xi32, #tpu.memory_space<hbm>>) target(%arg8 : memref<200xi32, #tpu.memory_space<vmem>>) target_semaphore(%run_scoped3A : memref<!tpu.dma_semaphore, #tpu.memory_space<semaphore_mem>>)
        %dma_wait3A_24 = tpu.memref_slice %arg4[%add3A_11] : memref<160000xi32, #tpu.memory_space<hbm>> -> memref<200xi32, #tpu.memory_space<hbm>>
        %dma_wait3A_25 = tpu.memref_slice %arg4[%add3A_11] : memref<160000xi32, #tpu.memory_space<hbm>> -> memref<200xi32, #tpu.memory_space<hbm>>
        tpu.wait_dma2 semaphore(%run_scoped3A : memref<!tpu.dma_semaphore, #tpu.memory_space<semaphore_mem>>) src(%dma_wait3A_25 : memref<200xi32, #tpu.memory_space<hbm>>) dst(%arg8 : memref<200xi32, #tpu.memory_space<vmem>>)
        tpu.yield
      }) : () -> ()
      "tpu.region"() ({
        %run_scoped3A = tpu.sem_alloc : memref<!tpu.dma_semaphore, #tpu.memory_space<semaphore_mem>>
        %dma_start3A_22 = tpu.memref_slice %arg5[%add3A_11] : memref<160000xi32, #tpu.memory_space<hbm>> -> memref<200xi32, #tpu.memory_space<hbm>>
        %dma_start3A_23 = tpu.memref_slice %arg5[%add3A_11] : memref<160000xi32, #tpu.memory_space<hbm>> -> memref<200xi32, #tpu.memory_space<hbm>>
        tpu.enqueue_dma source(%dma_start3A_23 : memref<200xi32, #tpu.memory_space<hbm>>) target(%arg9 : memref<200xi32, #tpu.memory_space<vmem>>) target_semaphore(%run_scoped3A : memref<!tpu.dma_semaphore, #tpu.memory_space<semaphore_mem>>)
        %dma_wait3A_24 = tpu.memref_slice %arg5[%add3A_11] : memref<160000xi32, #tpu.memory_space<hbm>> -> memref<200xi32, #tpu.memory_space<hbm>>
        %dma_wait3A_25 = tpu.memref_slice %arg5[%add3A_11] : memref<160000xi32, #tpu.memory_space<hbm>> -> memref<200xi32, #tpu.memory_space<hbm>>
        tpu.wait_dma2 semaphore(%run_scoped3A : memref<!tpu.dma_semaphore, #tpu.memory_space<semaphore_mem>>) src(%dma_wait3A_25 : memref<200xi32, #tpu.memory_space<hbm>>) dst(%arg9 : memref<200xi32, #tpu.memory_space<vmem>>)
        tpu.yield
      }) : () -> ()
      %dma_start3A = arith.constant 0 : i32
      %dma_start3A_12 = arith.constant 0 : i32
      %dma_start3A_13 = tpu.memref_slice %arg2[%dma_start3A, %dma_start3A_12] : memref<10000x256xf32, #tpu.memory_space<hbm>> -> memref<10000x256xf32, #tpu.memory_space<hbm>>
      tpu.enqueue_indirect_dma source(%dma_start3A_13 : memref<10000x256xf32, #tpu.memory_space<hbm>>) target(%arg10 : memref<200x256xf32, #tpu.memory_space<vmem>>) offsets(%arg8 : memref<200xi32, #tpu.memory_space<vmem>>) semaphore(%arg12 : memref<!tpu.dma_semaphore, #tpu.memory_space<semaphore_mem>>)
      %dma_start3A_14 = arith.constant 0 : i32
      %dma_start3A_15 = arith.constant 0 : i32
      %dma_start3A_16 = tpu.memref_slice %arg3[%dma_start3A_14, %dma_start3A_15] : memref<10000x128xf32, #tpu.memory_space<hbm>> -> memref<10000x128xf32, #tpu.memory_space<hbm>>
      tpu.enqueue_indirect_dma source(%dma_start3A_16 : memref<10000x128xf32, #tpu.memory_space<hbm>>) target(%arg11 : memref<200x128xf32, #tpu.memory_space<vmem>>) offsets(%arg9 : memref<200xi32, #tpu.memory_space<vmem>>) semaphore(%arg13 : memref<!tpu.dma_semaphore, #tpu.memory_space<semaphore_mem>>)
      %dma_wait3A = arith.constant 0 : i32
      %dma_wait3A_17 = arith.constant 0 : i32
      %dma_wait3A_18 = tpu.memref_slice %arg2[%dma_wait3A, %dma_wait3A_17] : memref<10000x256xf32, #tpu.memory_space<hbm>> -> memref<10000x256xf32, #tpu.memory_space<hbm>>
      tpu.wait_indirect_dma semaphore(%arg12 : memref<!tpu.dma_semaphore, #tpu.memory_space<semaphore_mem>>) src(%dma_wait3A_18 : memref<10000x256xf32, #tpu.memory_space<hbm>>) dst(%arg10 : memref<200x256xf32, #tpu.memory_space<vmem>>)
      %dma_wait3A_19 = arith.constant 0 : i32
      %dma_wait3A_20 = arith.constant 0 : i32
      %dma_wait3A_21 = tpu.memref_slice %arg3[%dma_wait3A_19, %dma_wait3A_20] : memref<10000x128xf32, #tpu.memory_space<hbm>> -> memref<10000x128xf32, #tpu.memory_space<hbm>>
      tpu.wait_indirect_dma semaphore(%arg13 : memref<!tpu.dma_semaphore, #tpu.memory_space<semaphore_mem>>) src(%dma_wait3A_21 : memref<10000x128xf32, #tpu.memory_space<hbm>>) dst(%arg11 : memref<200x128xf32, #tpu.memory_space<vmem>>)
      "tpu.region"() ({
        %run_scoped3A = tpu.sem_alloc : memref<!tpu.dma_semaphore, #tpu.memory_space<semaphore_mem>>
        %dma_start3A_22 = arith.constant 0 : i32
        %dma_start3A_23 = tpu.memref_slice %arg6[%add3A_11, %dma_start3A_22] : memref<160000x256xf32, #tpu.memory_space<hbm>> -> memref<200x256xf32, #tpu.memory_space<hbm>>
        %dma_start3A_24 = arith.constant 0 : i32
        %dma_start3A_25 = tpu.memref_slice %arg6[%add3A_11, %dma_start3A_24] : memref<160000x256xf32, #tpu.memory_space<hbm>> -> memref<200x256xf32, #tpu.memory_space<hbm>>
        tpu.enqueue_dma source(%arg10 : memref<200x256xf32, #tpu.memory_space<vmem>>) target(%dma_start3A_25 : memref<200x256xf32, #tpu.memory_space<hbm>>) target_semaphore(%run_scoped3A : memref<!tpu.dma_semaphore, #tpu.memory_space<semaphore_mem>>)
        %dma_wait3A_26 = arith.constant 0 : i32
        %dma_wait3A_27 = tpu.memref_slice %arg6[%add3A_11, %dma_wait3A_26] : memref<160000x256xf32, #tpu.memory_space<hbm>> -> memref<200x256xf32, #tpu.memory_space<hbm>>
        %dma_wait3A_28 = arith.constant 0 : i32
        %dma_wait3A_29 = tpu.memref_slice %arg6[%add3A_11, %dma_wait3A_28] : memref<160000x256xf32, #tpu.memory_space<hbm>> -> memref<200x256xf32, #tpu.memory_space<hbm>>
        tpu.wait_dma2 semaphore(%run_scoped3A : memref<!tpu.dma_semaphore, #tpu.memory_space<semaphore_mem>>) src(%arg10 : memref<200x256xf32, #tpu.memory_space<vmem>>) dst(%dma_wait3A_29 : memref<200x256xf32, #tpu.memory_space<hbm>>)
        tpu.yield
      }) : () -> ()
      "tpu.region"() ({
        %run_scoped3A = tpu.sem_alloc : memref<!tpu.dma_semaphore, #tpu.memory_space<semaphore_mem>>
        %dma_start3A_22 = arith.constant 0 : i32
        %dma_start3A_23 = tpu.memref_slice %arg7[%add3A_11, %dma_start3A_22] : memref<160000x128xf32, #tpu.memory_space<hbm>> -> memref<200x128xf32, #tpu.memory_space<hbm>>
        %dma_start3A_24 = arith.constant 0 : i32
        %dma_start3A_25 = tpu.memref_slice %arg7[%add3A_11, %dma_start3A_24] : memref<160000x128xf32, #tpu.memory_space<hbm>> -> memref<200x128xf32, #tpu.memory_space<hbm>>
        tpu.enqueue_dma source(%arg11 : memref<200x128xf32, #tpu.memory_space<vmem>>) target(%dma_start3A_25 : memref<200x128xf32, #tpu.memory_space<hbm>>) target_semaphore(%run_scoped3A : memref<!tpu.dma_semaphore, #tpu.memory_space<semaphore_mem>>)
        %dma_wait3A_26 = arith.constant 0 : i32
        %dma_wait3A_27 = tpu.memref_slice %arg7[%add3A_11, %dma_wait3A_26] : memref<160000x128xf32, #tpu.memory_space<hbm>> -> memref<200x128xf32, #tpu.memory_space<hbm>>
        %dma_wait3A_28 = arith.constant 0 : i32
        %dma_wait3A_29 = tpu.memref_slice %arg7[%add3A_11, %dma_wait3A_28] : memref<160000x128xf32, #tpu.memory_space<hbm>> -> memref<200x128xf32, #tpu.memory_space<hbm>>
        tpu.wait_dma2 semaphore(%run_scoped3A : memref<!tpu.dma_semaphore, #tpu.memory_space<semaphore_mem>>) src(%arg11 : memref<200x128xf32, #tpu.memory_space<vmem>>) dst(%dma_wait3A_29 : memref<200x128xf32, #tpu.memory_space<hbm>>)
        tpu.yield
      }) : () -> ()
    }
    %scan3A_7 = arith.constant 25 : i32
    return
  }
}

#map = affine_map<(d0, d1) -> (0, 0)>
#map1 = affine_map<(d0, d1) -> (0)>
module attributes {stable_mosaic.version = 14 : i64} {
  func.func @k(%arg0: i32, %arg1: i32, %arg2: memref<160000x256xf32, #tpu.memory_space<hbm>>, %arg3: memref<160000x128xf32, #tpu.memory_space<hbm>>, %arg4: memref<320000xi32, #tpu.memory_space<hbm>>, %arg5: memref<320000xi32, #tpu.memory_space<hbm>>, %arg6: memref<320000x256xf32, #tpu.memory_space<hbm>>, %arg7: memref<320000x128xf32, #tpu.memory_space<hbm>>, %arg8: memref<200xi32, #tpu.memory_space<vmem>>, %arg9: memref<200xi32, #tpu.memory_space<vmem>>, %arg10: memref<200x256xf32, #tpu.memory_space<vmem>>, %arg11: memref<200x128xf32, #tpu.memory_space<vmem>>, %arg12: memref<!tpu.dma_semaphore, #tpu.memory_space<semaphore_mem>>, %arg13: memref<!tpu.dma_semaphore, #tpu.memory_space<semaphore_mem>>) attributes {dimension_semantics = [#tpu.dimension_semantics<core_parallel>, #tpu.dimension_semantics<subcore_parallel>], iteration_bounds = array<i64: 2, 16>, scalar_prefetch = 0 : i64, scratch_operands = 6 : i64, tpu.core_type = #tpu.core_type<sc_vector_subcore>, window_params = [{transform_indices = #map}, {transform_indices = #map}, {transform_indices = #map1}, {transform_indices = #map1}, {transform_indices = #map}, {transform_indices = #map}]} {
    %mul3A = arith.constant 2 : i32
    %mul3A_0 = arith.muli %arg1, %mul3A : i32
    %add3A = arith.addi %mul3A_0, %arg0 : i32
    %mul3A_1 = arith.constant 10000 : i32
    %mul3A_2 = arith.muli %add3A, %mul3A_1 : i32
    %scan3A = arith.constant 0 : i32
    %scan3A_3 = arith.constant 0 : i32
    %scan3A_4 = arith.constant 50 : i32
    %scan3A_5 = arith.addi %scan3A_3, %scan3A_4 : i32
    %scan3A_6 = arith.constant 1 : i32
    scf.for %scan3A_8 = %scan3A_3 to %scan3A_5 step %scan3A_6  : i32 {
      %mul3A_9 = arith.constant 200 : i32
      %mul3A_10 = arith.muli %scan3A_8, %mul3A_9 : i32
      %add3A_11 = arith.addi %mul3A_2, %mul3A_10 : i32
      "tpu.region"() ({
        %run_scoped3A = tpu.sem_alloc : memref<!tpu.dma_semaphore, #tpu.memory_space<semaphore_mem>>
        %dma_start3A_22 = tpu.memref_slice %arg4[%add3A_11] : memref<320000xi32, #tpu.memory_space<hbm>> -> memref<200xi32, #tpu.memory_space<hbm>>
        %dma_start3A_23 = tpu.memref_slice %arg4[%add3A_11] : memref<320000xi32, #tpu.memory_space<hbm>> -> memref<200xi32, #tpu.memory_space<hbm>>
        tpu.enqueue_dma source(%dma_start3A_23 : memref<200xi32, #tpu.memory_space<hbm>>) target(%arg8 : memref<200xi32, #tpu.memory_space<vmem>>) target_semaphore(%run_scoped3A : memref<!tpu.dma_semaphore, #tpu.memory_space<semaphore_mem>>)
        %dma_wait3A_24 = tpu.memref_slice %arg4[%add3A_11] : memref<320000xi32, #tpu.memory_space<hbm>> -> memref<200xi32, #tpu.memory_space<hbm>>
        %dma_wait3A_25 = tpu.memref_slice %arg4[%add3A_11] : memref<320000xi32, #tpu.memory_space<hbm>> -> memref<200xi32, #tpu.memory_space<hbm>>
        tpu.wait_dma2 semaphore(%run_scoped3A : memref<!tpu.dma_semaphore, #tpu.memory_space<semaphore_mem>>) src(%dma_wait3A_25 : memref<200xi32, #tpu.memory_space<hbm>>) dst(%arg8 : memref<200xi32, #tpu.memory_space<vmem>>)
        tpu.yield
      }) : () -> ()
      "tpu.region"() ({
        %run_scoped3A = tpu.sem_alloc : memref<!tpu.dma_semaphore, #tpu.memory_space<semaphore_mem>>
        %dma_start3A_22 = tpu.memref_slice %arg5[%add3A_11] : memref<320000xi32, #tpu.memory_space<hbm>> -> memref<200xi32, #tpu.memory_space<hbm>>
        %dma_start3A_23 = tpu.memref_slice %arg5[%add3A_11] : memref<320000xi32, #tpu.memory_space<hbm>> -> memref<200xi32, #tpu.memory_space<hbm>>
        tpu.enqueue_dma source(%dma_start3A_23 : memref<200xi32, #tpu.memory_space<hbm>>) target(%arg9 : memref<200xi32, #tpu.memory_space<vmem>>) target_semaphore(%run_scoped3A : memref<!tpu.dma_semaphore, #tpu.memory_space<semaphore_mem>>)
        %dma_wait3A_24 = tpu.memref_slice %arg5[%add3A_11] : memref<320000xi32, #tpu.memory_space<hbm>> -> memref<200xi32, #tpu.memory_space<hbm>>
        %dma_wait3A_25 = tpu.memref_slice %arg5[%add3A_11] : memref<320000xi32, #tpu.memory_space<hbm>> -> memref<200xi32, #tpu.memory_space<hbm>>
        tpu.wait_dma2 semaphore(%run_scoped3A : memref<!tpu.dma_semaphore, #tpu.memory_space<semaphore_mem>>) src(%dma_wait3A_25 : memref<200xi32, #tpu.memory_space<hbm>>) dst(%arg9 : memref<200xi32, #tpu.memory_space<vmem>>)
        tpu.yield
      }) : () -> ()
      %dma_start3A = arith.constant 0 : i32
      %dma_start3A_12 = arith.constant 0 : i32
      %dma_start3A_13 = tpu.memref_slice %arg2[%dma_start3A, %dma_start3A_12] : memref<160000x256xf32, #tpu.memory_space<hbm>> -> memref<160000x256xf32, #tpu.memory_space<hbm>>
      tpu.enqueue_indirect_dma source(%dma_start3A_13 : memref<160000x256xf32, #tpu.memory_space<hbm>>) target(%arg10 : memref<200x256xf32, #tpu.memory_space<vmem>>) offsets(%arg8 : memref<200xi32, #tpu.memory_space<vmem>>) semaphore(%arg12 : memref<!tpu.dma_semaphore, #tpu.memory_space<semaphore_mem>>)
      %dma_start3A_14 = arith.constant 0 : i32
      %dma_start3A_15 = arith.constant 0 : i32
      %dma_start3A_16 = tpu.memref_slice %arg3[%dma_start3A_14, %dma_start3A_15] : memref<160000x128xf32, #tpu.memory_space<hbm>> -> memref<160000x128xf32, #tpu.memory_space<hbm>>
      tpu.enqueue_indirect_dma source(%dma_start3A_16 : memref<160000x128xf32, #tpu.memory_space<hbm>>) target(%arg11 : memref<200x128xf32, #tpu.memory_space<vmem>>) offsets(%arg9 : memref<200xi32, #tpu.memory_space<vmem>>) semaphore(%arg13 : memref<!tpu.dma_semaphore, #tpu.memory_space<semaphore_mem>>)
      %dma_wait3A = arith.constant 0 : i32
      %dma_wait3A_17 = arith.constant 0 : i32
      %dma_wait3A_18 = tpu.memref_slice %arg2[%dma_wait3A, %dma_wait3A_17] : memref<160000x256xf32, #tpu.memory_space<hbm>> -> memref<160000x256xf32, #tpu.memory_space<hbm>>
      tpu.wait_indirect_dma semaphore(%arg12 : memref<!tpu.dma_semaphore, #tpu.memory_space<semaphore_mem>>) src(%dma_wait3A_18 : memref<160000x256xf32, #tpu.memory_space<hbm>>) dst(%arg10 : memref<200x256xf32, #tpu.memory_space<vmem>>)
      %dma_wait3A_19 = arith.constant 0 : i32
      %dma_wait3A_20 = arith.constant 0 : i32
      %dma_wait3A_21 = tpu.memref_slice %arg3[%dma_wait3A_19, %dma_wait3A_20] : memref<160000x128xf32, #tpu.memory_space<hbm>> -> memref<160000x128xf32, #tpu.memory_space<hbm>>
      tpu.wait_indirect_dma semaphore(%arg13 : memref<!tpu.dma_semaphore, #tpu.memory_space<semaphore_mem>>) src(%dma_wait3A_21 : memref<160000x128xf32, #tpu.memory_space<hbm>>) dst(%arg11 : memref<200x128xf32, #tpu.memory_space<vmem>>)
      "tpu.region"() ({
        %run_scoped3A = tpu.sem_alloc : memref<!tpu.dma_semaphore, #tpu.memory_space<semaphore_mem>>
        %dma_start3A_22 = arith.constant 0 : i32
        %dma_start3A_23 = tpu.memref_slice %arg6[%add3A_11, %dma_start3A_22] : memref<320000x256xf32, #tpu.memory_space<hbm>> -> memref<200x256xf32, #tpu.memory_space<hbm>>
        %dma_start3A_24 = arith.constant 0 : i32
        %dma_start3A_25 = tpu.memref_slice %arg6[%add3A_11, %dma_start3A_24] : memref<320000x256xf32, #tpu.memory_space<hbm>> -> memref<200x256xf32, #tpu.memory_space<hbm>>
        tpu.enqueue_dma source(%arg10 : memref<200x256xf32, #tpu.memory_space<vmem>>) target(%dma_start3A_25 : memref<200x256xf32, #tpu.memory_space<hbm>>) target_semaphore(%run_scoped3A : memref<!tpu.dma_semaphore, #tpu.memory_space<semaphore_mem>>)
        %dma_wait3A_26 = arith.constant 0 : i32
        %dma_wait3A_27 = tpu.memref_slice %arg6[%add3A_11, %dma_wait3A_26] : memref<320000x256xf32, #tpu.memory_space<hbm>> -> memref<200x256xf32, #tpu.memory_space<hbm>>
        %dma_wait3A_28 = arith.constant 0 : i32
        %dma_wait3A_29 = tpu.memref_slice %arg6[%add3A_11, %dma_wait3A_28] : memref<320000x256xf32, #tpu.memory_space<hbm>> -> memref<200x256xf32, #tpu.memory_space<hbm>>
        tpu.wait_dma2 semaphore(%run_scoped3A : memref<!tpu.dma_semaphore, #tpu.memory_space<semaphore_mem>>) src(%arg10 : memref<200x256xf32, #tpu.memory_space<vmem>>) dst(%dma_wait3A_29 : memref<200x256xf32, #tpu.memory_space<hbm>>)
        tpu.yield
      }) : () -> ()
      "tpu.region"() ({
        %run_scoped3A = tpu.sem_alloc : memref<!tpu.dma_semaphore, #tpu.memory_space<semaphore_mem>>
        %dma_start3A_22 = arith.constant 0 : i32
        %dma_start3A_23 = tpu.memref_slice %arg7[%add3A_11, %dma_start3A_22] : memref<320000x128xf32, #tpu.memory_space<hbm>> -> memref<200x128xf32, #tpu.memory_space<hbm>>
        %dma_start3A_24 = arith.constant 0 : i32
        %dma_start3A_25 = tpu.memref_slice %arg7[%add3A_11, %dma_start3A_24] : memref<320000x128xf32, #tpu.memory_space<hbm>> -> memref<200x128xf32, #tpu.memory_space<hbm>>
        tpu.enqueue_dma source(%arg11 : memref<200x128xf32, #tpu.memory_space<vmem>>) target(%dma_start3A_25 : memref<200x128xf32, #tpu.memory_space<hbm>>) target_semaphore(%run_scoped3A : memref<!tpu.dma_semaphore, #tpu.memory_space<semaphore_mem>>)
        %dma_wait3A_26 = arith.constant 0 : i32
        %dma_wait3A_27 = tpu.memref_slice %arg7[%add3A_11, %dma_wait3A_26] : memref<320000x128xf32, #tpu.memory_space<hbm>> -> memref<200x128xf32, #tpu.memory_space<hbm>>
        %dma_wait3A_28 = arith.constant 0 : i32
        %dma_wait3A_29 = tpu.memref_slice %arg7[%add3A_11, %dma_wait3A_28] : memref<320000x128xf32, #tpu.memory_space<hbm>> -> memref<200x128xf32, #tpu.memory_space<hbm>>
        tpu.wait_dma2 semaphore(%run_scoped3A : memref<!tpu.dma_semaphore, #tpu.memory_space<semaphore_mem>>) src(%arg11 : memref<200x128xf32, #tpu.memory_space<vmem>>) dst(%dma_wait3A_29 : memref<200x128xf32, #tpu.memory_space<hbm>>)
        tpu.yield
      }) : () -> ()
    }
    %scan3A_7 = arith.constant 50 : i32
    return
  }
}

module attributes {stable_mosaic.version = 14 : i64} {
  func.func @_node_linear_body(%arg0: i32, %arg1: memref<400x128xf32, #tpu.memory_space<vmem>>, %arg2: memref<128x512xf32, #tpu.memory_space<vmem>>, %arg3: memref<1x512xf32, #tpu.memory_space<vmem>>, %arg4: memref<400x128xf32, #tpu.memory_space<vmem>>, %arg5: memref<400x256xf32, #tpu.memory_space<vmem>>, %arg6: memref<400x128xf32, #tpu.memory_space<vmem>>) attributes {dimension_semantics = [#tpu.dimension_semantics<arbitrary>], iteration_bounds = array<i64: 25>, scalar_prefetch = 0 : i64, scratch_operands = 0 : i64, tpu.core_type = #tpu.core_type<tc>, window_params = [{transform_indices = @transform_0, window_bounds = array<i64: 400, 128>}, {pipeline_mode = #tpu.pipeline_mode<synchronous>, transform_indices = @transform_1, window_bounds = array<i64: 128, 512>}, {pipeline_mode = #tpu.pipeline_mode<synchronous>, transform_indices = @transform_2, window_bounds = array<i64: 1, 512>}, {transform_indices = @transform_3, window_bounds = array<i64: 400, 128>}, {transform_indices = @transform_4, window_bounds = array<i64: 400, 256>}, {transform_indices = @transform_5, window_bounds = array<i64: 400, 128>}]} {
    %get3A = arith.constant 0 : index
    %get3A_0 = arith.constant 0 : index
    %get3A_1 = vector.load %arg1[%get3A, %get3A_0] : memref<400x128xf32, #tpu.memory_space<vmem>>, vector<400x128xf32>
    %get3A_2 = arith.constant 0 : index
    %get3A_3 = arith.constant 0 : index
    %get3A_4 = vector.load %arg2[%get3A_2, %get3A_3] : memref<128x512xf32, #tpu.memory_space<vmem>>, vector<128x512xf32>
    %dot_general3A = arith.constant dense<0.000000e+00> : vector<400x512xf32>
    %dot_general3A_5 = tpu.matmul %get3A_1, %get3A_4, %dot_general3A {dimension_numbers = #tpu.dot_dimension_numbers<[1], [0], [0], [1], [0, 0, 1, 1], [], []>, transpose_lhs_hint = false} : vector<400x128xf32>, vector<128x512xf32>, vector<400x512xf32> -> vector<400x512xf32>
    %get3A_6 = arith.constant 0 : index
    %get3A_7 = arith.constant 0 : index
    %get3A_8 = vector.load %arg3[%get3A_6, %get3A_7] : memref<1x512xf32, #tpu.memory_space<vmem>>, vector<1x512xf32>
    %add3A = vector.broadcast %get3A_8 : vector<1x512xf32> to vector<400x512xf32>
    %add3A_9 = arith.addf %dot_general3A_5, %add3A : vector<400x512xf32>
    %slice3A = vector.extract_strided_slice %add3A_9 {offsets = [0, 0], sizes = [400, 128], strides = [1, 1]} : vector<400x512xf32> to vector<400x128xf32>
    %swap3A = arith.constant 0 : index
    %swap3A_10 = arith.constant 0 : index
    %swap3A_11 = vector.load %arg4[%swap3A, %swap3A_10] : memref<400x128xf32, #tpu.memory_space<vmem>>, vector<400x128xf32>
    tpu.vector_store %arg4[%swap3A, %swap3A_10], %slice3A {strides = array<i32>} : memref<400x128xf32, #tpu.memory_space<vmem>>, vector<400x128xf32>,
    %slice3A_12 = vector.extract_strided_slice %add3A_9 {offsets = [0, 128], sizes = [400, 256], strides = [1, 1]} : vector<400x512xf32> to vector<400x256xf32>
    %swap3A_13 = arith.constant 0 : index
    %swap3A_14 = arith.constant 0 : index
    %swap3A_15 = vector.load %arg5[%swap3A_13, %swap3A_14] : memref<400x256xf32, #tpu.memory_space<vmem>>, vector<400x256xf32>
    tpu.vector_store %arg5[%swap3A_13, %swap3A_14], %slice3A_12 {strides = array<i32>} : memref<400x256xf32, #tpu.memory_space<vmem>>, vector<400x256xf32>,
    %slice3A_16 = vector.extract_strided_slice %add3A_9 {offsets = [0, 384], sizes = [400, 128], strides = [1, 1]} : vector<400x512xf32> to vector<400x128xf32>
    %swap3A_17 = arith.constant 0 : index
    %swap3A_18 = arith.constant 0 : index
    %swap3A_19 = vector.load %arg6[%swap3A_17, %swap3A_18] : memref<400x128xf32, #tpu.memory_space<vmem>>, vector<400x128xf32>
    tpu.vector_store %arg6[%swap3A_17, %swap3A_18], %slice3A_16 {strides = array<i32>} : memref<400x128xf32, #tpu.memory_space<vmem>>, vector<400x128xf32>,
    return
  }
  func.func @transform_0(%arg0: i32) -> (i32, i32) {
    %c0_i32 = arith.constant 0 : i32
    %c0_i32_0 = arith.constant 0 : i32
    return %arg0, %c0_i32 : i32, i32
  }
  func.func @transform_1(%arg0: i32) -> (i32, i32) {
    %c0_i32 = arith.constant 0 : i32
    %c0_i32_0 = arith.constant 0 : i32
    %c0_i32_1 = arith.constant 0 : i32
    return %c0_i32, %c0_i32_0 : i32, i32
  }
  func.func @transform_2(%arg0: i32) -> (i32, i32) {
    %c0_i32 = arith.constant 0 : i32
    %c0_i32_0 = arith.constant 0 : i32
    %c0_i32_1 = arith.constant 0 : i32
    return %c0_i32, %c0_i32_0 : i32, i32
  }
  func.func @transform_3(%arg0: i32) -> (i32, i32) {
    %c0_i32 = arith.constant 0 : i32
    %c0_i32_0 = arith.constant 0 : i32
    return %arg0, %c0_i32 : i32, i32
  }
  func.func @transform_4(%arg0: i32) -> (i32, i32) {
    %c0_i32 = arith.constant 0 : i32
    %c0_i32_0 = arith.constant 0 : i32
    return %arg0, %c0_i32 : i32, i32
  }
  func.func @transform_5(%arg0: i32) -> (i32, i32) {
    %c0_i32 = arith.constant 0 : i32
    %c0_i32_0 = arith.constant 0 : i32
    return %arg0, %c0_i32 : i32, i32
  }
}

module attributes {stable_mosaic.version = 14 : i64} {
  func.func @_edge_linear_body(%arg0: i32, %arg1: memref<1600x128xf32, #tpu.memory_space<vmem>>, %arg2: memref<128x128xf32, #tpu.memory_space<vmem>>, %arg3: memref<1x128xf32, #tpu.memory_space<vmem>>, %arg4: memref<1600x128xf32, #tpu.memory_space<vmem>>) attributes {dimension_semantics = [#tpu.dimension_semantics<arbitrary>], iteration_bounds = array<i64: 100>, scalar_prefetch = 0 : i64, scratch_operands = 0 : i64, tpu.core_type = #tpu.core_type<tc>, window_params = [{transform_indices = @transform_0, window_bounds = array<i64: 1600, 128>}, {pipeline_mode = #tpu.pipeline_mode<synchronous>, transform_indices = @transform_1, window_bounds = array<i64: 128, 128>}, {pipeline_mode = #tpu.pipeline_mode<synchronous>, transform_indices = @transform_2, window_bounds = array<i64: 1, 128>}, {transform_indices = @transform_3, window_bounds = array<i64: 1600, 128>}]} {
    %get3A = arith.constant 0 : index
    %get3A_0 = arith.constant 0 : index
    %get3A_1 = vector.load %arg1[%get3A, %get3A_0] : memref<1600x128xf32, #tpu.memory_space<vmem>>, vector<1600x128xf32>
    %get3A_2 = arith.constant 0 : index
    %get3A_3 = arith.constant 0 : index
    %get3A_4 = vector.load %arg2[%get3A_2, %get3A_3] : memref<128x128xf32, #tpu.memory_space<vmem>>, vector<128x128xf32>
    %dot_general3A = arith.constant dense<0.000000e+00> : vector<1600x128xf32>
    %dot_general3A_5 = tpu.matmul %get3A_1, %get3A_4, %dot_general3A {dimension_numbers = #tpu.dot_dimension_numbers<[1], [0], [0], [1], [0, 0, 1, 1], [], []>, transpose_lhs_hint = false} : vector<1600x128xf32>, vector<128x128xf32>, vector<1600x128xf32> -> vector<1600x128xf32>
    %get3A_6 = arith.constant 0 : index
    %get3A_7 = arith.constant 0 : index
    %get3A_8 = vector.load %arg3[%get3A_6, %get3A_7] : memref<1x128xf32, #tpu.memory_space<vmem>>, vector<1x128xf32>
    %add3A = vector.broadcast %get3A_8 : vector<1x128xf32> to vector<1600x128xf32>
    %add3A_9 = arith.addf %dot_general3A_5, %add3A : vector<1600x128xf32>
    %swap3A = arith.constant 0 : index
    %swap3A_10 = arith.constant 0 : index
    %swap3A_11 = vector.load %arg4[%swap3A, %swap3A_10] : memref<1600x128xf32, #tpu.memory_space<vmem>>, vector<1600x128xf32>
    tpu.vector_store %arg4[%swap3A, %swap3A_10], %add3A_9 {strides = array<i32>} : memref<1600x128xf32, #tpu.memory_space<vmem>>, vector<1600x128xf32>,
    return
  }
  func.func @transform_0(%arg0: i32) -> (i32, i32) {
    %c0_i32 = arith.constant 0 : i32
    %c0_i32_0 = arith.constant 0 : i32
    return %arg0, %c0_i32 : i32, i32
  }
  func.func @transform_1(%arg0: i32) -> (i32, i32) {
    %c0_i32 = arith.constant 0 : i32
    %c0_i32_0 = arith.constant 0 : i32
    %c0_i32_1 = arith.constant 0 : i32
    return %c0_i32, %c0_i32_0 : i32, i32
  }
  func.func @transform_2(%arg0: i32) -> (i32, i32) {
    %c0_i32 = arith.constant 0 : i32
    %c0_i32_0 = arith.constant 0 : i32
    %c0_i32_1 = arith.constant 0 : i32
    return %c0_i32, %c0_i32_0 : i32, i32
  }
  func.func @transform_3(%arg0: i32) -> (i32, i32) {
    %c0_i32 = arith.constant 0 : i32
    %c0_i32_0 = arith.constant 0 : i32
    return %arg0, %c0_i32 : i32, i32
  }
}

module attributes {stable_mosaic.version = 14 : i64} {
  func.func @_node_linear_body(%arg0: i32, %arg1: memref<1600x128xf32, #tpu.memory_space<vmem>>, %arg2: memref<128x512xf32, #tpu.memory_space<vmem>>, %arg3: memref<1x512xf32, #tpu.memory_space<vmem>>, %arg4: memref<1600x128xf32, #tpu.memory_space<vmem>>, %arg5: memref<1600x256xf32, #tpu.memory_space<vmem>>, %arg6: memref<1600x128xf32, #tpu.memory_space<vmem>>) attributes {dimension_semantics = [#tpu.dimension_semantics<arbitrary>], iteration_bounds = array<i64: 100>, scalar_prefetch = 0 : i64, scratch_operands = 0 : i64, tpu.core_type = #tpu.core_type<tc>, window_params = [{transform_indices = @transform_0, window_bounds = array<i64: 1600, 128>}, {pipeline_mode = #tpu.pipeline_mode<synchronous>, transform_indices = @transform_1, window_bounds = array<i64: 128, 512>}, {pipeline_mode = #tpu.pipeline_mode<synchronous>, transform_indices = @transform_2, window_bounds = array<i64: 1, 512>}, {transform_indices = @transform_3, window_bounds = array<i64: 1600, 128>}, {transform_indices = @transform_4, window_bounds = array<i64: 1600, 256>}, {transform_indices = @transform_5, window_bounds = array<i64: 1600, 128>}]} {
    %get3A = arith.constant 0 : index
    %get3A_0 = arith.constant 0 : index
    %get3A_1 = vector.load %arg1[%get3A, %get3A_0] : memref<1600x128xf32, #tpu.memory_space<vmem>>, vector<1600x128xf32>
    %get3A_2 = arith.constant 0 : index
    %get3A_3 = arith.constant 0 : index
    %get3A_4 = vector.load %arg2[%get3A_2, %get3A_3] : memref<128x512xf32, #tpu.memory_space<vmem>>, vector<128x512xf32>
    %dot_general3A = arith.constant dense<0.000000e+00> : vector<1600x512xf32>
    %dot_general3A_5 = tpu.matmul %get3A_1, %get3A_4, %dot_general3A {dimension_numbers = #tpu.dot_dimension_numbers<[1], [0], [0], [1], [0, 0, 1, 1], [], []>, transpose_lhs_hint = false} : vector<1600x128xf32>, vector<128x512xf32>, vector<1600x512xf32> -> vector<1600x512xf32>
    %get3A_6 = arith.constant 0 : index
    %get3A_7 = arith.constant 0 : index
    %get3A_8 = vector.load %arg3[%get3A_6, %get3A_7] : memref<1x512xf32, #tpu.memory_space<vmem>>, vector<1x512xf32>
    %add3A = vector.broadcast %get3A_8 : vector<1x512xf32> to vector<1600x512xf32>
    %add3A_9 = arith.addf %dot_general3A_5, %add3A : vector<1600x512xf32>
    %slice3A = vector.extract_strided_slice %add3A_9 {offsets = [0, 0], sizes = [1600, 128], strides = [1, 1]} : vector<1600x512xf32> to vector<1600x128xf32>
    %swap3A = arith.constant 0 : index
    %swap3A_10 = arith.constant 0 : index
    %swap3A_11 = vector.load %arg4[%swap3A, %swap3A_10] : memref<1600x128xf32, #tpu.memory_space<vmem>>, vector<1600x128xf32>
    tpu.vector_store %arg4[%swap3A, %swap3A_10], %slice3A {strides = array<i32>} : memref<1600x128xf32, #tpu.memory_space<vmem>>, vector<1600x128xf32>,
    %slice3A_12 = vector.extract_strided_slice %add3A_9 {offsets = [0, 128], sizes = [1600, 256], strides = [1, 1]} : vector<1600x512xf32> to vector<1600x256xf32>
    %swap3A_13 = arith.constant 0 : index
    %swap3A_14 = arith.constant 0 : index
    %swap3A_15 = vector.load %arg5[%swap3A_13, %swap3A_14] : memref<1600x256xf32, #tpu.memory_space<vmem>>, vector<1600x256xf32>
    tpu.vector_store %arg5[%swap3A_13, %swap3A_14], %slice3A_12 {strides = array<i32>} : memref<1600x256xf32, #tpu.memory_space<vmem>>, vector<1600x256xf32>,
    %slice3A_16 = vector.extract_strided_slice %add3A_9 {offsets = [0, 384], sizes = [1600, 128], strides = [1, 1]} : vector<1600x512xf32> to vector<1600x128xf32>
    %swap3A_17 = arith.constant 0 : index
    %swap3A_18 = arith.constant 0 : index
    %swap3A_19 = vector.load %arg6[%swap3A_17, %swap3A_18] : memref<1600x128xf32, #tpu.memory_space<vmem>>, vector<1600x128xf32>
    tpu.vector_store %arg6[%swap3A_17, %swap3A_18], %slice3A_16 {strides = array<i32>} : memref<1600x128xf32, #tpu.memory_space<vmem>>, vector<1600x128xf32>,
    return
  }
  func.func @transform_0(%arg0: i32) -> (i32, i32) {
    %c0_i32 = arith.constant 0 : i32
    %c0_i32_0 = arith.constant 0 : i32
    return %arg0, %c0_i32 : i32, i32
  }
  func.func @transform_1(%arg0: i32) -> (i32, i32) {
    %c0_i32 = arith.constant 0 : i32
    %c0_i32_0 = arith.constant 0 : i32
    %c0_i32_1 = arith.constant 0 : i32
    return %c0_i32, %c0_i32_0 : i32, i32
  }
  func.func @transform_2(%arg0: i32) -> (i32, i32) {
    %c0_i32 = arith.constant 0 : i32
    %c0_i32_0 = arith.constant 0 : i32
    %c0_i32_1 = arith.constant 0 : i32
    return %c0_i32, %c0_i32_0 : i32, i32
  }
  func.func @transform_3(%arg0: i32) -> (i32, i32) {
    %c0_i32 = arith.constant 0 : i32
    %c0_i32_0 = arith.constant 0 : i32
    return %arg0, %c0_i32 : i32, i32
  }
  func.func @transform_4(%arg0: i32) -> (i32, i32) {
    %c0_i32 = arith.constant 0 : i32
    %c0_i32_0 = arith.constant 0 : i32
    return %arg0, %c0_i32 : i32, i32
  }
  func.func @transform_5(%arg0: i32) -> (i32, i32) {
    %c0_i32 = arith.constant 0 : i32
    %c0_i32_0 = arith.constant 0 : i32
    return %arg0, %c0_i32 : i32, i32
  }
}

module attributes {stable_mosaic.version = 14 : i64} {
  func.func @_edge_elem_body(%arg0: i32, %arg1: memref<1600x256xf32, #tpu.memory_space<vmem>>, %arg2: memref<1600x128xf32, #tpu.memory_space<vmem>>, %arg3: memref<1600x128xf32, #tpu.memory_space<vmem>>, %arg4: memref<1600x256xf32, #tpu.memory_space<vmem>>, %arg5: memref<1600x128xf32, #tpu.memory_space<vmem>>) attributes {dimension_semantics = [#tpu.dimension_semantics<arbitrary>], iteration_bounds = array<i64: 100>, scalar_prefetch = 0 : i64, scratch_operands = 0 : i64, tpu.core_type = #tpu.core_type<tc>, window_params = [{transform_indices = @transform_0, window_bounds = array<i64: 1600, 256>}, {transform_indices = @transform_1, window_bounds = array<i64: 1600, 128>}, {transform_indices = @transform_2, window_bounds = array<i64: 1600, 128>}, {transform_indices = @transform_3, window_bounds = array<i64: 1600, 256>}, {transform_indices = @transform_4, window_bounds = array<i64: 1600, 128>}]} {
    %get3A = arith.constant 0 : index
    %get3A_0 = arith.constant 0 : index
    %get3A_1 = vector.load %arg1[%get3A, %get3A_0] : memref<1600x256xf32, #tpu.memory_space<vmem>>, vector<1600x256xf32>
    %slice3A = vector.extract_strided_slice %get3A_1 {offsets = [0, 0], sizes = [1600, 128], strides = [1, 1]} : vector<1600x256xf32> to vector<1600x128xf32>
    %get3A_2 = arith.constant 0 : index
    %get3A_3 = arith.constant 0 : index
    %get3A_4 = vector.load %arg2[%get3A_2, %get3A_3] : memref<1600x128xf32, #tpu.memory_space<vmem>>, vector<1600x128xf32>
    %add3A = arith.addf %slice3A, %get3A_4 : vector<1600x128xf32>
    %get3A_5 = arith.constant 0 : index
    %get3A_6 = arith.constant 0 : index
    %get3A_7 = vector.load %arg3[%get3A_5, %get3A_6] : memref<1600x128xf32, #tpu.memory_space<vmem>>, vector<1600x128xf32>
    %add3A_8 = arith.addf %add3A, %get3A_7 : vector<1600x128xf32>
    %logistic3A = arith.negf %add3A_8 : vector<1600x128xf32>
    %logistic3A_9 = math.exp %logistic3A : vector<1600x128xf32>
    %logistic3A_10 = arith.constant 1.000000e+00 : f32
    %logistic3A_11 = vector.broadcast %logistic3A_10 : f32 to vector<1600x128xf32>
    %logistic3A_12 = arith.addf %logistic3A_11, %logistic3A_9 : vector<1600x128xf32>
    %logistic3A_13 = arith.divf %logistic3A_11, %logistic3A_12 : vector<1600x128xf32>
    %slice3A_14 = vector.extract_strided_slice %get3A_1 {offsets = [0, 128], sizes = [1600, 128], strides = [1, 1]} : vector<1600x256xf32> to vector<1600x128xf32>
    %mul3A = arith.mulf %logistic3A_13, %slice3A_14 : vector<1600x128xf32>
    %concatenate3A = tpu.concatenate %mul3A, %logistic3A_13 in 1 : vector<1600x128xf32>, vector<1600x128xf32> -> vector<1600x256xf32>
    %swap3A = arith.constant 0 : index
    %swap3A_15 = arith.constant 0 : index
    %swap3A_16 = vector.load %arg4[%swap3A, %swap3A_15] : memref<1600x256xf32, #tpu.memory_space<vmem>>, vector<1600x256xf32>
    tpu.vector_store %arg4[%swap3A, %swap3A_15], %concatenate3A {strides = array<i32>} : memref<1600x256xf32, #tpu.memory_space<vmem>>, vector<1600x256xf32>,
    %max3A = arith.constant 0.000000e+00 : f32
    %max3A_17 = vector.broadcast %max3A : f32 to vector<1600x128xf32>
    %max3A_18 = arith.maximumf %add3A_8, %max3A_17 : vector<1600x128xf32>
    %swap3A_19 = arith.constant 0 : index
    %swap3A_20 = arith.constant 0 : index
    %swap3A_21 = vector.load %arg5[%swap3A_19, %swap3A_20] : memref<1600x128xf32, #tpu.memory_space<vmem>>, vector<1600x128xf32>
    tpu.vector_store %arg5[%swap3A_19, %swap3A_20], %max3A_18 {strides = array<i32>} : memref<1600x128xf32, #tpu.memory_space<vmem>>, vector<1600x128xf32>,
    return
  }
  func.func @transform_0(%arg0: i32) -> (i32, i32) {
    %c0_i32 = arith.constant 0 : i32
    %c0_i32_0 = arith.constant 0 : i32
    return %arg0, %c0_i32 : i32, i32
  }
  func.func @transform_1(%arg0: i32) -> (i32, i32) {
    %c0_i32 = arith.constant 0 : i32
    %c0_i32_0 = arith.constant 0 : i32
    return %arg0, %c0_i32 : i32, i32
  }
  func.func @transform_2(%arg0: i32) -> (i32, i32) {
    %c0_i32 = arith.constant 0 : i32
    %c0_i32_0 = arith.constant 0 : i32
    return %arg0, %c0_i32 : i32, i32
  }
  func.func @transform_3(%arg0: i32) -> (i32, i32) {
    %c0_i32 = arith.constant 0 : i32
    %c0_i32_0 = arith.constant 0 : i32
    return %arg0, %c0_i32 : i32, i32
  }
  func.func @transform_4(%arg0: i32) -> (i32, i32) {
    %c0_i32 = arith.constant 0 : i32
    %c0_i32_0 = arith.constant 0 : i32
    return %arg0, %c0_i32 : i32, i32
  }
}

module attributes {stable_mosaic.version = 14 : i64} {
  func.func @_edge_linear_body(%arg0: i32, %arg1: memref<1600x128xf32, #tpu.memory_space<vmem>>, %arg2: memref<128x128xf32, #tpu.memory_space<vmem>>, %arg3: memref<1x128xf32, #tpu.memory_space<vmem>>, %arg4: memref<1600x128xf32, #tpu.memory_space<vmem>>) attributes {dimension_semantics = [#tpu.dimension_semantics<arbitrary>], iteration_bounds = array<i64: 200>, scalar_prefetch = 0 : i64, scratch_operands = 0 : i64, tpu.core_type = #tpu.core_type<tc>, window_params = [{transform_indices = @transform_0, window_bounds = array<i64: 1600, 128>}, {pipeline_mode = #tpu.pipeline_mode<synchronous>, transform_indices = @transform_1, window_bounds = array<i64: 128, 128>}, {pipeline_mode = #tpu.pipeline_mode<synchronous>, transform_indices = @transform_2, window_bounds = array<i64: 1, 128>}, {transform_indices = @transform_3, window_bounds = array<i64: 1600, 128>}]} {
    %get3A = arith.constant 0 : index
    %get3A_0 = arith.constant 0 : index
    %get3A_1 = vector.load %arg1[%get3A, %get3A_0] : memref<1600x128xf32, #tpu.memory_space<vmem>>, vector<1600x128xf32>
    %get3A_2 = arith.constant 0 : index
    %get3A_3 = arith.constant 0 : index
    %get3A_4 = vector.load %arg2[%get3A_2, %get3A_3] : memref<128x128xf32, #tpu.memory_space<vmem>>, vector<128x128xf32>
    %dot_general3A = arith.constant dense<0.000000e+00> : vector<1600x128xf32>
    %dot_general3A_5 = tpu.matmul %get3A_1, %get3A_4, %dot_general3A {dimension_numbers = #tpu.dot_dimension_numbers<[1], [0], [0], [1], [0, 0, 1, 1], [], []>, transpose_lhs_hint = false} : vector<1600x128xf32>, vector<128x128xf32>, vector<1600x128xf32> -> vector<1600x128xf32>
    %get3A_6 = arith.constant 0 : index
    %get3A_7 = arith.constant 0 : index
    %get3A_8 = vector.load %arg3[%get3A_6, %get3A_7] : memref<1x128xf32, #tpu.memory_space<vmem>>, vector<1x128xf32>
    %add3A = vector.broadcast %get3A_8 : vector<1x128xf32> to vector<1600x128xf32>
    %add3A_9 = arith.addf %dot_general3A_5, %add3A : vector<1600x128xf32>
    %swap3A = arith.constant 0 : index
    %swap3A_10 = arith.constant 0 : index
    %swap3A_11 = vector.load %arg4[%swap3A, %swap3A_10] : memref<1600x128xf32, #tpu.memory_space<vmem>>, vector<1600x128xf32>
    tpu.vector_store %arg4[%swap3A, %swap3A_10], %add3A_9 {strides = array<i32>} : memref<1600x128xf32, #tpu.memory_space<vmem>>, vector<1600x128xf32>,
    return
  }
  func.func @transform_0(%arg0: i32) -> (i32, i32) {
    %c0_i32 = arith.constant 0 : i32
    %c0_i32_0 = arith.constant 0 : i32
    return %arg0, %c0_i32 : i32, i32
  }
  func.func @transform_1(%arg0: i32) -> (i32, i32) {
    %c0_i32 = arith.constant 0 : i32
    %c0_i32_0 = arith.constant 0 : i32
    %c0_i32_1 = arith.constant 0 : i32
    return %c0_i32, %c0_i32_0 : i32, i32
  }
  func.func @transform_2(%arg0: i32) -> (i32, i32) {
    %c0_i32 = arith.constant 0 : i32
    %c0_i32_0 = arith.constant 0 : i32
    %c0_i32_1 = arith.constant 0 : i32
    return %c0_i32, %c0_i32_0 : i32, i32
  }
  func.func @transform_3(%arg0: i32) -> (i32, i32) {
    %c0_i32 = arith.constant 0 : i32
    %c0_i32_0 = arith.constant 0 : i32
    return %arg0, %c0_i32 : i32, i32
  }
}

module attributes {stable_mosaic.version = 14 : i64} {
  func.func @_edge_elem_body(%arg0: i32, %arg1: memref<1600x256xf32, #tpu.memory_space<vmem>>, %arg2: memref<1600x128xf32, #tpu.memory_space<vmem>>, %arg3: memref<1600x128xf32, #tpu.memory_space<vmem>>, %arg4: memref<1600x256xf32, #tpu.memory_space<vmem>>, %arg5: memref<1600x128xf32, #tpu.memory_space<vmem>>) attributes {dimension_semantics = [#tpu.dimension_semantics<arbitrary>], iteration_bounds = array<i64: 200>, scalar_prefetch = 0 : i64, scratch_operands = 0 : i64, tpu.core_type = #tpu.core_type<tc>, window_params = [{transform_indices = @transform_0, window_bounds = array<i64: 1600, 256>}, {transform_indices = @transform_1, window_bounds = array<i64: 1600, 128>}, {transform_indices = @transform_2, window_bounds = array<i64: 1600, 128>}, {transform_indices = @transform_3, window_bounds = array<i64: 1600, 256>}, {transform_indices = @transform_4, window_bounds = array<i64: 1600, 128>}]} {
    %get3A = arith.constant 0 : index
    %get3A_0 = arith.constant 0 : index
    %get3A_1 = vector.load %arg1[%get3A, %get3A_0] : memref<1600x256xf32, #tpu.memory_space<vmem>>, vector<1600x256xf32>
    %slice3A = vector.extract_strided_slice %get3A_1 {offsets = [0, 0], sizes = [1600, 128], strides = [1, 1]} : vector<1600x256xf32> to vector<1600x128xf32>
    %get3A_2 = arith.constant 0 : index
    %get3A_3 = arith.constant 0 : index
    %get3A_4 = vector.load %arg2[%get3A_2, %get3A_3] : memref<1600x128xf32, #tpu.memory_space<vmem>>, vector<1600x128xf32>
    %add3A = arith.addf %slice3A, %get3A_4 : vector<1600x128xf32>
    %get3A_5 = arith.constant 0 : index
    %get3A_6 = arith.constant 0 : index
    %get3A_7 = vector.load %arg3[%get3A_5, %get3A_6] : memref<1600x128xf32, #tpu.memory_space<vmem>>, vector<1600x128xf32>
    %add3A_8 = arith.addf %add3A, %get3A_7 : vector<1600x128xf32>
    %logistic3A = arith.negf %add3A_8 : vector<1600x128xf32>
    %logistic3A_9 = math.exp %logistic3A : vector<1600x128xf32>
    %logistic3A_10 = arith.constant 1.000000e+00 : f32
    %logistic3A_11 = vector.broadcast %logistic3A_10 : f32 to vector<1600x128xf32>
    %logistic3A_12 = arith.addf %logistic3A_11, %logistic3A_9 : vector<1600x128xf32>
    %logistic3A_13 = arith.divf %logistic3A_11, %logistic3A_12 : vector<1600x128xf32>
    %slice3A_14 = vector.extract_strided_slice %get3A_1 {offsets = [0, 128], sizes = [1600, 128], strides = [1, 1]} : vector<1600x256xf32> to vector<1600x128xf32>
    %mul3A = arith.mulf %logistic3A_13, %slice3A_14 : vector<1600x128xf32>
    %concatenate3A = tpu.concatenate %mul3A, %logistic3A_13 in 1 : vector<1600x128xf32>, vector<1600x128xf32> -> vector<1600x256xf32>
    %swap3A = arith.constant 0 : index
    %swap3A_15 = arith.constant 0 : index
    %swap3A_16 = vector.load %arg4[%swap3A, %swap3A_15] : memref<1600x256xf32, #tpu.memory_space<vmem>>, vector<1600x256xf32>
    tpu.vector_store %arg4[%swap3A, %swap3A_15], %concatenate3A {strides = array<i32>} : memref<1600x256xf32, #tpu.memory_space<vmem>>, vector<1600x256xf32>,
    %max3A = arith.constant 0.000000e+00 : f32
    %max3A_17 = vector.broadcast %max3A : f32 to vector<1600x128xf32>
    %max3A_18 = arith.maximumf %add3A_8, %max3A_17 : vector<1600x128xf32>
    %swap3A_19 = arith.constant 0 : index
    %swap3A_20 = arith.constant 0 : index
    %swap3A_21 = vector.load %arg5[%swap3A_19, %swap3A_20] : memref<1600x128xf32, #tpu.memory_space<vmem>>, vector<1600x128xf32>
    tpu.vector_store %arg5[%swap3A_19, %swap3A_20], %max3A_18 {strides = array<i32>} : memref<1600x128xf32, #tpu.memory_space<vmem>>, vector<1600x128xf32>,
    return
  }
  func.func @transform_0(%arg0: i32) -> (i32, i32) {
    %c0_i32 = arith.constant 0 : i32
    %c0_i32_0 = arith.constant 0 : i32
    return %arg0, %c0_i32 : i32, i32
  }
  func.func @transform_1(%arg0: i32) -> (i32, i32) {
    %c0_i32 = arith.constant 0 : i32
    %c0_i32_0 = arith.constant 0 : i32
    return %arg0, %c0_i32 : i32, i32
  }
  func.func @transform_2(%arg0: i32) -> (i32, i32) {
    %c0_i32 = arith.constant 0 : i32
    %c0_i32_0 = arith.constant 0 : i32
    return %arg0, %c0_i32 : i32, i32
  }
  func.func @transform_3(%arg0: i32) -> (i32, i32) {
    %c0_i32 = arith.constant 0 : i32
    %c0_i32_0 = arith.constant 0 : i32
    return %arg0, %c0_i32 : i32, i32
  }
  func.func @transform_4(%arg0: i32) -> (i32, i32) {
    %c0_i32 = arith.constant 0 : i32
    %c0_i32_0 = arith.constant 0 : i32
    return %arg0, %c0_i32 : i32, i32
  }
}

module attributes {stable_mosaic.version = 14 : i64} {
  func.func @_node_final_body(%arg0: i32, %arg1: memref<400x128xf32, #tpu.memory_space<vmem>>, %arg2: memref<400x256xf32, #tpu.memory_space<vmem>>, %arg3: memref<400x128xf32, #tpu.memory_space<vmem>>) attributes {dimension_semantics = [#tpu.dimension_semantics<arbitrary>], iteration_bounds = array<i64: 25>, scalar_prefetch = 0 : i64, scratch_operands = 0 : i64, tpu.core_type = #tpu.core_type<tc>, window_params = [{transform_indices = @transform_0, window_bounds = array<i64: 400, 128>}, {transform_indices = @transform_1, window_bounds = array<i64: 400, 256>}, {transform_indices = @transform_2, window_bounds = array<i64: 400, 128>}]} {
    %get3A = arith.constant 0 : index
    %get3A_0 = arith.constant 0 : index
    %get3A_1 = vector.load %arg2[%get3A, %get3A_0] : memref<400x256xf32, #tpu.memory_space<vmem>>, vector<400x256xf32>
    %get3A_2 = arith.constant 0 : index
    %get3A_3 = arith.constant 0 : index
    %get3A_4 = vector.load %arg1[%get3A_2, %get3A_3] : memref<400x128xf32, #tpu.memory_space<vmem>>, vector<400x128xf32>
    %slice3A = vector.extract_strided_slice %get3A_1 {offsets = [0, 0], sizes = [400, 128], strides = [1, 1]} : vector<400x256xf32> to vector<400x128xf32>
    %slice3A_5 = vector.extract_strided_slice %get3A_1 {offsets = [0, 128], sizes = [400, 128], strides = [1, 1]} : vector<400x256xf32> to vector<400x128xf32>
    %add3A = arith.constant 9.99999997E-7 : f32
    %add3A_6 = vector.broadcast %add3A : f32 to vector<400x128xf32>
    %add3A_7 = arith.addf %slice3A_5, %add3A_6 : vector<400x128xf32>
    %div3A = arith.divf %slice3A, %add3A_7 : vector<400x128xf32>
    %add3A_8 = arith.addf %get3A_4, %div3A : vector<400x128xf32>
    %max3A = arith.constant 0.000000e+00 : f32
    %max3A_9 = vector.broadcast %max3A : f32 to vector<400x128xf32>
    %max3A_10 = arith.maximumf %add3A_8, %max3A_9 : vector<400x128xf32>
    %swap3A = arith.constant 0 : index
    %swap3A_11 = arith.constant 0 : index
    %swap3A_12 = vector.load %arg3[%swap3A, %swap3A_11] : memref<400x128xf32, #tpu.memory_space<vmem>>, vector<400x128xf32>
    tpu.vector_store %arg3[%swap3A, %swap3A_11], %max3A_10 {strides = array<i32>} : memref<400x128xf32, #tpu.memory_space<vmem>>, vector<400x128xf32>,
    return
  }
  func.func @transform_0(%arg0: i32) -> (i32, i32) {
    %c0_i32 = arith.constant 0 : i32
    %c0_i32_0 = arith.constant 0 : i32
    return %arg0, %c0_i32 : i32, i32
  }
  func.func @transform_1(%arg0: i32) -> (i32, i32) {
    %c0_i32 = arith.constant 0 : i32
    %c0_i32_0 = arith.constant 0 : i32
    return %arg0, %c0_i32 : i32, i32
  }
  func.func @transform_2(%arg0: i32) -> (i32, i32) {
    %c0_i32 = arith.constant 0 : i32
    %c0_i32_0 = arith.constant 0 : i32
    return %arg0, %c0_i32 : i32, i32
  }
}

module attributes {stable_mosaic.version = 14 : i64} {
  func.func @_node_final_body(%arg0: i32, %arg1: memref<1600x128xf32, #tpu.memory_space<vmem>>, %arg2: memref<1600x256xf32, #tpu.memory_space<vmem>>, %arg3: memref<1600x128xf32, #tpu.memory_space<vmem>>) attributes {dimension_semantics = [#tpu.dimension_semantics<arbitrary>], iteration_bounds = array<i64: 100>, scalar_prefetch = 0 : i64, scratch_operands = 0 : i64, tpu.core_type = #tpu.core_type<tc>, window_params = [{transform_indices = @transform_0, window_bounds = array<i64: 1600, 128>}, {transform_indices = @transform_1, window_bounds = array<i64: 1600, 256>}, {transform_indices = @transform_2, window_bounds = array<i64: 1600, 128>}]} {
    %get3A = arith.constant 0 : index
    %get3A_0 = arith.constant 0 : index
    %get3A_1 = vector.load %arg2[%get3A, %get3A_0] : memref<1600x256xf32, #tpu.memory_space<vmem>>, vector<1600x256xf32>
    %get3A_2 = arith.constant 0 : index
    %get3A_3 = arith.constant 0 : index
    %get3A_4 = vector.load %arg1[%get3A_2, %get3A_3] : memref<1600x128xf32, #tpu.memory_space<vmem>>, vector<1600x128xf32>
    %slice3A = vector.extract_strided_slice %get3A_1 {offsets = [0, 0], sizes = [1600, 128], strides = [1, 1]} : vector<1600x256xf32> to vector<1600x128xf32>
    %slice3A_5 = vector.extract_strided_slice %get3A_1 {offsets = [0, 128], sizes = [1600, 128], strides = [1, 1]} : vector<1600x256xf32> to vector<1600x128xf32>
    %add3A = arith.constant 9.99999997E-7 : f32
    %add3A_6 = vector.broadcast %add3A : f32 to vector<1600x128xf32>
    %add3A_7 = arith.addf %slice3A_5, %add3A_6 : vector<1600x128xf32>
    %div3A = arith.divf %slice3A, %add3A_7 : vector<1600x128xf32>
    %add3A_8 = arith.addf %get3A_4, %div3A : vector<1600x128xf32>
    %max3A = arith.constant 0.000000e+00 : f32
    %max3A_9 = vector.broadcast %max3A : f32 to vector<1600x128xf32>
    %max3A_10 = arith.maximumf %add3A_8, %max3A_9 : vector<1600x128xf32>
    %swap3A = arith.constant 0 : index
    %swap3A_11 = arith.constant 0 : index
    %swap3A_12 = vector.load %arg3[%swap3A, %swap3A_11] : memref<1600x128xf32, #tpu.memory_space<vmem>>, vector<1600x128xf32>
    tpu.vector_store %arg3[%swap3A, %swap3A_11], %max3A_10 {strides = array<i32>} : memref<1600x128xf32, #tpu.memory_space<vmem>>, vector<1600x128xf32>,
    return
  }
  func.func @transform_0(%arg0: i32) -> (i32, i32) {
    %c0_i32 = arith.constant 0 : i32
    %c0_i32_0 = arith.constant 0 : i32
    return %arg0, %c0_i32 : i32, i32
  }
  func.func @transform_1(%arg0: i32) -> (i32, i32) {
    %c0_i32 = arith.constant 0 : i32
    %c0_i32_0 = arith.constant 0 : i32
    return %arg0, %c0_i32 : i32, i32
  }
  func.func @transform_2(%arg0: i32) -> (i32, i32) {
    %c0_i32 = arith.constant 0 : i32
    %c0_i32_0 = arith.constant 0 : i32
    return %arg0, %c0_i32 : i32, i32
  }
}

</mosaic_0001>

<sc_bundles>
// kernel: kernel.12.cloned.1.call-start
scs
__scs_entry_jumppad:
0x0: {  	(pc) =	sbr.rel $0x88, $3  }
0x1: {  	(tag) =	ssettag $0x0;
	lr =	simm.s32 $0x1  }
0x2: {  	[smem:$0x3F98] =	sst lr;
	_ =	strace $0xD0000000  }
0x3: {  	_ = 	snop  }
0x4: {  	_ = 	snop  }
0x5: {  	_ = 	snop  }
0x6: {  	_ = 	snop  }
0x7: {  	_ = 	snop  }
__scs_overlays_trampoline_lowered:
0x8: {  	[smem:$0x3FA7] =	sst s0  }
0x9: {  	[smem:$0x3FA8] =	sst s1  }
0xa: {  	[smem:$0x3FA9] =	sst s2  }
0xb: {  	[smem:$0x3FAA] =	sst s3  }
0xc: {  	[smem:$0x3FAB] =	sst s4  }
0xd: {  	[smem:$0x3FAC] =	sst s5  }
0xe: {  	[smem:$0x3FAD] =	sst s6  }
0xf: {  	[smem:$0x3FAE] =	sst s7  }
0x10: {  	[smem:$0x3FAF] =	sst s8  }
0x11: {  	[smem:$0x3FB0] =	sst s9;
	s0 =	simm.s32 @!p0 $0x0  }
0x12: {  	s1 =	sld [smem:$0x3F96];
	s0 =	simm.s32 @p0 $0x1  }
0x13: {  	[smem:$0x3FB1] =	sst s0;
	s0 =	simm.s32 @!p1 $0x0  }
0x14: {  	s2 =	sld [smem:$0x3F95];
	s0 =	simm.s32 @p1 $0x1  }
0x15: {  	[smem:$0x3FB2] =	sst s0;
	s0 =	simm.s32 @!p2 $0x0  }
0x16: {  	s3 =	sld [smem:$0x3FDB];
	s0 =	simm.s32 @p2 $0x1  }
0x17: {  	s4 =	simm.s32 $0x1BF5;
	[smem:$0x3FB4] =	sst s0  }
0x18: {  	s0 =	sld [smem:$0x3F97];
	_ =	swait.ge [sflag:s4], $0x0  }
0x19: {  	s7 =	sld [smem:$0x3F98]  }
0x1a: {  	s8 =	sadd.s32 $0xFFFFE003, lr  }
0x1b: {  	s9 =	sadd.s32 $0xFFFFFEF7, lr;
	s5 =	simm.s32 $0xFFFFFFFF;
	p2 =	slt.u32 s8, $0xFFFFF086  }
0x1c: {  	p1 =	slt.u32 s9, $0xF7A;
	s5 =	simm.s32 @!p2 $0x0  }
0x1d: {  	s5 =	simm.s32 @p1 $0x1;
	p0 =	seq.s32 s7, s2  }
0x1e: {  	s7 =	smul.u32 @!p0 $0xF7A, s2;
	p2 =	seq.s32 @!p0 s5, $0x0  }
0x1f: {  	s9 =	smul.u32 $0xF7A, s1;
	s8 =	simm.s32 @!p0 $0x1BF5;
	p2 =	por !p2, p0  }
0x20: {  	[sflag:s8] =	ssyncset.s32 @!p0 $0xFFFFF086;
	s6 =	sadd.s32 @!p0 s3, s7;
	s7 =	simm.s32 @!p0 $0x108  }
0x21: {  	s3 =	sadd.s32 s3, s9;
	s6 =	sadd.s32 @!p0 $0x88, s6;
	s7 =	simm.s32 @p2 $0x1082  }
0x22: {  	[simem:s7], [sflag:s8] =	dma.local @!p0 [hbm:s6], $0xF7A  }
0x23: {  	s9 =	sor.u32 $0xD0000000, s2;
	s6 =	simm.s32 $0x108;
	_ =	swait.ge @!p0 [sflag:s8], $0x0  }
0x24: {  	s3 =	sadd.s32 $0x88, s3;
	s6 =	simm.s32 @!p1 $0x1082;
	[sflag:s4] =	ssyncset.s32 $0xFFFFF086  }
0x25: {  	[simem:s6], [sflag:s4] =	dma.local [hbm:s3], $0xF7A  }
0x26: {  	[smem:$0x3F98] =	sst s1;
	(tag) =	ssettag s2;
	_ =	strace s9  }
0x27: {  	s1 =	sld [smem:$0x3FA8]  }
0x28: {  	s2 =	sld [smem:$0x3FA9]  }
0x29: {  	s4 =	sld [smem:$0x3FAB]  }
0x2a: {  	p0 =	seq.s32 s5, $0x0;
	s5 =	sld [smem:$0x3FAC]  }
0x2b: {  	s6 =	sld [smem:$0x3FAD]  }
0x2c: {  	s7 =	sld [smem:$0x3FAE]  }
0x2d: {  	s3 =	simm.s32 $0x108;
	s8 =	sld [smem:$0x3FAF]  }
0x2e: {  	s3 =	simm.s32 @!p0 $0x1082;
	s9 =	sld [smem:$0x3FB0]  }
0x2f: {  	lr =	sadd.s32 s0, s3;
	s0 =	sld [smem:$0x3FA7]  }
0x30: {  	s3 =	sld [smem:$0x3FAA]  }
0x31: {  	[smem:$0x3FB3] =	sst s10  }
0x32: {  	s10 =	sld [smem:$0x3FB1];
	_ =	sdelay $0x3  }
0x33: {  	p0 =	seq.s32 s10, $0x1;
	s10 =	sld [smem:$0x3FB3];
	_ =	sdelay $0x3  }
0x34: {  	[smem:$0x3FB3] =	sst s10  }
0x35: {  	s10 =	sld [smem:$0x3FB2];
	_ =	sdelay $0x3  }
0x36: {  	p1 =	seq.s32 s10, $0x1;
	s10 =	sld [smem:$0x3FB3];
	_ =	sdelay $0x3  }
0x37: {  	[smem:$0x3FB3] =	sst s10  }
0x38: {  	s10 =	sld [smem:$0x3FB4]  }
0x39: {  	_ = 	snop;
	(pc) =	sbr.ind lr, $3  }
0x3a: {  	_ = 	snop  }
0x3b: {  	_ = 	snop  }
0x3c: {  	p2 =	seq.s32 s10, $0x1;
	s10 =	sld [smem:$0x3FB3]  }
0x3d: {  	_ =	shalt  }
0x3e: {  	_ =	shalt  }
0x3f: {  	_ =	shalt  }
0x40: {  	_ =	shalt  }
0x41: {  	_ =	shalt  }
0x42: {  	_ =	shalt  }
0x43: {  	_ =	shalt  }
0x44: {  	_ =	shalt  }
0x45: {  	_ =	shalt  }
0x46: {  	_ =	shalt  }
0x47: {  	_ =	shalt  }
0x48: {  	_ =	shalt  }
0x49: {  	_ =	shalt  }
0x4a: {  	_ =	shalt  }
0x4b: {  	_ =	shalt  }
0x4c: {  	_ =	shalt  }
0x4d: {  	_ =	shalt  }
0x4e: {  	_ =	shalt  }
0x4f: {  	_ =	shalt  }
0x50: {  	_ =	shalt  }
0x51: {  	_ =	shalt  }
0x52: {  	_ =	shalt  }
0x53: {  	_ =	shalt  }
0x54: {  	_ =	shalt  }
0x55: {  	_ =	shalt  }
0x56: {  	_ =	shalt  }
0x57: {  	_ =	shalt  }
0x58: {  	_ =	shalt  }
0x59: {  	_ =	shalt  }
0x5a: {  	_ =	shalt  }
0x5b: {  	_ =	shalt  }
0x5c: {  	_ =	shalt  }
0x5d: {  	_ =	shalt  }
0x5e: {  	_ =	shalt  }
0x5f: {  	_ =	shalt  }
0x60: {  	_ =	shalt  }
0x61: {  	_ =	shalt  }
0x62: {  	_ =	shalt  }
0x63: {  	_ =	shalt  }
0x64: {  	_ =	shalt  }
0x65: {  	_ =	shalt  }
0x66: {  	_ =	shalt  }
0x67: {  	_ =	shalt  }
0x68: {  	_ =	shalt  }
0x69: {  	_ =	shalt  }
0x6a: {  	_ =	shalt  }
0x6b: {  	_ =	shalt  }
0x6c: {  	_ =	shalt  }
0x6d: {  	_ =	shalt  }
0x6e: {  	_ =	shalt  }
0x6f: {  	_ =	shalt  }
0x70: {  	_ =	shalt  }
0x71: {  	_ =	shalt  }
0x72: {  	_ =	shalt  }
0x73: {  	_ =	shalt  }
0x74: {  	_ =	shalt  }
0x75: {  	_ =	shalt  }
0x76: {  	_ =	shalt  }
0x77: {  	_ =	shalt  }
0x78: {  	_ =	shalt  }
0x79: {  	_ =	shalt  }
0x7a: {  	_ =	shalt  }
0x7b: {  	_ =	shalt  }
0x7c: {  	_ =	shalt  }
0x7d: {  	_ =	shalt  }
0x7e: {  	_ =	shalt  }
0x7f: {  	_ =	shalt  }
0x80: {  	_ =	shalt  }
0x81: {  	_ =	shalt  }
0x82: {  	_ =	shalt  }
0x83: {  	_ =	shalt  }
0x84: {  	_ =	shalt  }
0x85: {  	_ =	shalt  }
0x86: {  	_ =	shalt  }
0x87: {  	_ =	shalt  }
.Lfunc_end0:
.L_simem_size_0:
called_computation.2_lowered:
.L_overlay_start_0:
0x88: {  	s2 =	sld [smem:$0x3FD9]  }
0x89: {  	s3 =	sld [smem:$0x3FFE];
	_ =	sdelay $0x1  }
0x8a: {  	s1 =	srdreg.scid  }
0x8b: {  	s0 =	sand.u32 $0x1, s1  }
0x8c: {  	s14 =	sshll.u32 s0, $0xA;
	s2 =	sadd.s32 s3, s2  }
0x8d: {  	s2 =	sadd.s32 s2, s14  }
0x8e: {  	[smem:$0x3FBF] =	sst s2  }
0x8f: {  	_ = 	snop  }
0x90: {  	s2 =	sld [smem:$0x3FD0];
	_ =	sdelay $0x2  }
0x91: {  	s15 =	simm.s32 $0xB;
	s4 =	simm.s32 $0x10  }
0x92: {  	[smem:s4], [sflag:s15] =	dma.local [hbm:s2], $0x1  }
0x93: {  	_ =	swait.eq [sflag:s15], $0x1  }
0x94: {  	[sflag:s15] =	ssyncset.done $0x0  }
0x95: {  	[sflag:s15] =	ssyncadd.s32 $0xFFFFFFFF  }
0x96: {  	s16 =	sld [smem:$0x12];
	(tm) =	ssettm $0x1  }
0x97: {  	s17 =	sld [smem:$0x3FFB];
	_ =	sdelay $0x3  }
0x98: {  	_ =	strace s17  }
0x99: {  	s3 =	sld [smem:$0x3FFC];
	_ =	sdelay $0x3  }
0x9a: {  	_ =	strace s3  }
0x9b: {  	s3 =	sld [smem:$0x3FFD];
	_ =	sdelay $0x3  }
0x9c: {  	_ =	strace s3  }
0x9d: {  	_ =	strace $0x8FFFFFFF  }
0x9e: {  	s18 =	sld [smem:$0x3FDB];
	_ =	sdelay $0x1  }
0x9f: {  	s19 =	simm.s32 $_scs_section_size  }
0xa0: {  	s5 =	simm.s32 $_size__tile_overlayer_lowered;
	s6 =	simm.s32 $_tile_overlayer_lowered  }
0xa1: {  	s22 =	simm.s32 $0x1BFF;
	s21 =	sshll.u32 s6, $0x1;
	s3 =	sadd.s32 s19, s18  }
0xa2: {  	s7 =	simm.s32 $0x0;
	s20 =	sshll.u32 s5, $0x1;
	s5 =	sadd.s32 s21, s3  }
0xa3: {  	[timem:s7], [sflag:s22] =	dma.local [hbm:s5], s20  }
0xa4: {  	_ =	swait.ge [sflag:s22], s20  }
0xa5: {  	s4 =	ssub.s32 $0x0, s20;
	[sflag:s22] =	ssyncset.done $0x0  }
0xa6: {  	[sflag:s22] =	ssyncadd.s32 s4;
	_ =	sdelay $0x1  }
0xa7: {  	s23 =	simm.s32 $0x1B8B  }
0xa8: {  	_ =	swait.ge [sflag:s23], $0x1  }
0xa9: {  	[sflag:s23] =	ssyncset.done $0x0  }
0xaa: {  	s25 =	simm.s32 $0x1B8E;
	s24 =	sld [smem:$0x3FFE];
	[sflag:s23] =	ssyncadd.s32 $0xFFFFFFFF  }
0xab: {  	s26 =	simm.s32 $execute0_lowered;
	[smem:$0x3FD2] =	sst s25  }
0xac: {  	s5 =	sshll.u32 s26, $0x1;
	_ =	strace $0x80000046;
	[dreg:$0x1] =	wrdreg $0xFFFFFFFF  }
0xad: {  	s28 =	simm.s32 $_size_execute0_lowered;
	s3 =	sadd.s32 s3, s5;
	[dreg:$0x0] =	wrdreg $0x0  }
0xae: {  	s5 =	sshll.u32 s28, $0x1;
	[dreg:$0x2] =	wrdreg s3  }
0xaf: {  	[dreg:$0x3] =	wrdreg s5  }
0xb0: {  	[dreg:$0x4] =	wrdreg $0xC0  }
0xb1: {  	_ =	task [dreg:s7], $0x5FFFF  }
0xb2: {  	[dreg:$0x1] =	wrdreg $0xFFFFFFFF  }
0xb3: {  	[dreg:$0x0] =	wrdreg $0x60  }
0xb4: {  	[dreg:$0x2] =	wrdreg s24  }
0xb5: {  	[dreg:$0x3] =	wrdreg s16  }
0xb6: {  	[dreg:$0x4] =	wrdreg $0x9  }
0xb7: {  	_ =	task.clear_ibuf [dreg:s7], $0x5FFFF;
	_ =	strace $0x90000046  }
0xb8: {  	s29 =	simm.s32 $0x9;
	_ =	strace $0x80000048  }
0xb9: {  	_ =	swait.ge [sflag:s29], $0x1  }
0xba: {  	[sflag:s29] =	ssyncadd.s32 $0xFFFFFFFF  }
0xbb: {  	_ =	strace $0x90000048  }
0xbc: {  	_ =	sfence  }
0xbd: {  	s30 =	sld [smem:$0x0];
	_ =	sdelay $0x2  }
0xbe: {  	s31 =	sshll.u32 s1, $0xD;
	s1 =	sshrl.u32 s1, $0x2  }
0xbf: {  	s3 =	sand.u32 $0x4000, s31;
	s1 =	sadd.s32 s1, s30  }
0xc0: {  	s0 =	sor.u32 s3, s0;
	s1 =	sshll.u32 s1, $0x11  }
0xc1: {  	s0 =	sor.u32 s1, s0  }
0xc2: {  	s0 =	sadd.s32 $0x8F2B, s0  }
0xc3: {  	[sflag:s0] =	ssyncadd.remote.s32 $0x1  }
0xc4: {  	_ =	sfence.sel $0xFFFF  }
0xc5: {  	[dreg:$0x0] =	wrdreg $0xFFFFFFFF;
	(pc) =	sbr.abs _section_cstart, $3  }
0xc6: {  	[dreg:$0x1] =	wrdreg $0xFFFFFFFF  }
0xc7: {  	_ =	task.clear_ibuf [dreg:s7], $0x2FFFF;
	_ =	strace $0x9FFFFFFF  }
0xc8: {  	(tm) =	ssettm $0x7FFFFFFF  }
0xc9: {  	_ =	shalt  }
tec
execute0_lowered:
.L_overlay_start_1:
0x0: {  	(tag) =	ssettag $0x1  }
0x1: {  	s1 =	rddreg [dreg:$0x0];
	s2 =	srdreg.scid  }
0x2: {  	s0 =	stileid.u32;
	s6 =	rddreg [dreg:$0x1]  }
0x3: {  	s17 =	simm.s32 $0xA00;
	s19 =	simm.s32 $0x1200;
	s20 =	simm.s32 $0x1A00  }
0x4: {  	s21 =	simm.s32 $0x2200;
	s7 =	sand.u32 $0x1, s2;
	s2 =	simm.s32 $0x0  }
0x5: {  	s23 =	simm.s32 $0x2A00;
	s13 =	sadd.s32 $0x58800, s1;
	[smem:$0x7FF] =	sst s2  }
0x6: {  	s24 =	simm.s32 $0x3200;
	_ =	strace $0x80000047;
	[dreg:$0x3] =	wrdreg s13  }
0x7: {  	s25 =	simm.s32 $0x3A00;
	s26 =	simm.s32 $0x4200;
	[dreg:$0x6] =	wrdreg s17  }
0x8: {  	s30 =	simm.s32 $0x4A00;
	s31 =	simm.s32 $0x5200;
	[dreg:$0x7] =	wrdreg s19  }
0x9: {  	s10 =	simm.s32 $0x5A00;
	s11 =	simm.s32 $0x6200;
	[dreg:$0x8] =	wrdreg s20  }
0xa: {  	s12 =	simm.s32 $0x6A00;
	s4 =	smul.u32 $0x2710, s0;
	[dreg:$0x9] =	wrdreg s21  }
0xb: {  	s28 =	simm.s32 $0x2;
	s8 =	smul.u32 $0x27100, s0;
	[dreg:$0xa] =	wrdreg s23  }
0xc: {  	s29 =	simm.s32 $0x0;
	s22 =	smul.u32 $0x4E200, s0;
	[dreg:$0xb] =	wrdreg s24  }
0xd: {  	s3 =	sadd.s32 $0xA600, s1;
	s5 =	smul.u32 $0x1388, s7;
	[dreg:$0xc] =	wrdreg s25  }
0xe: {  	s14 =	ssub.s32 $0x2, s7;
	s16 =	smul.u32 $0x13880, s7;
	[dreg:$0xd] =	wrdreg s26  }
0xf: {  	s7 =	smul.u32 $0x27100, s7;
	s15 =	sshrl.u32 s14, $0x1;
	[dreg:$0xe] =	wrdreg s30  }
0x10: {  	s6 =	sadd.s32 s22, s6;
	[dreg:$0xf] =	wrdreg s31;
	s13 =	simm.s32 $0x7200  }
0x11: {  	s17 =	simm.s32 $0x9200;
	s19 =	simm.s32 $0xA200;
	s20 =	simm.s32 $0xAA00  }
0x12: {  	s21 =	simm.s32 $0xB200;
	s22 =	simm.s32 $0xBA00;
	s23 =	simm.s32 $0xC200  }
0x13: {  	s24 =	simm.s32 $0xC8;
	s25 =	simm.s32 $0xCA00;
	s26 =	simm.s32 $0x1  }
0x14: {  	s4 =	sadd.s32 s5, s4;
	s5 =	ssub.s32 s14, s15;
	s6 =	sadd.s32 s7, s6  }
0x15: {  	s7 =	simm.s32 $0x3;
	s14 =	simm.s32 $0x7A00;
	s4 =	sshrl.u32 s4, $0x3  }
0x16: {  	s15 =	simm.s32 $0x8200;
	s18 =	smax.u32 s5, $0x1;
	s4 =	sadd.s32 s4, s1  }
0x17: {  	s1 =	sadd.s32 s8, s1;
	[dreg:$0x10] =	wrdreg s18;
	s8 =	simm.s32 $0x100  }
0x18: {  	v2 =	vlaneseq.u32;
	s18 =	simm.s32 $0x9A00;
	s9 =	sadd.s32 $0x5600, s4;
	s4 =	sadd.s32 $0x600, s4  }
0x19: {  	vm0 =	vmmov $0xffff;
	v1 =	vshrl.u32 v2, $0x3;
	s1 =	sadd.s32 s16, s1;
	s16 =	simm.s32 $0x8A00;
	[dreg:$0x4] =	wrdreg s9  }
0x1a: {  	v0 =	vand.u32 $0x7, v2;
	v2 =	vor.u32 $0x8, v2;
	v1 =	vmul.u32 $0x8, v1;
	[dreg:$0x5] =	wrdreg s4;
	s5 =	sadd.s32 $0x7FA00, s1;
	s9 =	simm.s32 $0x200  }
.LBB2_1:
0x1b: {  	s30 =	smov.u32 s6;
	s31 =	smov.u32 s5;
	s1 =	simm.s32 $0x0  }
.LBB2_2:
0x1c: {  	s0 =	rddreg [dreg:$0x5]  }
0x1d: {  	s0 =	sadd.s32 s1, s0  }
0x1e: {  	[tilespmem:s2], [sflag:$0x3] =	stream.linear.gather [hbm4b:s0+s2], $0xC8, $0x38;
	[tilespmem:$0x12E00] =	vst v63  }
0x1f: {  	_ =	swait.ge [sflag:s7], $0xC8  }
0x20: {  	s4 =	rddreg [dreg:$0x4];
	[sflag:s7] =	ssyncset.done $0x0  }
0x21: {  	[sflag:s7] =	ssyncadd.s32 $0xFFFFFF38;
	s0 =	sadd.s32 s1, s4  }
0x22: {  	[tilespmem:s8], [sflag:$0x3] =	stream.linear.gather [hbm4b:s0+s2], $0xC8, $0x38;
	[tilespmem:$0x12E00] =	vst v63  }
0x23: {  	_ =	swait.ge [sflag:s7], $0xC8  }
0x24: {  	[sflag:s7] =	ssyncset.done $0x0  }
0x25: {  	[sflag:s7] =	ssyncadd.s32 $0xFFFFFF38  }
0x26: {  	v3 =	vld [tilespmem:$0x0];
	_ =	sdelay $0x4  }
0x27: {  	v4 =	vshll.u32 v3, $0x1  }
0x28: {  	v3 =	vand.u32 $0x7, v3;
	v4 =	vand.u32 $0xFFFFFFF0, v4  }
0x29: {  	v3 =	vor.u32 v3, v4  }
0x2a: {  	v4 =	vperm.xlane v3, v0;
	_ =	sdelay $0x1  }
0x2b: {  	v3 =	vperm.xlane v3, v2;
	v4 =	vadd.s32 v1, v4;
	_ =	sdelay $0x1  }
0x2c: {  	v3 =	vadd.s32 v1, v3;
	_ =	sdelay $0x2  }
0x2d: {  	[tilespmem:s9], [sflag:$0x1] =	stream.indirect_vreg.gather [hbm4b:s3+s2], $0x80, v4, vm0, $0xb8;
	[tilespmem:$0x12E00] =	vst v63  }
0x2e: {  	s4 =	rddreg [dreg:$0x6]  }
0x2f: {  	[tilespmem:s4], [sflag:$0x1] =	stream.indirect_vreg.gather [hbm4b:s3+s2], $0x80, v3, vm0, $0xb8;
	[tilespmem:$0x12E00] =	vst v63  }
0x30: {  	v3 =	vld [tilespmem:$0x10];
	_ =	sdelay $0x4  }
0x31: {  	v52 =	vshll.u32 v3, $0x1  }
0x32: {  	v3 =	vand.u32 $0x7, v3;
	v4 =	vand.u32 $0xFFFFFFF0, v52  }
0x33: {  	v3 =	vor.u32 v3, v4  }
0x34: {  	v4 =	vperm.xlane v3, v0;
	_ =	sdelay $0x1  }
0x35: {  	v3 =	vperm.xlane v3, v2;
	v4 =	vadd.s32 v1, v4;
	_ =	sdelay $0x1  }
0x36: {  	v3 =	vadd.s32 v1, v3;
	_ =	sdelay $0x1  }
0x37: {  	s0 =	rddreg [dreg:$0x7]  }
0x38: {  	[tilespmem:s0], [sflag:$0x1] =	stream.indirect_vreg.gather [hbm4b:s3+s2], $0x80, v4, vm0, $0xb8;
	[tilespmem:$0x12E00] =	vst v63  }
0x39: {  	s4 =	rddreg [dreg:$0x8]  }
0x3a: {  	[tilespmem:s4], [sflag:$0x1] =	stream.indirect_vreg.gather [hbm4b:s3+s2], $0x80, v3, vm0, $0xb8;
	[tilespmem:$0x12E00] =	vst v63  }
0x3b: {  	v3 =	vld [tilespmem:$0x20];
	_ =	sdelay $0x4  }
0x3c: {  	v53 =	vshll.u32 v3, $0x1  }
0x3d: {  	v3 =	vand.u32 $0x7, v3;
	v4 =	vand.u32 $0xFFFFFFF0, v53  }
0x3e: {  	v3 =	vor.u32 v3, v4  }
0x3f: {  	v4 =	vperm.xlane v3, v0;
	_ =	sdelay $0x1  }
0x40: {  	v3 =	vperm.xlane v3, v2;
	v4 =	vadd.s32 v1, v4;
	_ =	sdelay $0x1  }
0x41: {  	v3 =	vadd.s32 v1, v3;
	_ =	sdelay $0x1  }
0x42: {  	s0 =	rddreg [dreg:$0x9]  }
0x43: {  	[tilespmem:s0], [sflag:$0x1] =	stream.indirect_vreg.gather [hbm4b:s3+s2], $0x80, v4, vm0, $0xb8;
	[tilespmem:$0x12E00] =	vst v63  }
0x44: {  	s4 =	rddreg [dreg:$0xa]  }
0x45: {  	[tilespmem:s4], [sflag:$0x1] =	stream.indirect_vreg.gather [hbm4b:s3+s2], $0x80, v3, vm0, $0xb8;
	[tilespmem:$0x12E00] =	vst v63  }
0x46: {  	v3 =	vld [tilespmem:$0x30];
	_ =	sdelay $0x4  }
0x47: {  	v54 =	vshll.u32 v3, $0x1  }
0x48: {  	v3 =	vand.u32 $0x7, v3;
	v4 =	vand.u32 $0xFFFFFFF0, v54  }
0x49: {  	v3 =	vor.u32 v3, v4  }
0x4a: {  	v4 =	vperm.xlane v3, v0;
	_ =	sdelay $0x1  }
0x4b: {  	v3 =	vperm.xlane v3, v2;
	v4 =	vadd.s32 v1, v4;
	_ =	sdelay $0x1  }
0x4c: {  	v3 =	vadd.s32 v1, v3;
	_ =	sdelay $0x1  }
0x4d: {  	s0 =	rddreg [dreg:$0xb]  }
0x4e: {  	[tilespmem:s0], [sflag:$0x1] =	stream.indirect_vreg.gather [hbm4b:s3+s2], $0x80, v4, vm0, $0xb8;
	[tilespmem:$0x12E00] =	vst v63  }
0x4f: {  	s4 =	rddreg [dreg:$0xc]  }
0x50: {  	[tilespmem:s4], [sflag:$0x1] =	stream.indirect_vreg.gather [hbm4b:s3+s2], $0x80, v3, vm0, $0xb8;
	[tilespmem:$0x12E00] =	vst v63  }
0x51: {  	v3 =	vld [tilespmem:$0x40];
	_ =	sdelay $0x4  }
0x52: {  	v55 =	vshll.u32 v3, $0x1  }
0x53: {  	v3 =	vand.u32 $0x7, v3;
	v4 =	vand.u32 $0xFFFFFFF0, v55  }
0x54: {  	v3 =	vor.u32 v3, v4  }
0x55: {  	v4 =	vperm.xlane v3, v0;
	_ =	sdelay $0x1  }
0x56: {  	v3 =	vperm.xlane v3, v2;
	v4 =	vadd.s32 v1, v4;
	_ =	sdelay $0x1  }
0x57: {  	v3 =	vadd.s32 v1, v3;
	_ =	sdelay $0x1  }
0x58: {  	s0 =	rddreg [dreg:$0xd]  }
0x59: {  	[tilespmem:s0], [sflag:$0x1] =	stream.indirect_vreg.gather [hbm4b:s3+s2], $0x80, v4, vm0, $0xb8;
	[tilespmem:$0x12E00] =	vst v63  }
0x5a: {  	s4 =	rddreg [dreg:$0xe]  }
0x5b: {  	[tilespmem:s4], [sflag:$0x1] =	stream.indirect_vreg.gather [hbm4b:s3+s2], $0x80, v3, vm0, $0xb8;
	[tilespmem:$0x12E00] =	vst v63  }
0x5c: {  	v3 =	vld [tilespmem:$0x50];
	_ =	sdelay $0x4  }
0x5d: {  	v56 =	vshll.u32 v3, $0x1  }
0x5e: {  	v3 =	vand.u32 $0x7, v3;
	v4 =	vand.u32 $0xFFFFFFF0, v56  }
0x5f: {  	v3 =	vor.u32 v3, v4  }
0x60: {  	v4 =	vperm.xlane v3, v0;
	_ =	sdelay $0x1  }
0x61: {  	v3 =	vperm.xlane v3, v2;
	v4 =	vadd.s32 v1, v4;
	_ =	sdelay $0x1  }
0x62: {  	v3 =	vadd.s32 v1, v3;
	_ =	sdelay $0x1  }
0x63: {  	s4 =	rddreg [dreg:$0xf]  }
0x64: {  	[tilespmem:s4], [sflag:$0x1] =	stream.indirect_vreg.gather [hbm4b:s3+s2], $0x80, v4, vm0, $0xb8;
	[tilespmem:$0x12E00] =	vst v63  }
0x65: {  	_ = 	snop  }
0x66: {  	[tilespmem:s10], [sflag:$0x1] =	stream.indirect_vreg.gather [hbm4b:s3+s2], $0x80, v3, vm0, $0xb8;
	[tilespmem:$0x12E00] =	vst v63  }
0x67: {  	v3 =	vld [tilespmem:$0x60];
	_ =	sdelay $0x4  }
0x68: {  	v57 =	vshll.u32 v3, $0x1  }
0x69: {  	v3 =	vand.u32 $0x7, v3;
	v4 =	vand.u32 $0xFFFFFFF0, v57  }
0x6a: {  	v3 =	vor.u32 v3, v4  }
0x6b: {  	v4 =	vperm.xlane v3, v0;
	_ =	sdelay $0x1  }
0x6c: {  	v3 =	vperm.xlane v3, v2;
	v4 =	vadd.s32 v1, v4;
	_ =	sdelay $0x1  }
0x6d: {  	v3 =	vadd.s32 v1, v3;
	_ =	sdelay $0x2  }
0x6e: {  	[tilespmem:s11], [sflag:$0x1] =	stream.indirect_vreg.gather [hbm4b:s3+s2], $0x80, v4, vm0, $0xb8;
	[tilespmem:$0x12E00] =	vst v63  }
0x6f: {  	_ = 	snop  }
0x70: {  	[tilespmem:s12], [sflag:$0x1] =	stream.indirect_vreg.gather [hbm4b:s3+s2], $0x80, v3, vm0, $0xb8;
	[tilespmem:$0x12E00] =	vst v63  }
0x71: {  	v3 =	vld [tilespmem:$0x70];
	_ =	sdelay $0x4  }
0x72: {  	v58 =	vshll.u32 v3, $0x1  }
0x73: {  	v3 =	vand.u32 $0x7, v3;
	v4 =	vand.u32 $0xFFFFFFF0, v58  }
0x74: {  	v3 =	vor.u32 v3, v4  }
0x75: {  	v4 =	vperm.xlane v3, v0;
	_ =	sdelay $0x1  }
0x76: {  	v3 =	vperm.xlane v3, v2;
	v4 =	vadd.s32 v1, v4;
	_ =	sdelay $0x1  }
0x77: {  	v3 =	vadd.s32 v1, v3;
	_ =	sdelay $0x2  }
0x78: {  	[tilespmem:s13], [sflag:$0x1] =	stream.indirect_vreg.gather [hbm4b:s3+s2], $0x80, v4, vm0, $0xb8;
	[tilespmem:$0x12E00] =	vst v63  }
0x79: {  	_ = 	snop  }
0x7a: {  	[tilespmem:s14], [sflag:$0x1] =	stream.indirect_vreg.gather [hbm4b:s3+s2], $0x80, v3, vm0, $0xb8;
	[tilespmem:$0x12E00] =	vst v63  }
0x7b: {  	v3 =	vld [tilespmem:$0x80];
	_ =	sdelay $0x4  }
0x7c: {  	v59 =	vshll.u32 v3, $0x1  }
0x7d: {  	v3 =	vand.u32 $0x7, v3;
	v4 =	vand.u32 $0xFFFFFFF0, v59  }
0x7e: {  	v3 =	vor.u32 v3, v4  }
0x7f: {  	v4 =	vperm.xlane v3, v0;
	_ =	sdelay $0x1  }
0x80: {  	v3 =	vperm.xlane v3, v2;
	v4 =	vadd.s32 v1, v4;
	_ =	sdelay $0x1  }
0x81: {  	v3 =	vadd.s32 v1, v3;
	_ =	sdelay $0x2  }
0x82: {  	[tilespmem:s15], [sflag:$0x1] =	stream.indirect_vreg.gather [hbm4b:s3+s2], $0x80, v4, vm0, $0xb8;
	[tilespmem:$0x12E00] =	vst v63  }
0x83: {  	_ = 	snop  }
0x84: {  	[tilespmem:s16], [sflag:$0x1] =	stream.indirect_vreg.gather [hbm4b:s3+s2], $0x80, v3, vm0, $0xb8;
	[tilespmem:$0x12E00] =	vst v63  }
0x85: {  	v3 =	vld [tilespmem:$0x90];
	_ =	sdelay $0x4  }
0x86: {  	v60 =	vshll.u32 v3, $0x1  }
0x87: {  	v3 =	vand.u32 $0x7, v3;
	v4 =	vand.u32 $0xFFFFFFF0, v60  }
0x88: {  	v3 =	vor.u32 v3, v4  }
0x89: {  	v4 =	vperm.xlane v3, v0;
	_ =	sdelay $0x1  }
0x8a: {  	v3 =	vperm.xlane v3, v2;
	v4 =	vadd.s32 v1, v4;
	_ =	sdelay $0x1  }
0x8b: {  	v3 =	vadd.s32 v1, v3;
	_ =	sdelay $0x2  }
0x8c: {  	[tilespmem:s17], [sflag:$0x1] =	stream.indirect_vreg.gather [hbm4b:s3+s2], $0x80, v4, vm0, $0xb8;
	[tilespmem:$0x12E00] =	vst v63  }
0x8d: {  	_ = 	snop  }
0x8e: {  	[tilespmem:s18], [sflag:$0x1] =	stream.indirect_vreg.gather [hbm4b:s3+s2], $0x80, v3, vm0, $0xb8;
	[tilespmem:$0x12E00] =	vst v63  }
0x8f: {  	v3 =	vld [tilespmem:$0xA0];
	_ =	sdelay $0x4  }
0x90: {  	v61 =	vshll.u32 v3, $0x1  }
0x91: {  	v3 =	vand.u32 $0x7, v3;
	v4 =	vand.u32 $0xFFFFFFF0, v61  }
0x92: {  	v3 =	vor.u32 v3, v4  }
0x93: {  	v4 =	vperm.xlane v3, v0;
	_ =	sdelay $0x1  }
0x94: {  	v3 =	vperm.xlane v3, v2;
	v4 =	vadd.s32 v1, v4;
	_ =	sdelay $0x1  }
0x95: {  	v3 =	vadd.s32 v1, v3;
	_ =	sdelay $0x2  }
0x96: {  	[tilespmem:s19], [sflag:$0x1] =	stream.indirect_vreg.gather [hbm4b:s3+s2], $0x80, v4, vm0, $0xb8;
	[tilespmem:$0x12E00] =	vst v63  }
0x97: {  	_ = 	snop  }
0x98: {  	[tilespmem:s20], [sflag:$0x1] =	stream.indirect_vreg.gather [hbm4b:s3+s2], $0x80, v3, vm0, $0xb8;
	[tilespmem:$0x12E00] =	vst v63  }
0x99: {  	v3 =	vld [tilespmem:$0xB0];
	_ =	sdelay $0x4  }
0x9a: {  	v62 =	vshll.u32 v3, $0x1  }
0x9b: {  	v3 =	vand.u32 $0x7, v3;
	v4 =	vand.u32 $0xFFFFFFF0, v62  }
0x9c: {  	v3 =	vor.u32 v3, v4  }
0x9d: {  	v4 =	vperm.xlane v3, v0;
	_ =	sdelay $0x1  }
0x9e: {  	v3 =	vperm.xlane v3, v2;
	v4 =	vadd.s32 v1, v4;
	_ =	sdelay $0x1  }
0x9f: {  	v3 =	vadd.s32 v1, v3;
	_ =	sdelay $0x2  }
0xa0: {  	[tilespmem:s21], [sflag:$0x1] =	stream.indirect_vreg.gather [hbm4b:s3+s2], $0x80, v4, vm0, $0xb8;
	[tilespmem:$0x12E00] =	vst v63  }
0xa1: {  	_ = 	snop  }
0xa2: {  	[tilespmem:s22], [sflag:$0x1] =	stream.indirect_vreg.gather [hbm4b:s3+s2], $0x80, v3, vm0, $0xb8;
	[tilespmem:$0x12E00] =	vst v63  }
0xa3: {  	v3 =	vld.msk [tilespmem:$0xC0], $0xff;
	_ =	sdelay $0x4  }
0xa4: {  	v63 =	vshll.u32 v3, $0x1  }
0xa5: {  	v3 =	vand.u32 $0x7, v3;
	v4 =	vand.u32 $0xFFFFFFF0, v63  }
0xa6: {  	v3 =	vor.u32 v3, v4  }
0xa7: {  	v3 =	vperm.xlane v3, v0;
	_ =	sdelay $0x1  }
0xa8: {  	v3 =	vadd.s32 v1, v3;
	_ =	sdelay $0x4  }
0xa9: {  	[tilespmem:s23], [sflag:$0x1] =	stream.indirect_vreg.gather [hbm4b:s3+s2], $0x80, v3, vm0, $0xb8;
	[tilespmem:$0x12E00] =	vst v63  }
0xaa: {  	s4 =	rddreg [dreg:$0x3]  }
0xab: {  	[tilespmem:s25], [sflag:$0x2] =	stream.indirect.gather [hbm4b:s4+s24], $0x80, s8, s24, $0xb8;
	[tilespmem:$0x12E00] =	vst v63  }
0xac: {  	_ =	swait.ge [sflag:s26], $0xC800  }
0xad: {  	[sflag:s26] =	ssyncset.done $0x0  }
0xae: {  	[sflag:s26] =	ssyncadd.s32 $0xFFFF3800  }
0xaf: {  	_ =	swait.ge [sflag:s28], $0x6400  }
0xb0: {  	[sflag:s28] =	ssyncset.done $0x0  }
0xb1: {  	[sflag:s28] =	ssyncadd.s32 $0xFFFF9C00  }
0xb2: {  	[hbm4b:s30+s2] =	stream.linear.scatter [tilespmem:s9], [sflag:$0x3], $0xC800, $0x38;
	[tilespmem:$0x12E00] =	vst v63  }
0xb3: {  	_ =	swait.ge [sflag:s7], $0xC800  }
0xb4: {  	p0 =	sne.s32 s1, $0x258;
	[sflag:s7] =	ssyncset.done $0x0  }
.Ltmp0:
0xb5: {  	[sflag:s7] =	ssyncadd.s32 $0xFFFF3800;
	(pc) =	sbr.rel @p0 .LBB2_2-.Ltmp0, $4  }
0xb6: {  	[hbm4b:s31+s2] =	stream.linear.scatter [tilespmem:s25], [sflag:$0x3], $0x6400, $0x38;
	[tilespmem:$0x12E00] =	vst v63  }
0xb7: {  	_ =	swait.ge [sflag:s7], $0x6400  }
0xb8: {  	s1 =	sadd.s32 $0x19, s1;
	[sflag:s7] =	ssyncset.done $0x0  }
0xb9: {  	s30 =	sadd.s32 $0x1900, s30;
	s31 =	sadd.s32 $0xC80, s31;
	[sflag:s7] =	ssyncadd.s32 $0xFFFF9C00  }
0xba: {  	s29 =	sadd.s32 $0x1, s29;
	s0 =	rddreg [dreg:$0x10]  }
0xbb: {  	p0 =	sne.s32 s29, s0  }
.Ltmp1:
0xbc: {  	_ = 	snop;
	(pc) =	sbr.rel @p0 .LBB2_1-.Ltmp1, $1  }
0xbd: {  	_ =	sdelay $0x3  }
0xbe: {  	_ =	sfence.sel $0x180000  }
0xbf: {  	[bflag:$0x0] =	sbarrier.arrive $0xFFFF  }
0xc0: {  	_ =	strace $0x90000047  }
0xc1: {  	s0 =	stileid.u32;
	[bflag:$0x2] =	sbarrier.arrive $0xFFFF  }
0xc2: {  	p0 =	sne.s32 s0, $0x0;
	s0 =	rddreg [dreg:$0x2]  }
0xc3: {  	s0 =	sadd.s32 @!p0 $0x100000, s0  }
0xc4: {  	[sflag:s0] =	ssyncadd.tile.s32 @!p0 $0x1;
	_ =	shalt  }
.Lfunc_end2:
_tile_overlayer_lowered:
.L_overlay_start_2:
0xc5: {  	(tag) =	ssettag $0x2  }
0xc6: {  	s0 =	rddreg [dreg:$0x0];
	s2 =	stileid.u32  }
0xc7: {  	s1 =	rddreg [dreg:$0x1];
	p0 =	sne.s32 s2, $0x0  }
0xc8: {  	s3 =	rddreg [dreg:$0x2];
	[bflag:$0x3] =	sbarrier.arrive $0xFFFF;
	s2 =	simm.s32 @!p0 $0x1C03  }
0xc9: {  	[timem:s3], [sflag:s2] =	dma.local @!p0 [hbm:s0], s1  }
0xca: {  	s0 =	simm.s32 @!p0 $0x3  }
0xcb: {  	_ =	swait.ge @!p0 [sflag:s0], s1  }
0xcc: {  	s1 =	ssub.s32 @!p0 $0x0, s1;
	[sflag:s0] =	ssyncset.done @!p0 $0x0  }
0xcd: {  	[sflag:s0] =	ssyncadd.s32 @!p0 s1  }
0xce: {  	[bflag:$0x3] =	sbarrier.arrive $0xFFFF  }
0xcf: {  	_ =	shalt  }

// kernel: kernel.15.cloned.1.call-start
scs
__scs_entry_jumppad:
0x0: {  	(pc) =	sbr.rel $0x88, $3  }
0x1: {  	(tag) =	ssettag $0x0;
	lr =	simm.s32 $0x1  }
0x2: {  	[smem:$0x3F98] =	sst lr;
	_ =	strace $0xD0000000  }
0x3: {  	_ = 	snop  }
0x4: {  	_ = 	snop  }
0x5: {  	_ = 	snop  }
0x6: {  	_ = 	snop  }
0x7: {  	_ = 	snop  }
__scs_overlays_trampoline_lowered:
0x8: {  	[smem:$0x3FA7] =	sst s0  }
0x9: {  	[smem:$0x3FA8] =	sst s1  }
0xa: {  	[smem:$0x3FA9] =	sst s2  }
0xb: {  	[smem:$0x3FAA] =	sst s3  }
0xc: {  	[smem:$0x3FAB] =	sst s4  }
0xd: {  	[smem:$0x3FAC] =	sst s5  }
0xe: {  	[smem:$0x3FAD] =	sst s6  }
0xf: {  	[smem:$0x3FAE] =	sst s7  }
0x10: {  	[smem:$0x3FAF] =	sst s8  }
0x11: {  	[smem:$0x3FB0] =	sst s9;
	s0 =	simm.s32 @!p0 $0x0  }
0x12: {  	s1 =	sld [smem:$0x3F96];
	s0 =	simm.s32 @p0 $0x1  }
0x13: {  	[smem:$0x3FB1] =	sst s0;
	s0 =	simm.s32 @!p1 $0x0  }
0x14: {  	s2 =	sld [smem:$0x3F95];
	s0 =	simm.s32 @p1 $0x1  }
0x15: {  	[smem:$0x3FB2] =	sst s0;
	s0 =	simm.s32 @!p2 $0x0  }
0x16: {  	s3 =	sld [smem:$0x3FDB];
	s0 =	simm.s32 @p2 $0x1  }
0x17: {  	s4 =	simm.s32 $0x1BF5;
	[smem:$0x3FB4] =	sst s0  }
0x18: {  	s0 =	sld [smem:$0x3F97];
	_ =	swait.ge [sflag:s4], $0x0  }
0x19: {  	s7 =	sld [smem:$0x3F98]  }
0x1a: {  	s8 =	sadd.s32 $0xFFFFE003, lr  }
0x1b: {  	s9 =	sadd.s32 $0xFFFFFEF7, lr;
	s5 =	simm.s32 $0xFFFFFFFF;
	p2 =	slt.u32 s8, $0xFFFFF086  }
0x1c: {  	p1 =	slt.u32 s9, $0xF7A;
	s5 =	simm.s32 @!p2 $0x0  }
0x1d: {  	s5 =	simm.s32 @p1 $0x1;
	p0 =	seq.s32 s7, s2  }
0x1e: {  	s7 =	smul.u32 @!p0 $0xF7A, s2;
	p2 =	seq.s32 @!p0 s5, $0x0  }
0x1f: {  	s9 =	smul.u32 $0xF7A, s1;
	s8 =	simm.s32 @!p0 $0x1BF5;
	p2 =	por !p2, p0  }
0x20: {  	[sflag:s8] =	ssyncset.s32 @!p0 $0xFFFFF086;
	s6 =	sadd.s32 @!p0 s3, s7;
	s7 =	simm.s32 @!p0 $0x108  }
0x21: {  	s3 =	sadd.s32 s3, s9;
	s6 =	sadd.s32 @!p0 $0x88, s6;
	s7 =	simm.s32 @p2 $0x1082  }
0x22: {  	[simem:s7], [sflag:s8] =	dma.local @!p0 [hbm:s6], $0xF7A  }
0x23: {  	s9 =	sor.u32 $0xD0000000, s2;
	s6 =	simm.s32 $0x108;
	_ =	swait.ge @!p0 [sflag:s8], $0x0  }
0x24: {  	s3 =	sadd.s32 $0x88, s3;
	s6 =	simm.s32 @!p1 $0x1082;
	[sflag:s4] =	ssyncset.s32 $0xFFFFF086  }
0x25: {  	[simem:s6], [sflag:s4] =	dma.local [hbm:s3], $0xF7A  }
0x26: {  	[smem:$0x3F98] =	sst s1;
	(tag) =	ssettag s2;
	_ =	strace s9  }
0x27: {  	s1 =	sld [smem:$0x3FA8]  }
0x28: {  	s2 =	sld [smem:$0x3FA9]  }
0x29: {  	s4 =	sld [smem:$0x3FAB]  }
0x2a: {  	p0 =	seq.s32 s5, $0x0;
	s5 =	sld [smem:$0x3FAC]  }
0x2b: {  	s6 =	sld [smem:$0x3FAD]  }
0x2c: {  	s7 =	sld [smem:$0x3FAE]  }
0x2d: {  	s3 =	simm.s32 $0x108;
	s8 =	sld [smem:$0x3FAF]  }
0x2e: {  	s3 =	simm.s32 @!p0 $0x1082;
	s9 =	sld [smem:$0x3FB0]  }
0x2f: {  	lr =	sadd.s32 s0, s3;
	s0 =	sld [smem:$0x3FA7]  }
0x30: {  	s3 =	sld [smem:$0x3FAA]  }
0x31: {  	[smem:$0x3FB3] =	sst s10  }
0x32: {  	s10 =	sld [smem:$0x3FB1];
	_ =	sdelay $0x3  }
0x33: {  	p0 =	seq.s32 s10, $0x1;
	s10 =	sld [smem:$0x3FB3];
	_ =	sdelay $0x3  }
0x34: {  	[smem:$0x3FB3] =	sst s10  }
0x35: {  	s10 =	sld [smem:$0x3FB2];
	_ =	sdelay $0x3  }
0x36: {  	p1 =	seq.s32 s10, $0x1;
	s10 =	sld [smem:$0x3FB3];
	_ =	sdelay $0x3  }
0x37: {  	[smem:$0x3FB3] =	sst s10  }
0x38: {  	s10 =	sld [smem:$0x3FB4]  }
0x39: {  	_ = 	snop;
	(pc) =	sbr.ind lr, $3  }
0x3a: {  	_ = 	snop  }
0x3b: {  	_ = 	snop  }
0x3c: {  	p2 =	seq.s32 s10, $0x1;
	s10 =	sld [smem:$0x3FB3]  }
0x3d: {  	_ =	shalt  }
0x3e: {  	_ =	shalt  }
0x3f: {  	_ =	shalt  }
0x40: {  	_ =	shalt  }
0x41: {  	_ =	shalt  }
0x42: {  	_ =	shalt  }
0x43: {  	_ =	shalt  }
0x44: {  	_ =	shalt  }
0x45: {  	_ =	shalt  }
0x46: {  	_ =	shalt  }
0x47: {  	_ =	shalt  }
0x48: {  	_ =	shalt  }
0x49: {  	_ =	shalt  }
0x4a: {  	_ =	shalt  }
0x4b: {  	_ =	shalt  }
0x4c: {  	_ =	shalt  }
0x4d: {  	_ =	shalt  }
0x4e: {  	_ =	shalt  }
0x4f: {  	_ =	shalt  }
0x50: {  	_ =	shalt  }
0x51: {  	_ =	shalt  }
0x52: {  	_ =	shalt  }
0x53: {  	_ =	shalt  }
0x54: {  	_ =	shalt  }
0x55: {  	_ =	shalt  }
0x56: {  	_ =	shalt  }
0x57: {  	_ =	shalt  }
0x58: {  	_ =	shalt  }
0x59: {  	_ =	shalt  }
0x5a: {  	_ =	shalt  }
0x5b: {  	_ =	shalt  }
0x5c: {  	_ =	shalt  }
0x5d: {  	_ =	shalt  }
0x5e: {  	_ =	shalt  }
0x5f: {  	_ =	shalt  }
0x60: {  	_ =	shalt  }
0x61: {  	_ =	shalt  }
0x62: {  	_ =	shalt  }
0x63: {  	_ =	shalt  }
0x64: {  	_ =	shalt  }
0x65: {  	_ =	shalt  }
0x66: {  	_ =	shalt  }
0x67: {  	_ =	shalt  }
0x68: {  	_ =	shalt  }
0x69: {  	_ =	shalt  }
0x6a: {  	_ =	shalt  }
0x6b: {  	_ =	shalt  }
0x6c: {  	_ =	shalt  }
0x6d: {  	_ =	shalt  }
0x6e: {  	_ =	shalt  }
0x6f: {  	_ =	shalt  }
0x70: {  	_ =	shalt  }
0x71: {  	_ =	shalt  }
0x72: {  	_ =	shalt  }
0x73: {  	_ =	shalt  }
0x74: {  	_ =	shalt  }
0x75: {  	_ =	shalt  }
0x76: {  	_ =	shalt  }
0x77: {  	_ =	shalt  }
0x78: {  	_ =	shalt  }
0x79: {  	_ =	shalt  }
0x7a: {  	_ =	shalt  }
0x7b: {  	_ =	shalt  }
0x7c: {  	_ =	shalt  }
0x7d: {  	_ =	shalt  }
0x7e: {  	_ =	shalt  }
0x7f: {  	_ =	shalt  }
0x80: {  	_ =	shalt  }
0x81: {  	_ =	shalt  }
0x82: {  	_ =	shalt  }
0x83: {  	_ =	shalt  }
0x84: {  	_ =	shalt  }
0x85: {  	_ =	shalt  }
0x86: {  	_ =	shalt  }
0x87: {  	_ =	shalt  }
.Lfunc_end0:
.L_simem_size_0:
called_computation.3_lowered:
.L_overlay_start_0:
0x88: {  	s2 =	sld [smem:$0x3FD9]  }
0x89: {  	s3 =	sld [smem:$0x3FFE];
	_ =	sdelay $0x1  }
0x8a: {  	s1 =	srdreg.scid  }
0x8b: {  	s0 =	sand.u32 $0x1, s1  }
0x8c: {  	s14 =	sshll.u32 s0, $0xA;
	s2 =	sadd.s32 s3, s2  }
0x8d: {  	s2 =	sadd.s32 s2, s14  }
0x8e: {  	[smem:$0x3FBF] =	sst s2  }
0x8f: {  	_ = 	snop  }
0x90: {  	s2 =	sld [smem:$0x3FD0];
	_ =	sdelay $0x2  }
0x91: {  	s15 =	simm.s32 $0xB;
	s4 =	simm.s32 $0x10  }
0x92: {  	[smem:s4], [sflag:s15] =	dma.local [hbm:s2], $0x1  }
0x93: {  	_ =	swait.eq [sflag:s15], $0x1  }
0x94: {  	[sflag:s15] =	ssyncset.done $0x0  }
0x95: {  	s16 =	sld [smem:$0x11];
	[sflag:s15] =	ssyncadd.s32 $0xFFFFFFFF  }
0x96: {  	s17 =	sld [smem:$0x12];
	(tm) =	ssettm $0x1  }
0x97: {  	s18 =	sld [smem:$0x3FFB];
	_ =	sdelay $0x3  }
0x98: {  	_ =	strace s18  }
0x99: {  	s4 =	sld [smem:$0x3FFC];
	_ =	sdelay $0x3  }
0x9a: {  	_ =	strace s4  }
0x9b: {  	s4 =	sld [smem:$0x3FFD];
	_ =	sdelay $0x3  }
0x9c: {  	_ =	strace s4  }
0x9d: {  	_ =	strace $0x8FFFFFFF  }
0x9e: {  	s19 =	sld [smem:$0x3FDB];
	_ =	sdelay $0x1  }
0x9f: {  	s5 =	simm.s32 $_scs_section_size  }
0xa0: {  	s6 =	simm.s32 $_size__tile_overlayer_lowered;
	s7 =	simm.s32 $_tile_overlayer_lowered  }
0xa1: {  	s22 =	simm.s32 $0x1BFF;
	s21 =	sshll.u32 s7, $0x1;
	s4 =	sadd.s32 s5, s19  }
0xa2: {  	s8 =	simm.s32 $0x0;
	s20 =	sshll.u32 s6, $0x1;
	s6 =	sadd.s32 s21, s4  }
0xa3: {  	[timem:s8], [sflag:s22] =	dma.local [hbm:s6], s20  }
0xa4: {  	_ =	swait.ge [sflag:s22], s20  }
0xa5: {  	s5 =	ssub.s32 $0x0, s20;
	[sflag:s22] =	ssyncset.done $0x0  }
0xa6: {  	[sflag:s22] =	ssyncadd.s32 s5;
	_ =	sdelay $0x1  }
0xa7: {  	s23 =	simm.s32 $0x1B8B  }
0xa8: {  	_ =	swait.ge [sflag:s23], $0x1  }
0xa9: {  	[sflag:s23] =	ssyncset.done $0x0  }
0xaa: {  	s25 =	simm.s32 $0x1B8E;
	s24 =	sld [smem:$0x3FFE];
	[sflag:s23] =	ssyncadd.s32 $0xFFFFFFFF  }
0xab: {  	s26 =	simm.s32 $execute0_lowered;
	[smem:$0x3FD2] =	sst s25  }
0xac: {  	s6 =	sshll.u32 s26, $0x1;
	_ =	strace $0x80000049;
	[dreg:$0x1] =	wrdreg $0xFFFFFFFF  }
0xad: {  	s28 =	simm.s32 $_size_execute0_lowered;
	s4 =	sadd.s32 s4, s6;
	[dreg:$0x0] =	wrdreg $0x0  }
0xae: {  	s6 =	sshll.u32 s28, $0x1;
	[dreg:$0x2] =	wrdreg s4  }
0xaf: {  	[dreg:$0x3] =	wrdreg s6  }
0xb0: {  	[dreg:$0x4] =	wrdreg $0xC0  }
0xb1: {  	_ =	task [dreg:s8], $0x5FFFF  }
0xb2: {  	[dreg:$0x1] =	wrdreg $0xFFFFFFFF  }
0xb3: {  	[dreg:$0x0] =	wrdreg $0x60  }
0xb4: {  	[dreg:$0x2] =	wrdreg s17  }
0xb5: {  	[dreg:$0x3] =	wrdreg s16  }
0xb6: {  	[dreg:$0x4] =	wrdreg s24  }
0xb7: {  	[dreg:$0x5] =	wrdreg $0xA  }
0xb8: {  	_ =	task.clear_ibuf [dreg:s8], $0x6FFFF;
	_ =	strace $0x90000049  }
0xb9: {  	s29 =	simm.s32 $0xA;
	_ =	strace $0x8000004B  }
0xba: {  	_ =	swait.ge [sflag:s29], $0x1  }
0xbb: {  	[sflag:s29] =	ssyncadd.s32 $0xFFFFFFFF  }
0xbc: {  	_ =	strace $0x9000004B  }
0xbd: {  	_ =	sfence  }
0xbe: {  	s30 =	sld [smem:$0x0];
	_ =	sdelay $0x2  }
0xbf: {  	s31 =	sshll.u32 s1, $0xD;
	s1 =	sshrl.u32 s1, $0x2  }
0xc0: {  	s3 =	sand.u32 $0x4000, s31;
	s1 =	sadd.s32 s1, s30  }
0xc1: {  	s0 =	sor.u32 s3, s0;
	s1 =	sshll.u32 s1, $0x11  }
0xc2: {  	s0 =	sor.u32 s1, s0  }
0xc3: {  	s0 =	sadd.s32 $0x8F2B, s0  }
0xc4: {  	[sflag:s0] =	ssyncadd.remote.s32 $0x1  }
0xc5: {  	_ =	sfence.sel $0xFFFF  }
0xc6: {  	[dreg:$0x0] =	wrdreg $0xFFFFFFFF;
	(pc) =	sbr.abs _section_cstart, $3  }
0xc7: {  	[dreg:$0x1] =	wrdreg $0xFFFFFFFF  }
0xc8: {  	_ =	task.clear_ibuf [dreg:s8], $0x2FFFF;
	_ =	strace $0x9FFFFFFF  }
0xc9: {  	(tm) =	ssettm $0x7FFFFFFF  }
tec
execute0_lowered:
.L_overlay_start_1:
0x0: {  	(tag) =	ssettag $0x1  }
0x1: {  	s1 =	rddreg [dreg:$0x0]  }
0x2: {  	s2 =	rddreg [dreg:$0x1]  }
0x3: {  	s3 =	srdreg.scid;
	s0 =	stileid.u32  }
0x4: {  	s5 =	rddreg [dreg:$0x2];
	s17 =	simm.s32 $0xA00;
	s19 =	simm.s32 $0x1200  }
0x5: {  	s21 =	simm.s32 $0x1A00;
	s22 =	simm.s32 $0x2200;
	s23 =	simm.s32 $0x2A00  }
0x6: {  	[dreg:$0x4] =	wrdreg s2;
	s14 =	sand.u32 $0x1, s3;
	s3 =	simm.s32 $0x0  }
0x7: {  	s24 =	simm.s32 $0x3200;
	s25 =	simm.s32 $0x3A00;
	[smem:$0x7FF] =	sst s3  }
0x8: {  	s26 =	simm.s32 $0x4200;
	_ =	strace $0x8000004A;
	[dreg:$0x7] =	wrdreg s17  }
0x9: {  	s30 =	simm.s32 $0x4A00;
	s31 =	simm.s32 $0x5200;
	[dreg:$0x8] =	wrdreg s19  }
0xa: {  	s10 =	simm.s32 $0x5A00;
	s11 =	simm.s32 $0x6200;
	[dreg:$0x9] =	wrdreg s21  }
0xb: {  	s12 =	simm.s32 $0x6A00;
	s4 =	smul.u32 $0x4E20, s0;
	[dreg:$0xa] =	wrdreg s22  }
0xc: {  	s13 =	simm.s32 $0x7200;
	s15 =	smul.u32 $0x9C400, s0;
	[dreg:$0xb] =	wrdreg s23  }
0xd: {  	s28 =	simm.s32 $0x2;
	s7 =	smul.u32 $0x4E200, s0;
	[dreg:$0xc] =	wrdreg s24  }
0xe: {  	s29 =	simm.s32 $0x0;
	s6 =	smul.u32 $0x2710, s14;
	[dreg:$0xd] =	wrdreg s25  }
0xf: {  	s16 =	ssub.s32 $0x2, s14;
	s18 =	smul.u32 $0x27100, s14;
	[dreg:$0xe] =	wrdreg s26  }
0x10: {  	s2 =	smul.u32 $0x4E200, s14;
	s14 =	simm.s32 $0x7A00;
	[dreg:$0xf] =	wrdreg s30  }
0x11: {  	s9 =	sshrl.u32 s16, $0x1;
	[dreg:$0x10] =	wrdreg s31;
	s17 =	simm.s32 $0x9200  }
0x12: {  	s19 =	simm.s32 $0xA200;
	s21 =	simm.s32 $0xB200;
	s22 =	simm.s32 $0xBA00  }
0x13: {  	s23 =	simm.s32 $0xC200;
	s24 =	simm.s32 $0xC8;
	s25 =	simm.s32 $0xCA00  }
0x14: {  	s26 =	simm.s32 $0x1;
	s4 =	sadd.s32 s6, s4;
	s6 =	sadd.s32 s15, s5  }
0x15: {  	s15 =	simm.s32 $0x8200;
	s4 =	sshrl.u32 s4, $0x3;
	s2 =	sadd.s32 s2, s6  }
0x16: {  	s4 =	sadd.s32 s4, s5;
	s5 =	sadd.s32 s7, s5;
	s7 =	ssub.s32 s16, s9  }
0x17: {  	s6 =	sadd.s32 $0xA58000, s2;
	s9 =	simm.s32 $0x200;
	s8 =	sadd.s32 $0x2FB200, s4  }
0x18: {  	s16 =	simm.s32 $0x8A00;
	s4 =	sadd.s32 $0x2F1400, s4;
	[dreg:$0x5] =	wrdreg s8  }
0x19: {  	v2 =	vlaneseq.u32;
	s20 =	smax.u32 s7, $0x1;
	s5 =	sadd.s32 s18, s5;
	[dreg:$0x6] =	wrdreg s4  }
0x1a: {  	vm0 =	vmmov $0xffff;
	v1 =	vshrl.u32 v2, $0x3;
	s7 =	simm.s32 $0x3;
	s18 =	simm.s32 $0x9A00;
	[dreg:$0x11] =	wrdreg s20  }
0x1b: {  	v0 =	vand.u32 $0x7, v2;
	v2 =	vor.u32 $0x8, v2;
	v1 =	vmul.u32 $0x8, v1;
	s5 =	sadd.s32 $0x141C000, s5;
	s8 =	simm.s32 $0x100;
	s20 =	simm.s32 $0xAA00  }
.LBB2_1:
0x1c: {  	s30 =	smov.u32 s6;
	s31 =	smov.u32 s5;
	s2 =	simm.s32 $0x0  }
.LBB2_2:
0x1d: {  	s0 =	rddreg [dreg:$0x6]  }
0x1e: {  	s0 =	sadd.s32 s2, s0  }
0x1f: {  	[tilespmem:s3], [sflag:$0x3] =	stream.linear.gather [hbm4b:s0+s3], $0xC8, $0x38;
	[tilespmem:$0x12E00] =	vst v63  }
0x20: {  	_ =	swait.ge [sflag:s7], $0xC8  }
0x21: {  	s4 =	rddreg [dreg:$0x5];
	[sflag:s7] =	ssyncset.done $0x0  }
0x22: {  	[sflag:s7] =	ssyncadd.s32 $0xFFFFFF38;
	s0 =	sadd.s32 s2, s4  }
0x23: {  	[tilespmem:s8], [sflag:$0x3] =	stream.linear.gather [hbm4b:s0+s3], $0xC8, $0x38;
	[tilespmem:$0x12E00] =	vst v63  }
0x24: {  	_ =	swait.ge [sflag:s7], $0xC8  }
0x25: {  	[sflag:s7] =	ssyncset.done $0x0  }
0x26: {  	[sflag:s7] =	ssyncadd.s32 $0xFFFFFF38  }
0x27: {  	v3 =	vld [tilespmem:$0x0];
	_ =	sdelay $0x4  }
0x28: {  	v4 =	vshll.u32 v3, $0x1  }
0x29: {  	v3 =	vand.u32 $0x7, v3;
	v4 =	vand.u32 $0xFFFFFFF0, v4  }
0x2a: {  	v3 =	vor.u32 v3, v4  }
0x2b: {  	v4 =	vperm.xlane v3, v0;
	_ =	sdelay $0x1  }
0x2c: {  	v3 =	vperm.xlane v3, v2;
	v4 =	vadd.s32 v1, v4;
	_ =	sdelay $0x1  }
0x2d: {  	v3 =	vadd.s32 v1, v3;
	_ =	sdelay $0x2  }
0x2e: {  	[tilespmem:s9], [sflag:$0x1] =	stream.indirect_vreg.gather [hbm4b:s1+s3], $0x80, v4, vm0, $0xb8;
	[tilespmem:$0x12E00] =	vst v63  }
0x2f: {  	s4 =	rddreg [dreg:$0x7]  }
0x30: {  	[tilespmem:s4], [sflag:$0x1] =	stream.indirect_vreg.gather [hbm4b:s1+s3], $0x80, v3, vm0, $0xb8;
	[tilespmem:$0x12E00] =	vst v63  }
0x31: {  	v3 =	vld [tilespmem:$0x10];
	_ =	sdelay $0x4  }
0x32: {  	v52 =	vshll.u32 v3, $0x1  }
0x33: {  	v3 =	vand.u32 $0x7, v3;
	v4 =	vand.u32 $0xFFFFFFF0, v52  }
0x34: {  	v3 =	vor.u32 v3, v4  }
0x35: {  	v4 =	vperm.xlane v3, v0;
	_ =	sdelay $0x1  }
0x36: {  	v3 =	vperm.xlane v3, v2;
	v4 =	vadd.s32 v1, v4;
	_ =	sdelay $0x1  }
0x37: {  	v3 =	vadd.s32 v1, v3;
	_ =	sdelay $0x1  }
0x38: {  	s0 =	rddreg [dreg:$0x8]  }
0x39: {  	[tilespmem:s0], [sflag:$0x1] =	stream.indirect_vreg.gather [hbm4b:s1+s3], $0x80, v4, vm0, $0xb8;
	[tilespmem:$0x12E00] =	vst v63  }
0x3a: {  	s4 =	rddreg [dreg:$0x9]  }
0x3b: {  	[tilespmem:s4], [sflag:$0x1] =	stream.indirect_vreg.gather [hbm4b:s1+s3], $0x80, v3, vm0, $0xb8;
	[tilespmem:$0x12E00] =	vst v63  }
0x3c: {  	v3 =	vld [tilespmem:$0x20];
	_ =	sdelay $0x4  }
0x3d: {  	v53 =	vshll.u32 v3, $0x1  }
0x3e: {  	v3 =	vand.u32 $0x7, v3;
	v4 =	vand.u32 $0xFFFFFFF0, v53  }
0x3f: {  	v3 =	vor.u32 v3, v4  }
0x40: {  	v4 =	vperm.xlane v3, v0;
	_ =	sdelay $0x1  }
0x41: {  	v3 =	vperm.xlane v3, v2;
	v4 =	vadd.s32 v1, v4;
	_ =	sdelay $0x1  }
0x42: {  	v3 =	vadd.s32 v1, v3;
	_ =	sdelay $0x1  }
0x43: {  	s0 =	rddreg [dreg:$0xa]  }
0x44: {  	[tilespmem:s0], [sflag:$0x1] =	stream.indirect_vreg.gather [hbm4b:s1+s3], $0x80, v4, vm0, $0xb8;
	[tilespmem:$0x12E00] =	vst v63  }
0x45: {  	s4 =	rddreg [dreg:$0xb]  }
0x46: {  	[tilespmem:s4], [sflag:$0x1] =	stream.indirect_vreg.gather [hbm4b:s1+s3], $0x80, v3, vm0, $0xb8;
	[tilespmem:$0x12E00] =	vst v63  }
0x47: {  	v3 =	vld [tilespmem:$0x30];
	_ =	sdelay $0x4  }
0x48: {  	v54 =	vshll.u32 v3, $0x1  }
0x49: {  	v3 =	vand.u32 $0x7, v3;
	v4 =	vand.u32 $0xFFFFFFF0, v54  }
0x4a: {  	v3 =	vor.u32 v3, v4  }
0x4b: {  	v4 =	vperm.xlane v3, v0;
	_ =	sdelay $0x1  }
0x4c: {  	v3 =	vperm.xlane v3, v2;
	v4 =	vadd.s32 v1, v4;
	_ =	sdelay $0x1  }
0x4d: {  	v3 =	vadd.s32 v1, v3;
	_ =	sdelay $0x1  }
0x4e: {  	s0 =	rddreg [dreg:$0xc]  }
0x4f: {  	[tilespmem:s0], [sflag:$0x1] =	stream.indirect_vreg.gather [hbm4b:s1+s3], $0x80, v4, vm0, $0xb8;
	[tilespmem:$0x12E00] =	vst v63  }
0x50: {  	s4 =	rddreg [dreg:$0xd]  }
0x51: {  	[tilespmem:s4], [sflag:$0x1] =	stream.indirect_vreg.gather [hbm4b:s1+s3], $0x80, v3, vm0, $0xb8;
	[tilespmem:$0x12E00] =	vst v63  }
0x52: {  	v3 =	vld [tilespmem:$0x40];
	_ =	sdelay $0x4  }
0x53: {  	v55 =	vshll.u32 v3, $0x1  }
0x54: {  	v3 =	vand.u32 $0x7, v3;
	v4 =	vand.u32 $0xFFFFFFF0, v55  }
0x55: {  	v3 =	vor.u32 v3, v4  }
0x56: {  	v4 =	vperm.xlane v3, v0;
	_ =	sdelay $0x1  }
0x57: {  	v3 =	vperm.xlane v3, v2;
	v4 =	vadd.s32 v1, v4;
	_ =	sdelay $0x1  }
0x58: {  	v3 =	vadd.s32 v1, v3;
	_ =	sdelay $0x1  }
0x59: {  	s0 =	rddreg [dreg:$0xe]  }
0x5a: {  	[tilespmem:s0], [sflag:$0x1] =	stream.indirect_vreg.gather [hbm4b:s1+s3], $0x80, v4, vm0, $0xb8;
	[tilespmem:$0x12E00] =	vst v63  }
0x5b: {  	s4 =	rddreg [dreg:$0xf]  }
0x5c: {  	[tilespmem:s4], [sflag:$0x1] =	stream.indirect_vreg.gather [hbm4b:s1+s3], $0x80, v3, vm0, $0xb8;
	[tilespmem:$0x12E00] =	vst v63  }
0x5d: {  	v3 =	vld [tilespmem:$0x50];
	_ =	sdelay $0x4  }
0x5e: {  	v56 =	vshll.u32 v3, $0x1  }
0x5f: {  	v3 =	vand.u32 $0x7, v3;
	v4 =	vand.u32 $0xFFFFFFF0, v56  }
0x60: {  	v3 =	vor.u32 v3, v4  }
0x61: {  	v4 =	vperm.xlane v3, v0;
	_ =	sdelay $0x1  }
0x62: {  	v3 =	vperm.xlane v3, v2;
	v4 =	vadd.s32 v1, v4;
	_ =	sdelay $0x1  }
0x63: {  	v3 =	vadd.s32 v1, v3;
	_ =	sdelay $0x1  }
0x64: {  	s4 =	rddreg [dreg:$0x10]  }
0x65: {  	[tilespmem:s4], [sflag:$0x1] =	stream.indirect_vreg.gather [hbm4b:s1+s3], $0x80, v4, vm0, $0xb8;
	[tilespmem:$0x12E00] =	vst v63  }
0x66: {  	_ = 	snop  }
0x67: {  	[tilespmem:s10], [sflag:$0x1] =	stream.indirect_vreg.gather [hbm4b:s1+s3], $0x80, v3, vm0, $0xb8;
	[tilespmem:$0x12E00] =	vst v63  }
0x68: {  	v3 =	vld [tilespmem:$0x60];
	_ =	sdelay $0x4  }
0x69: {  	v57 =	vshll.u32 v3, $0x1  }
0x6a: {  	v3 =	vand.u32 $0x7, v3;
	v4 =	vand.u32 $0xFFFFFFF0, v57  }
0x6b: {  	v3 =	vor.u32 v3, v4  }
0x6c: {  	v4 =	vperm.xlane v3, v0;
	_ =	sdelay $0x1  }
0x6d: {  	v3 =	vperm.xlane v3, v2;
	v4 =	vadd.s32 v1, v4;
	_ =	sdelay $0x1  }
0x6e: {  	v3 =	vadd.s32 v1, v3;
	_ =	sdelay $0x2  }
0x6f: {  	[tilespmem:s11], [sflag:$0x1] =	stream.indirect_vreg.gather [hbm4b:s1+s3], $0x80, v4, vm0, $0xb8;
	[tilespmem:$0x12E00] =	vst v63  }
0x70: {  	_ = 	snop  }
0x71: {  	[tilespmem:s12], [sflag:$0x1] =	stream.indirect_vreg.gather [hbm4b:s1+s3], $0x80, v3, vm0, $0xb8;
	[tilespmem:$0x12E00] =	vst v63  }
0x72: {  	v3 =	vld [tilespmem:$0x70];
	_ =	sdelay $0x4  }
0x73: {  	v58 =	vshll.u32 v3, $0x1  }
0x74: {  	v3 =	vand.u32 $0x7, v3;
	v4 =	vand.u32 $0xFFFFFFF0, v58  }
0x75: {  	v3 =	vor.u32 v3, v4  }
0x76: {  	v4 =	vperm.xlane v3, v0;
	_ =	sdelay $0x1  }
0x77: {  	v3 =	vperm.xlane v3, v2;
	v4 =	vadd.s32 v1, v4;
	_ =	sdelay $0x1  }
0x78: {  	v3 =	vadd.s32 v1, v3;
	_ =	sdelay $0x2  }
0x79: {  	[tilespmem:s13], [sflag:$0x1] =	stream.indirect_vreg.gather [hbm4b:s1+s3], $0x80, v4, vm0, $0xb8;
	[tilespmem:$0x12E00] =	vst v63  }
0x7a: {  	_ = 	snop  }
0x7b: {  	[tilespmem:s14], [sflag:$0x1] =	stream.indirect_vreg.gather [hbm4b:s1+s3], $0x80, v3, vm0, $0xb8;
	[tilespmem:$0x12E00] =	vst v63  }
0x7c: {  	v3 =	vld [tilespmem:$0x80];
	_ =	sdelay $0x4  }
0x7d: {  	v59 =	vshll.u32 v3, $0x1  }
0x7e: {  	v3 =	vand.u32 $0x7, v3;
	v4 =	vand.u32 $0xFFFFFFF0, v59  }
0x7f: {  	v3 =	vor.u32 v3, v4  }
0x80: {  	v4 =	vperm.xlane v3, v0;
	_ =	sdelay $0x1  }
0x81: {  	v3 =	vperm.xlane v3, v2;
	v4 =	vadd.s32 v1, v4;
	_ =	sdelay $0x1  }
0x82: {  	v3 =	vadd.s32 v1, v3;
	_ =	sdelay $0x2  }
0x83: {  	[tilespmem:s15], [sflag:$0x1] =	stream.indirect_vreg.gather [hbm4b:s1+s3], $0x80, v4, vm0, $0xb8;
	[tilespmem:$0x12E00] =	vst v63  }
0x84: {  	_ = 	snop  }
0x85: {  	[tilespmem:s16], [sflag:$0x1] =	stream.indirect_vreg.gather [hbm4b:s1+s3], $0x80, v3, vm0, $0xb8;
	[tilespmem:$0x12E00] =	vst v63  }
0x86: {  	v3 =	vld [tilespmem:$0x90];
	_ =	sdelay $0x4  }
0x87: {  	v60 =	vshll.u32 v3, $0x1  }
0x88: {  	v3 =	vand.u32 $0x7, v3;
	v4 =	vand.u32 $0xFFFFFFF0, v60  }
0x89: {  	v3 =	vor.u32 v3, v4  }
0x8a: {  	v4 =	vperm.xlane v3, v0;
	_ =	sdelay $0x1  }
0x8b: {  	v3 =	vperm.xlane v3, v2;
	v4 =	vadd.s32 v1, v4;
	_ =	sdelay $0x1  }
0x8c: {  	v3 =	vadd.s32 v1, v3;
	_ =	sdelay $0x2  }
0x8d: {  	[tilespmem:s17], [sflag:$0x1] =	stream.indirect_vreg.gather [hbm4b:s1+s3], $0x80, v4, vm0, $0xb8;
	[tilespmem:$0x12E00] =	vst v63  }
0x8e: {  	_ = 	snop  }
0x8f: {  	[tilespmem:s18], [sflag:$0x1] =	stream.indirect_vreg.gather [hbm4b:s1+s3], $0x80, v3, vm0, $0xb8;
	[tilespmem:$0x12E00] =	vst v63  }
0x90: {  	v3 =	vld [tilespmem:$0xA0];
	_ =	sdelay $0x4  }
0x91: {  	v61 =	vshll.u32 v3, $0x1  }
0x92: {  	v3 =	vand.u32 $0x7, v3;
	v4 =	vand.u32 $0xFFFFFFF0, v61  }
0x93: {  	v3 =	vor.u32 v3, v4  }
0x94: {  	v4 =	vperm.xlane v3, v0;
	_ =	sdelay $0x1  }
0x95: {  	v3 =	vperm.xlane v3, v2;
	v4 =	vadd.s32 v1, v4;
	_ =	sdelay $0x1  }
0x96: {  	v3 =	vadd.s32 v1, v3;
	_ =	sdelay $0x2  }
0x97: {  	[tilespmem:s19], [sflag:$0x1] =	stream.indirect_vreg.gather [hbm4b:s1+s3], $0x80, v4, vm0, $0xb8;
	[tilespmem:$0x12E00] =	vst v63  }
0x98: {  	_ = 	snop  }
0x99: {  	[tilespmem:s20], [sflag:$0x1] =	stream.indirect_vreg.gather [hbm4b:s1+s3], $0x80, v3, vm0, $0xb8;
	[tilespmem:$0x12E00] =	vst v63  }
0x9a: {  	v3 =	vld [tilespmem:$0xB0];
	_ =	sdelay $0x4  }
0x9b: {  	v62 =	vshll.u32 v3, $0x1  }
0x9c: {  	v3 =	vand.u32 $0x7, v3;
	v4 =	vand.u32 $0xFFFFFFF0, v62  }
0x9d: {  	v3 =	vor.u32 v3, v4  }
0x9e: {  	v4 =	vperm.xlane v3, v0;
	_ =	sdelay $0x1  }
0x9f: {  	v3 =	vperm.xlane v3, v2;
	v4 =	vadd.s32 v1, v4;
	_ =	sdelay $0x1  }
0xa0: {  	v3 =	vadd.s32 v1, v3;
	_ =	sdelay $0x2  }
0xa1: {  	[tilespmem:s21], [sflag:$0x1] =	stream.indirect_vreg.gather [hbm4b:s1+s3], $0x80, v4, vm0, $0xb8;
	[tilespmem:$0x12E00] =	vst v63  }
0xa2: {  	_ = 	snop  }
0xa3: {  	[tilespmem:s22], [sflag:$0x1] =	stream.indirect_vreg.gather [hbm4b:s1+s3], $0x80, v3, vm0, $0xb8;
	[tilespmem:$0x12E00] =	vst v63  }
0xa4: {  	v3 =	vld.msk [tilespmem:$0xC0], $0xff;
	_ =	sdelay $0x4  }
0xa5: {  	v63 =	vshll.u32 v3, $0x1  }
0xa6: {  	v3 =	vand.u32 $0x7, v3;
	v4 =	vand.u32 $0xFFFFFFF0, v63  }
0xa7: {  	v3 =	vor.u32 v3, v4  }
0xa8: {  	v3 =	vperm.xlane v3, v0;
	_ =	sdelay $0x1  }
0xa9: {  	v3 =	vadd.s32 v1, v3;
	_ =	sdelay $0x4  }
0xaa: {  	[tilespmem:s23], [sflag:$0x1] =	stream.indirect_vreg.gather [hbm4b:s1+s3], $0x80, v3, vm0, $0xb8;
	[tilespmem:$0x12E00] =	vst v63  }
0xab: {  	s4 =	rddreg [dreg:$0x4]  }
0xac: {  	[tilespmem:s25], [sflag:$0x2] =	stream.indirect.gather [hbm4b:s4+s24], $0x80, s8, s24, $0xb8;
	[tilespmem:$0x12E00] =	vst v63  }
0xad: {  	_ =	swait.ge [sflag:s26], $0xC800  }
0xae: {  	[sflag:s26] =	ssyncset.done $0x0  }
0xaf: {  	[sflag:s26] =	ssyncadd.s32 $0xFFFF3800  }
0xb0: {  	_ =	swait.ge [sflag:s28], $0x6400  }
0xb1: {  	[sflag:s28] =	ssyncset.done $0x0  }
0xb2: {  	[sflag:s28] =	ssyncadd.s32 $0xFFFF9C00  }
0xb3: {  	[hbm4b:s30+s3] =	stream.linear.scatter [tilespmem:s9], [sflag:$0x3], $0xC800, $0x38;
	[tilespmem:$0x12E00] =	vst v63  }
0xb4: {  	_ =	swait.ge [sflag:s7], $0xC800  }
0xb5: {  	p0 =	sne.s32 s2, $0x4C9;
	[sflag:s7] =	ssyncset.done $0x0  }
.Ltmp0:
0xb6: {  	[sflag:s7] =	ssyncadd.s32 $0xFFFF3800;
	(pc) =	sbr.rel @p0 .LBB2_2-.Ltmp0, $4  }
0xb7: {  	[hbm4b:s31+s3] =	stream.linear.scatter [tilespmem:s25], [sflag:$0x3], $0x6400, $0x38;
	[tilespmem:$0x12E00] =	vst v63  }
0xb8: {  	_ =	swait.ge [sflag:s7], $0x6400  }
0xb9: {  	s2 =	sadd.s32 $0x19, s2;
	[sflag:s7] =	ssyncset.done $0x0  }
0xba: {  	s30 =	sadd.s32 $0x1900, s30;
	s31 =	sadd.s32 $0xC80, s31;
	[sflag:s7] =	ssyncadd.s32 $0xFFFF9C00  }
0xbb: {  	s29 =	sadd.s32 $0x1, s29;
	s0 =	rddreg [dreg:$0x11]  }
0xbc: {  	p0 =	sne.s32 s29, s0  }
.Ltmp1:
0xbd: {  	_ = 	snop;
	(pc) =	sbr.rel @p0 .LBB2_1-.Ltmp1, $1  }
0xbe: {  	_ =	sdelay $0x3  }
0xbf: {  	_ =	sfence.sel $0x180000  }
0xc0: {  	[bflag:$0x0] =	sbarrier.arrive $0xFFFF  }
0xc1: {  	_ =	strace $0x9000004A  }
0xc2: {  	s0 =	stileid.u32;
	[bflag:$0x2] =	sbarrier.arrive $0xFFFF  }
0xc3: {  	p0 =	sne.s32 s0, $0x0;
	s0 =	rddreg [dreg:$0x3]  }
0xc4: {  	s0 =	sadd.s32 @!p0 $0x100000, s0  }
0xc5: {  	[sflag:s0] =	ssyncadd.tile.s32 @!p0 $0x1;
	_ =	shalt  }
.Lfunc_end2:
_tile_overlayer_lowered:
.L_overlay_start_2:
0xc6: {  	(tag) =	ssettag $0x2  }
0xc7: {  	s0 =	rddreg [dreg:$0x0];
	s2 =	stileid.u32  }
0xc8: {  	s1 =	rddreg [dreg:$0x1];
	p0 =	sne.s32 s2, $0x0  }
0xc9: {  	s3 =	rddreg [dreg:$0x2];
	[bflag:$0x3] =	sbarrier.arrive $0xFFFF;
	s2 =	simm.s32 @!p0 $0x1C03  }
0xca: {  	[timem:s3], [sflag:s2] =	dma.local @!p0 [hbm:s0], s1  }
0xcb: {  	s0 =	simm.s32 @!p0 $0x3  }
0xcc: {  	_ =	swait.ge @!p0 [sflag:s0], s1  }
0xcd: {  	s1 =	ssub.s32 @!p0 $0x0, s1;
	[sflag:s0] =	ssyncset.done @!p0 $0x0  }
0xce: {  	[sflag:s0] =	ssyncadd.s32 @!p0 s1  }
0xcf: {  	[bflag:$0x3] =	sbarrier.arrive $0xFFFF  }
0xd0: {  	_ =	shalt  }

// kernel: scatter_offload_async_start.1
scs
__scs_entry_jumppad:
0x0: {  	(pc) =	sbr.rel $0x88, $3  }
0x1: {  	(tag) =	ssettag $0x0;
	lr =	simm.s32 $0x1  }
0x2: {  	[smem:$0x3F98] =	sst lr;
	_ =	strace $0xD0000000  }
0x3: {  	_ = 	snop  }
0x4: {  	_ = 	snop  }
0x5: {  	_ = 	snop  }
0x6: {  	_ = 	snop  }
0x7: {  	_ = 	snop  }
__scs_overlays_trampoline_lowered:
0x8: {  	[smem:$0x3FA7] =	sst s0  }
0x9: {  	[smem:$0x3FA8] =	sst s1  }
0xa: {  	[smem:$0x3FA9] =	sst s2  }
0xb: {  	[smem:$0x3FAA] =	sst s3  }
0xc: {  	[smem:$0x3FAB] =	sst s4  }
0xd: {  	[smem:$0x3FAC] =	sst s5  }
0xe: {  	[smem:$0x3FAD] =	sst s6  }
0xf: {  	[smem:$0x3FAE] =	sst s7  }
0x10: {  	[smem:$0x3FAF] =	sst s8  }
0x11: {  	[smem:$0x3FB0] =	sst s9;
	s0 =	simm.s32 @!p0 $0x0  }
0x12: {  	s1 =	sld [smem:$0x3F96];
	s0 =	simm.s32 @p0 $0x1  }
0x13: {  	[smem:$0x3FB1] =	sst s0;
	s0 =	simm.s32 @!p1 $0x0  }
0x14: {  	s2 =	sld [smem:$0x3F95];
	s0 =	simm.s32 @p1 $0x1  }
0x15: {  	[smem:$0x3FB2] =	sst s0;
	s0 =	simm.s32 @!p2 $0x0  }
0x16: {  	s3 =	sld [smem:$0x3FDB];
	s0 =	simm.s32 @p2 $0x1  }
0x17: {  	s4 =	simm.s32 $0x1BF5;
	[smem:$0x3FB4] =	sst s0  }
0x18: {  	s0 =	sld [smem:$0x3F97];
	_ =	swait.ge [sflag:s4], $0x0  }
0x19: {  	s7 =	sld [smem:$0x3F98]  }
0x1a: {  	s8 =	sadd.s32 $0xFFFFE003, lr  }
0x1b: {  	s9 =	sadd.s32 $0xFFFFFEF7, lr;
	s5 =	simm.s32 $0xFFFFFFFF;
	p2 =	slt.u32 s8, $0xFFFFF086  }
0x1c: {  	p1 =	slt.u32 s9, $0xF7A;
	s5 =	simm.s32 @!p2 $0x0  }
0x1d: {  	s5 =	simm.s32 @p1 $0x1;
	p0 =	seq.s32 s7, s2  }
0x1e: {  	s7 =	smul.u32 @!p0 $0xF7A, s2;
	p2 =	seq.s32 @!p0 s5, $0x0  }
0x1f: {  	s9 =	smul.u32 $0xF7A, s1;
	s8 =	simm.s32 @!p0 $0x1BF5;
	p2 =	por !p2, p0  }
0x20: {  	[sflag:s8] =	ssyncset.s32 @!p0 $0xFFFFF086;
	s6 =	sadd.s32 @!p0 s3, s7;
	s7 =	simm.s32 @!p0 $0x108  }
0x21: {  	s3 =	sadd.s32 s3, s9;
	s6 =	sadd.s32 @!p0 $0x88, s6;
	s7 =	simm.s32 @p2 $0x1082  }
0x22: {  	[simem:s7], [sflag:s8] =	dma.local @!p0 [hbm:s6], $0xF7A  }
0x23: {  	s9 =	sor.u32 $0xD0000000, s2;
	s6 =	simm.s32 $0x108;
	_ =	swait.ge @!p0 [sflag:s8], $0x0  }
0x24: {  	s3 =	sadd.s32 $0x88, s3;
	s6 =	simm.s32 @!p1 $0x1082;
	[sflag:s4] =	ssyncset.s32 $0xFFFFF086  }
0x25: {  	[simem:s6], [sflag:s4] =	dma.local [hbm:s3], $0xF7A  }
0x26: {  	[smem:$0x3F98] =	sst s1;
	(tag) =	ssettag s2;
	_ =	strace s9  }
0x27: {  	s1 =	sld [smem:$0x3FA8]  }
0x28: {  	s2 =	sld [smem:$0x3FA9]  }
0x29: {  	s4 =	sld [smem:$0x3FAB]  }
0x2a: {  	p0 =	seq.s32 s5, $0x0;
	s5 =	sld [smem:$0x3FAC]  }
0x2b: {  	s6 =	sld [smem:$0x3FAD]  }
0x2c: {  	s7 =	sld [smem:$0x3FAE]  }
0x2d: {  	s3 =	simm.s32 $0x108;
	s8 =	sld [smem:$0x3FAF]  }
0x2e: {  	s3 =	simm.s32 @!p0 $0x1082;
	s9 =	sld [smem:$0x3FB0]  }
0x2f: {  	lr =	sadd.s32 s0, s3;
	s0 =	sld [smem:$0x3FA7]  }
0x30: {  	s3 =	sld [smem:$0x3FAA]  }
0x31: {  	[smem:$0x3FB3] =	sst s10  }
0x32: {  	s10 =	sld [smem:$0x3FB1];
	_ =	sdelay $0x3  }
0x33: {  	p0 =	seq.s32 s10, $0x1;
	s10 =	sld [smem:$0x3FB3];
	_ =	sdelay $0x3  }
0x34: {  	[smem:$0x3FB3] =	sst s10  }
0x35: {  	s10 =	sld [smem:$0x3FB2];
	_ =	sdelay $0x3  }
0x36: {  	p1 =	seq.s32 s10, $0x1;
	s10 =	sld [smem:$0x3FB3];
	_ =	sdelay $0x3  }
0x37: {  	[smem:$0x3FB3] =	sst s10  }
0x38: {  	s10 =	sld [smem:$0x3FB4]  }
0x39: {  	_ = 	snop;
	(pc) =	sbr.ind lr, $3  }
0x3a: {  	_ = 	snop  }
0x3b: {  	_ = 	snop  }
0x3c: {  	p2 =	seq.s32 s10, $0x1;
	s10 =	sld [smem:$0x3FB3]  }
0x3d: {  	_ =	shalt  }
0x3e: {  	_ =	shalt  }
0x3f: {  	_ =	shalt  }
0x40: {  	_ =	shalt  }
0x41: {  	_ =	shalt  }
0x42: {  	_ =	shalt  }
0x43: {  	_ =	shalt  }
0x44: {  	_ =	shalt  }
0x45: {  	_ =	shalt  }
0x46: {  	_ =	shalt  }
0x47: {  	_ =	shalt  }
0x48: {  	_ =	shalt  }
0x49: {  	_ =	shalt  }
0x4a: {  	_ =	shalt  }
0x4b: {  	_ =	shalt  }
0x4c: {  	_ =	shalt  }
0x4d: {  	_ =	shalt  }
0x4e: {  	_ =	shalt  }
0x4f: {  	_ =	shalt  }
0x50: {  	_ =	shalt  }
0x51: {  	_ =	shalt  }
0x52: {  	_ =	shalt  }
0x53: {  	_ =	shalt  }
0x54: {  	_ =	shalt  }
0x55: {  	_ =	shalt  }
0x56: {  	_ =	shalt  }
0x57: {  	_ =	shalt  }
0x58: {  	_ =	shalt  }
0x59: {  	_ =	shalt  }
0x5a: {  	_ =	shalt  }
0x5b: {  	_ =	shalt  }
0x5c: {  	_ =	shalt  }
0x5d: {  	_ =	shalt  }
0x5e: {  	_ =	shalt  }
0x5f: {  	_ =	shalt  }
0x60: {  	_ =	shalt  }
0x61: {  	_ =	shalt  }
0x62: {  	_ =	shalt  }
0x63: {  	_ =	shalt  }
0x64: {  	_ =	shalt  }
0x65: {  	_ =	shalt  }
0x66: {  	_ =	shalt  }
0x67: {  	_ =	shalt  }
0x68: {  	_ =	shalt  }
0x69: {  	_ =	shalt  }
0x6a: {  	_ =	shalt  }
0x6b: {  	_ =	shalt  }
0x6c: {  	_ =	shalt  }
0x6d: {  	_ =	shalt  }
0x6e: {  	_ =	shalt  }
0x6f: {  	_ =	shalt  }
0x70: {  	_ =	shalt  }
0x71: {  	_ =	shalt  }
0x72: {  	_ =	shalt  }
0x73: {  	_ =	shalt  }
0x74: {  	_ =	shalt  }
0x75: {  	_ =	shalt  }
0x76: {  	_ =	shalt  }
0x77: {  	_ =	shalt  }
0x78: {  	_ =	shalt  }
0x79: {  	_ =	shalt  }
0x7a: {  	_ =	shalt  }
0x7b: {  	_ =	shalt  }
0x7c: {  	_ =	shalt  }
0x7d: {  	_ =	shalt  }
0x7e: {  	_ =	shalt  }
0x7f: {  	_ =	shalt  }
0x80: {  	_ =	shalt  }
0x81: {  	_ =	shalt  }
0x82: {  	_ =	shalt  }
0x83: {  	_ =	shalt  }
0x84: {  	_ =	shalt  }
0x85: {  	_ =	shalt  }
0x86: {  	_ =	shalt  }
0x87: {  	_ =	shalt  }
.Lfunc_end0:
.L_simem_size_0:
called_computation.1_lowered:
.L_overlay_start_0:
0x88: {  	s2 =	sld [smem:$0x3FD9]  }
0x89: {  	s3 =	sld [smem:$0x3FFE];
	_ =	sdelay $0x1  }
0x8a: {  	s1 =	srdreg.scid  }
0x8b: {  	s0 =	sand.u32 $0x1, s1  }
0x8c: {  	s17 =	sshll.u32 s0, $0xA;
	s2 =	sadd.s32 s3, s2  }
0x8d: {  	s2 =	sadd.s32 s2, s17  }
0x8e: {  	[smem:$0x3FBF] =	sst s2  }
0x8f: {  	_ = 	snop  }
0x90: {  	(tm) =	ssettm $0x1  }
0x91: {  	s18 =	sld [smem:$0x3FFB];
	_ =	sdelay $0x3  }
0x92: {  	_ =	strace s18  }
0x93: {  	s2 =	sld [smem:$0x3FFC];
	_ =	sdelay $0x3  }
0x94: {  	_ =	strace s2  }
0x95: {  	s2 =	sld [smem:$0x3FFD];
	_ =	sdelay $0x3  }
0x96: {  	_ =	strace s2  }
0x97: {  	_ =	strace $0x8FFFFFFF  }
0x98: {  	s19 =	sld [smem:$0x3FDB];
	_ =	sdelay $0x1  }
0x99: {  	s20 =	simm.s32 $_scs_section_size  }
0x9a: {  	s4 =	simm.s32 $_size__tile_overlayer_lowered;
	s5 =	simm.s32 $_tile_overlayer_lowered  }
0x9b: {  	s6 =	simm.s32 $0x1BFF;
	s21 =	sshll.u32 s5, $0x1;
	s3 =	sadd.s32 s20, s19  }
0x9c: {  	s22 =	simm.s32 $0x0;
	s4 =	sshll.u32 s4, $0x1;
	s5 =	sadd.s32 s21, s3  }
0x9d: {  	[timem:s22], [sflag:s6] =	dma.local [hbm:s5], s4  }
0x9e: {  	_ =	swait.ge [sflag:s6], s4  }
0x9f: {  	s4 =	ssub.s32 $0x0, s4;
	[sflag:s6] =	ssyncset.done $0x0  }
0xa0: {  	[sflag:s6] =	ssyncadd.s32 s4;
	_ =	sdelay $0x1  }
0xa1: {  	s23 =	simm.s32 $0x1B8B  }
0xa2: {  	_ =	swait.ge [sflag:s23], $0x1  }
0xa3: {  	[sflag:s23] =	ssyncset.done $0x0  }
0xa4: {  	[sflag:s23] =	ssyncadd.s32 $0xFFFFFFFF  }
0xa5: {  	s4 =	sld [smem:$0x0]  }
0xa6: {  	s5 =	sand.u32 $0xFFFFFFFE, s1  }
0xa7: {  	p0 =	sne.s32 s1, s5  }
0xa8: {  	s5 =	sshll.u32 @p0 s5, $0xE  }
0xa9: {  	s5 =	sadd.s32 @p0 $0x11B8D, s5;
	s6 =	sshll.u32 @p0 s4, $0x11  }
0xaa: {  	s5 =	sor.u32 @p0 s6, s5  }
0xab: {  	[sflag:s5] =	ssyncadd.remote.s32 @p0 $0x1;
	_ =	sdelay $0x1  }
0xac: {  	s5 =	simm.s32 @p0 $0x1B8D  }
0xad: {  	_ =	swait.eq @p0 [sflag:s5], $0x1  }
0xae: {  	[sflag:s5] =	ssyncadd.s32 @p0 $0xFFFFFFFF  }
0xaf: {  	s6 =	sshll.u32 @!p0 s1, $0xE  }
0xb0: {  	s6 =	sor.u32 @!p0 $0x4000, s6;
	s5 =	simm.s32 @!p0 $0x1B8D  }
0xb1: {  	s7 =	sshll.u32 @!p0 s4, $0x11;
	s6 =	sadd.s32 @!p0 $0x11B8D, s6;
	_ =	swait.eq @!p0 [sflag:s5], $0x1  }
0xb2: {  	[sflag:s5] =	ssyncadd.s32 @!p0 $0xFFFFFFFF;
	s5 =	sor.u32 @!p0 s7, s6  }
0xb3: {  	s25 =	simm.s32 $0x1B8E;
	s24 =	sld [smem:$0x3FFE];
	[sflag:s5] =	ssyncadd.remote.s32 @!p0 $0x1  }
0xb4: {  	s26 =	simm.s32 $execute0_lowered;
	[smem:$0x3FD2] =	sst s25  }
0xb5: {  	s6 =	sshll.u32 s26, $0x1;
	_ =	strace $0x8000004F;
	[dreg:$0x1] =	wrdreg $0xFFFFFFFF  }
0xb6: {  	s28 =	simm.s32 $_size_execute0_lowered;
	s3 =	sadd.s32 s3, s6;
	[dreg:$0x0] =	wrdreg $0x0  }
0xb7: {  	s6 =	sshll.u32 s28, $0x1;
	[dreg:$0x2] =	wrdreg s3  }
0xb8: {  	[dreg:$0x3] =	wrdreg s6  }
0xb9: {  	[dreg:$0x4] =	wrdreg $0xC0  }
0xba: {  	_ =	task [dreg:s22], $0x5FFFF  }
0xbb: {  	[dreg:$0x1] =	wrdreg $0xFFFFFFFF  }
0xbc: {  	[dreg:$0x0] =	wrdreg $0x60  }
0xbd: {  	[dreg:$0x2] =	wrdreg s24  }
0xbe: {  	[dreg:$0x3] =	wrdreg s1  }
0xbf: {  	[dreg:$0x4] =	wrdreg s4  }
0xc0: {  	[dreg:$0x5] =	wrdreg $0xA  }
0xc1: {  	_ =	task.clear_ibuf [dreg:s22], $0x6FFFF;
	_ =	strace $0x9000004F  }
0xc2: {  	s29 =	simm.s32 $0xA;
	_ =	strace $0x80000051  }
0xc3: {  	_ =	swait.ge [sflag:s29], $0x1  }
0xc4: {  	[sflag:s29] =	ssyncadd.s32 $0xFFFFFFFF  }
0xc5: {  	_ =	strace $0x90000051  }
0xc6: {  	_ =	sfence  }
0xc7: {  	s30 =	sld [smem:$0x0];
	_ =	sdelay $0x2  }
0xc8: {  	s31 =	sshll.u32 s1, $0xD;
	s1 =	sshrl.u32 s1, $0x2  }
0xc9: {  	s4 =	sand.u32 $0x4000, s31;
	s1 =	sadd.s32 s1, s30  }
0xca: {  	s0 =	sor.u32 s4, s0;
	s1 =	sshll.u32 s1, $0x11  }
0xcb: {  	s0 =	sor.u32 s1, s0  }
0xcc: {  	s0 =	sadd.s32 $0x8F2B, s0  }
0xcd: {  	[sflag:s0] =	ssyncadd.remote.s32 $0x1  }
0xce: {  	_ =	sfence.sel $0xFFFF  }
0xcf: {  	[dreg:$0x0] =	wrdreg $0xFFFFFFFF;
	(pc) =	sbr.abs _section_cstart, $3  }
0xd0: {  	[dreg:$0x1] =	wrdreg $0xFFFFFFFF  }
0xd1: {  	_ =	task.clear_ibuf [dreg:s22], $0x2FFFF;
	_ =	strace $0x9FFFFFFF  }
0xd2: {  	(tm) =	ssettm $0x7FFFFFFF  }
0xd3: {  	_ =	shalt  }
tec
execute0_lowered:
.L_overlay_start_1:
0x0: {  	(tag) =	ssettag $0x1  }
0x1: {  	s2 =	rddreg [dreg:$0x0]  }
0x2: {  	s3 =	rddreg [dreg:$0x1];
	_ =	strace $0x80000050;
	s0 =	simm.s32 $0x1  }
0x3: {  	s5 =	simm.s32 $0x208;
	v0 =	vimm.s32 $0x0;
	[sflag:s0] =	ssyncpa.u1 $0x0  }
0x4: {  	[tilespmem:s5+$0x70] =	vst v0  }
0x5: {  	[tilespmem:s5+$0x60] =	vst v0  }
0x6: {  	[tilespmem:s5+$0x50] =	vst v0  }
0x7: {  	[tilespmem:s5+$0x40] =	vst v0  }
0x8: {  	[tilespmem:s5+$0x30] =	vst v0  }
0x9: {  	s1 =	sadd.s32 $0xA58000, s2;
	s0 =	sadd.s32 $0x2C9800, s2;
	s6 =	sadd.s32 $0x1DE0000, s2;
	[tilespmem:s5+$0x20] =	vst v0  }
0xa: {  	s4 =	sadd.s32 $0x2D3600, s2;
	s10 =	sand.u32 $0x1, s3;
	s2 =	simm.s32 $0x40;
	[tilespmem:s5+$0x10] =	vst v0  }
.LBB2_1:
0xb: {  	s2 =	sadd.s32 $0x40, s2;
	[tilespmem:s5+$0x0] =	vst v0;
	s5 =	sadd.s32 $0x80, s5  }
0xc: {  	p0 =	slt.u32 s2, $0x3880;
	[tilespmem:s5+$0x70] =	vst v0  }
0xd: {  	[tilespmem:s5+$0x60] =	vst v0  }
.Ltmp0:
0xe: {  	[tilespmem:s5+$0x50] =	vst v0;
	(pc) =	sbr.rel @p0 .LBB2_1-.Ltmp0, $4  }
0xf: {  	[tilespmem:s5+$0x40] =	vst v0  }
0x10: {  	[tilespmem:s5+$0x30] =	vst v0  }
0x11: {  	[tilespmem:s5+$0x20] =	vst v0  }
0x12: {  	[tilespmem:s5+$0x10] =	vst v0  }
0x13: {  	s11 =	stileid.u32  }
0x14: {  	s2 =	smul.u32 $0x59, s11  }
0x15: {  	s3 =	smin.u32 s11, $0x5  }
0x16: {  	s2 =	sadd.s32 s3, s2  }
0x17: {  	p0 =	slt.u32 s11, $0x5;
	s20 =	smul.u32 $0x70, s2;
	s2 =	simm.s32 $0x2760  }
0x18: {  	s2 =	simm.s32 @!p0 $0x26F0  }
0x19: {  	s2 =	sadd.s32 s2, s20  }
0x1a: {  	s8 =	smin.u32 s2, $0x27100  }
0x1b: {  	s26 =	simm.s32 $0x2;
	s2 =	ssub.s32 s8, s20  }
0x1c: {  	s9 =	simm.s32 $0x9;
	s29 =	simm.s32 $0xA;
	p0 =	sgt.s32 s2, $0x0  }
0x1d: {  	s30 =	simm.s32 $0xB;
	s31 =	smul.u32 $0x4E20, s10;
	s2 =	simm.s32 @!p0 $0x0  }
0x1e: {  	[dreg:$0x4] =	wrdreg s10;
	s12 =	simm.s32 $0x1;
	s25 =	smulhi.u32 $0x92492493, s2  }
0x1f: {  	s24 =	simm.s32 $0x0;
	p1 =	por $0x0, $0x0;
	s18 =	simm.s32 $0x80  }
0x20: {  	s19 =	simm.s32 $0x400;
	s17 =	simm.s32 $0xC;
	s3 =	sshrl.u32 s25, $0x6  }
0x21: {  	s21 =	simm.s32 $0x0;
	s23 =	simm.s32 $0x0;
	s28 =	smul.u32 $0x70, s3  }
.Ltmp1:
0x22: {  	[tilespmem:s5+$0x0] =	vst v0;
	v0 =	vimm.s32 $0xFFFFFFFF;
	[sflag:s26] =	ssyncpa.u1 $0x0;
	s16 =	sshll.u32 s11, $0x9;
	(pc) =	sbr.rel .LBB2_3-.Ltmp1, $4  }
0x23: {  	[tilespmem:$0xE408] =	vst v0;
	[sflag:s9] =	ssyncpa.u1 $0x0;
	p0 =	sne.s32 s2, s28;
	s2 =	simm.s32 $0x1  }
0x24: {  	s14 =	sadd.s32 s31, s4;
	[sflag:s29] =	ssyncpa.u1 $0x0;
	s2 =	simm.s32 @!p0 $0x0  }
0x25: {  	s15 =	sadd.s32 s31, s0;
	[sflag:s30] =	ssyncpa.u1 $0x0;
	s13 =	sadd.s32 s2, s3  }
0x26: {  	v0 =	vlaneseq.u32;
	s22 =	smov.u32 s20;
	p0 =	por $0x1, $0x1;
	s11 =	sadd.s32 $0x1, s13  }
.LBB2_24:
0x27: {  	s2 =	sshrl.u32 s4, $0x2  }
.LBB2_26:
0x28: {  	_ =	swait.ge [sflag:s17], s2  }
0x29: {  	s31 =	ssub.s32 $0x0, s2;
	v1 =	vmov s26;
	vm0 =	veq.s32 v0, $0x0;
	[sflag:s17] =	ssyncset.done $0x0  }
0x2a: {  	vm15 =	veq.s32 v0, $0x2;
	v1 =	vsel vm0, s0, v1;
	[sflag:s17] =	ssyncadd.s32 s31  }
0x2b: {  	v1 =	vsel vm15, s24, v1;
	[sflag:s17] =	ssyncpa.u1 $0x1  }
0x2c: {  	[tilespmem:$0xE408] =	vst v1  }
.LBB2_27:
0x2d: {  	s0 =	sadd.s32 $0x70, s22  }
0x2e: {  	s2 =	smov.u32 s20;
	p2 =	slt.s32 s0, s8  }
0x2f: {  	s2 =	smov.u32 @p2 s0;
	p2 =	sne.s32 s23, s11  }
.Ltmp2:
0x30: {  	_ = 	snop;
	(pc) =	sbr.rel @!p2 .LBB2_28-.Ltmp2, $4  }
0x31: {  	_ = 	snop  }
0x32: {  	s24 =	smov.u32 s21  }
0x33: {  	s31 =	sadd.s32 $0x1, s23;
	s21 =	smov.u32 s22;
	p0 =	por !p0, !p0  }
0x34: {  	p1 =	por !p1, !p1;
	s23 =	smov.u32 s31;
	s22 =	smov.u32 s2  }
.LBB2_3:
0x35: {  	p2 =	sge.u32 s23, s13  }
0x36: {  	s0 =	smulhi.u32 @!p2 $0xAAAAAAAB, s23  }
0x37: {  	s2 =	smov.u32 s22;
	p3 =	sgt.s32 @!p2 s22, $0x27090  }
0x38: {  	s3 =	sshra.s32 @!p2 s22, $0x1F;
	p3 =	por !p3, p2;
	s0 =	sshrl.u32 @!p2 s0, $0x1  }
0x39: {  	s3 =	sand.u32 @!p2 s3, s22;
	s2 =	simm.s32 @p3 $0x27090;
	s0 =	smul.u32 @!p2 $0x3, s0  }
0x3a: {  	s2 =	ssub.s32 @!p2 s2, s3  }
0x3b: {  	s2 =	sadd.s32 @!p2 $0xFFFD8F70, s2;
	s0 =	ssub.s32 @!p2 s23, s0  }
0x3c: {  	s3 =	sshll.u32 @!p2 s2, $0x2;
	p3 =	sgt.s32 @!p2 s2, $0x6F;
	s0 =	smul.u32 @!p2 $0x1C0, s0  }
0x3d: {  	s4 =	sand.u32 @!p2 $0x7, s22;
	s2 =	ssub.s32 @!p2 $0x1C0, s3;
	p3 =	por !p3, p2  }
0x3e: {  	s3 =	sshrl.u32 @!p2 s22, $0x3;
	s2 =	sshrl.u32 @!p2 s2, $0x2;
	s0 =	sshrl.u32 @!p2 s0, $0x2  }
0x3f: {  	s3 =	sadd.s32 @!p2 s3, s14;
	s2 =	simm.s32 @!p3 $0x0;
	s0 =	sadd.s32 @!p2 $0x10448, s0  }
0x40: {  	[tilespmem:s0], [sflag:$0xA] =	stream.linear.gather @!p2 [hbm4b:s3+s4], s2, $0x38;
	[tilespmem:$0x1E678] =	vst v63  }
0x41: {  	s2 =	sadd.s32 $0xFFFFFFFF, s23  }
0x42: {  	p2 =	sge.u32 s2, s13  }
0x43: {  	p3 =	sgt.s32 @!p2 s21, $0x27090  }
0x44: {  	s0 =	smov.u32 s21;
	s3 =	sshra.s32 @!p2 s21, $0x1F;
	p3 =	por !p3, p2  }
0x45: {  	s3 =	sand.u32 @!p2 s3, s21;
	s0 =	simm.s32 @p3 $0x27090  }
0x46: {  	s0 =	ssub.s32 @!p2 s0, s3  }
0x47: {  	s0 =	sadd.s32 @!p2 $0xFFFD8F70, s0  }
0x48: {  	s3 =	sshll.u32 @!p2 s0, $0x2  }
0x49: {  	p3 =	sgt.s32 @!p2 s0, $0x6F;
	s0 =	ssub.s32 @!p2 $0x1C0, s3  }
0x4a: {  	p3 =	por !p3, p2;
	s0 =	sshrl.u32 @!p2 s0, $0x2  }
0x4b: {  	s4 =	simm.s32 @!p2 $0xA;
	s3 =	sand.u32 @!p2 $0x1, s2;
	s0 =	simm.s32 @!p3 $0x0  }
0x4c: {  	s3 =	smul.u32 @!p2 $0x1C0, s3;
	_ =	swait.ge @!p2 [sflag:s4], s0  }
0x4d: {  	s5 =	ssub.s32 @!p2 $0x0, s0;
	[sflag:s4] =	ssyncset.done @!p2 $0x0  }
0x4e: {  	s3 =	sshrl.u32 @!p2 s3, $0x2;
	[sflag:s4] =	ssyncadd.s32 @!p2 s5;
	s4 =	sshrl.u32 @!p2 s21, $0x3  }
0x4f: {  	s3 =	sadd.s32 @!p2 $0x10598, s3;
	s5 =	sand.u32 @!p2 $0x7, s21;
	s4 =	sadd.s32 @!p2 s4, s15  }
0x50: {  	[tilespmem:s3], [sflag:$0xB] =	stream.linear.gather @!p2 [hbm4b:s4+s5], s0, $0x38;
	[tilespmem:$0x1E678] =	vst v63  }
0x51: {  	s0 =	ssub.s32 @!p2 $0x27100, s21  }
0x52: {  	p3 =	slt.s32 @!p2 s0, $0x1  }
0x53: {  	p3 =	por p2, p3  }
.Ltmp3:
0x54: {  	_ = 	snop;
	(pc) =	sbr.rel @p3 .LBB2_9-.Ltmp3, $1  }
0x55: {  	_ =	sdelay $0x3  }
0x56: {  	s3 =	smulhi.u32 $0xAAAAAAAB, s2;
	_ =	sdelay $0x1  }
0x57: {  	s3 =	sshrl.u32 s3, $0x1  }
0x58: {  	s3 =	smul.u32 $0x3, s3;
	_ =	sdelay $0x1  }
0x59: {  	s30 =	ssub.s32 s2, s3  }
0x5a: {  	s4 =	simm.s32 $0x1;
	s2 =	smul.u32 $0x1C0, s30  }
.Ltmp4:
0x5b: {  	s4 =	simm.s32 @!p0 $0x0;
	(pc) =	sbr.rel .LBB2_6-.Ltmp4, $4  }
0x5c: {  	s31 =	smul.u32 $0x1C000, s4  }
0x5d: {  	p3 =	slt.s32 @!p2 s0, $0x70;
	s2 =	sshrl.u32 s2, $0x2  }
0x5e: {  	p2 =	por !p3, p2;
	s3 =	sshrl.u32 s31, $0x2;
	s5 =	sadd.s32 $0x10448, s2  }
0x5f: {  	s0 =	simm.s32 @p2 $0x70;
	s4 =	sor.u32 $0x10678, s3;
	s2 =	simm.s32 $0x0;
	v1 =	vmov s5  }
.LBB2_5:
0x60: {  	p2 =	sge.s32 s2, s0  }
.Ltmp5:
0x61: {  	_ = 	snop;
	(pc) =	sbr.rel @p2 .LBB2_9-.Ltmp5, $2  }
0x62: {  	_ =	sdelay $0x2  }
0x63: {  	s4 =	sadd.s32 $0x1000, s4  }
.LBB2_6:
0x64: {  	p2 =	sle.s32 s0, s2  }
.Ltmp6:
0x65: {  	_ = 	snop;
	(pc) =	sbr.rel @p2 .LBB2_5-.Ltmp6, $2  }
0x66: {  	_ =	sdelay $0x2  }
0x67: {  	s5 =	smov.u32 s2;
	s2 =	sadd.s32 $0x10, s2  }
0x68: {  	s3 =	ssub.s32 s0, s5  }
0x69: {  	p2 =	slt.s32 s3, $0x10  }
0x6a: {  	s3 =	simm.s32 @!p2 $0x10  }
0x6b: {  	v2 =	vmov s3  }
0x6c: {  	vm0 =	vgt.s32 v2, v0;
	_ =	sdelay $0x5  }
0x6d: {  	v2 =	vld.idx.msk [tilespmem:v1+s5+$0x0 ss:$0x1], vm0;
	_ =	sdelay $0x2  }
0x6e: {  	p2 =	slt.s32 s2, s0;
	s3 =	smov.u32 s0  }
0x6f: {  	s9 =	smov.u32 s4;
	s25 =	simm.s32 $0x0;
	s3 =	smov.u32 @p2 s2  }
.LBB2_8:
0x70: {  	(v2sf) =	vpush v2, s25;
	_ =	sdelay $0xe  }
0x71: {  	s25 =	sadd.s32 $0x1, s25;
	s10 =	spop (v2sf)  }
0x72: {  	s31 =	sadd.s32 s25, s5;
	s26 =	sshll.u32 s10, $0x8;
	s10 =	sshll.u32 s10, $0x7  }
0x73: {  	p2 =	slt.s32 s31, s3;
	s26 =	sand.u32 $0xFFFFF800, s26;
	s10 =	sand.u32 $0x380, s10  }
.Ltmp7:
0x74: {  	s10 =	sor.u32 s10, s26;
	(pc) =	sbr.rel @p2 .LBB2_8-.Ltmp7, $4  }
0x75: {  	s10 =	sshrl.u32 s10, $0x3  }
0x76: {  	s10 =	sadd.s32 s6, s10  }
0x77: {  	[tilespmem:s9], [sflag:$0x9] =	stream.strided.gather [hbm4b:s10+s18], $0x100, s19, s18, $0x38;
	[tilespmem:$0x1E678] =	vst v63  }
0x78: {  	s9 =	sadd.s32 $0x100, s9  }
.Ltmp8:
0x79: {  	_ = 	snop;
	(pc) =	sbr.rel .LBB2_5-.Ltmp8, $1  }
0x7a: {  	_ =	sdelay $0x3  }
.LBB2_9:
0x7b: {  	p2 =	slt.u32 s23, $0x2  }
.Ltmp9:
0x7c: {  	_ = 	snop;
	(pc) =	sbr.rel @p2 .LBB2_27-.Ltmp9, $1  }
0x7d: {  	_ =	sdelay $0x3  }
0x7e: {  	p2 =	sgt.s32 s24, $0x27090  }
0x7f: {  	s0 =	smov.u32 s24;
	s2 =	sshra.s32 s24, $0x1F;
	s3 =	ssub.s32 $0x27100, s24  }
0x80: {  	s0 =	simm.s32 @!p2 $0x27090;
	s2 =	sand.u32 s2, s24;
	p2 =	slt.s32 s3, $0x70  }
0x81: {  	s0 =	ssub.s32 s0, s2;
	s3 =	simm.s32 @!p2 $0x70  }
0x82: {  	s0 =	sadd.s32 $0xFFFD8F70, s0;
	s9 =	sshll.u32 s3, $0x8  }
0x83: {  	s26 =	simm.s32 $0x9;
	s10 =	sshll.u32 s0, $0x2;
	s2 =	sand.u32 $0x3FFFFF00, s9  }
0x84: {  	p2 =	sgt.s32 s0, $0x6F;
	s25 =	ssub.s32 $0x1C0, s10;
	_ =	swait.ge [sflag:s26], s2  }
0x85: {  	s2 =	ssub.s32 $0x0, s2;
	[sflag:s26] =	ssyncset.done $0x0;
	s0 =	sshrl.u32 s25, $0x2  }
0x86: {  	s29 =	simm.s32 $0xB;
	[sflag:s26] =	ssyncadd.s32 s2;
	s0 =	simm.s32 @p2 $0x0  }
0x87: {  	_ =	swait.ge [sflag:s29], s0  }
0x88: {  	s0 =	ssub.s32 $0x0, s0;
	[sflag:s29] =	ssyncset.done $0x0  }
0x89: {  	[sflag:s29] =	ssyncadd.s32 s0  }
0x8a: {  	v1 =	vld [tilespmem:$0xE408];
	_ =	sdelay $0x4  }
0x8b: {  	(v2sf) =	vpush v1, $0x0  }
0x8c: {  	(v2sf) =	vpush v1, $0x1  }
0x8d: {  	(v2sf) =	vpush v1, $0x2;
	_ =	sdelay $0x3  }
0x8e: {  	s0 =	sadd.s32 $0x70, s24  }
0x8f: {  	s2 =	ssub.s32 $0x4E200, s24;
	p2 =	slt.s32 s8, s0  }
0x90: {  	s0 =	smov.u32 @p2 s8;
	p2 =	sgt.s32 s2, $0x0  }
0x91: {  	s0 =	ssub.s32 s0, s24;
	s2 =	simm.s32 @!p2 $0x0  }
0x92: {  	p2 =	slt.s32 s2, s0  }
0x93: {  	s0 =	smov.u32 @p2 s2  }
0x94: {  	s4 =	simm.s32 $0x1;
	p2 =	slt.s32 s0, $0x1  }
.Ltmp10:
0x95: {  	s4 =	simm.s32 @!p1 $0x0;
	(pc) =	sbr.rel @p2 .LBB2_14-.Ltmp10, $4  }
0x96: {  	s30 =	smul.u32 $0x1C0, s4  }
0x97: {  	s5 =	spop (v2sf)  }
0x98: {  	s31 =	sshrl.u32 s30, $0x2;
	s28 =	spop (v2sf)  }
0x99: {  	s25 =	sadd.s32 $0x10598, s31;
	s24 =	spop (v2sf)  }
0x9a: {  	s2 =	smin.u32 s0, $0x10  }
0x9b: {  	v1 =	vmov s2  }
0x9c: {  	vm1 =	vgt.u32 v1, v0  }
0x9d: {  	p3 =	sgt.s32 s0, $0x10  }
.Ltmp11:
0x9e: {  	_ = 	snop;
	(pc) =	sbr.rel @!p3 .LBB2_13-.Ltmp11, $2  }
0x9f: {  	_ =	sdelay $0x2  }
0xa0: {  	s26 =	simm.s32 $0x10;
	s29 =	sadd.s32 $0xFFFFFFF0, s0;
	s2 =	smov.u32 s25;
	vm0 =	vmmov vm1;
	v1 =	vld.msk [tilespmem:s25+$0x0 ss:$0x1], vm1  }
.LBB2_12:
0xa1: {  	s3 =	smin.u32 s29, $0x10;
	s26 =	sadd.s32 $0x10, s26  }
0xa2: {  	v2 =	vmov s3;
	p3 =	slt.s32 s26, s0  }
0xa3: {  	vm1 =	vgt.u32 v2, v0;
	_ =	sdelay $0x1  }
0xa4: {  	v2 =	vshll.u32 v1, $0x5;
	v1 =	vshll.u32 v1, $0x4  }
.Ltmp12:
0xa5: {  	v2 =	vand.u32 $0xFFFFFF00, v2;
	v1 =	vand.u32 $0x70, v1;
	(pc) =	sbr.rel @p3 .LBB2_12-.Ltmp12, $4  }
0xa6: {  	v1 =	vor.u32 v1, v2  }
0xa7: {  	[tilespmem:s2+$0x0] =	vst.msk vm0, v1;
	s2 =	sadd.s32 $0x10, s2;
	vm0 =	vmmov vm1  }
0xa8: {  	v1 =	vld.msk [tilespmem:s2+$0x0 ss:$0x1], vm1  }
0xa9: {  	s29 =	sadd.s32 $0xFFFFFFF0, s29  }
.LBB2_13:
0xaa: {  	_ =	sdelay $0x3  }
0xab: {  	v2 =	vshll.u32 v1, $0x5;
	v1 =	vshll.u32 v1, $0x4  }
0xac: {  	v2 =	vand.u32 $0xFFFFFF00, v2;
	v1 =	vand.u32 $0x70, v1  }
0xad: {  	v1 =	vor.u32 v1, v2  }
0xae: {  	[tilespmem:s2+$0x0] =	vst.msk vm0, v1  }
.LBB2_14:
0xaf: {  	s2 =	sand.u32 $0x1, s23  }
0xb0: {  	s2 =	smul.u32 $0x70, s2  }
0xb1: {  	p3 =	sne.s32 s28, $0xFFFFFFFF  }
0xb2: {  	v1 =	vld.msk @!p3 [tilespmem:s2+$0x10598], $0x1;
	_ =	sdelay $0x4  }
0xb3: {  	(v2sf) =	vpush @!p3 v1, $0x0;
	_ =	sdelay $0xc  }
.Ltmp13:
0xb4: {  	_ = 	snop;
	(pc) =	sbr.rel @p2 .LBB2_25-.Ltmp13, $4  }
0xb5: {  	_ = 	snop  }
0xb6: {  	s31 =	spop @!p3 (v2sf)  }
0xb7: {  	s24 =	simm.s32 @!p3 $0x0;
	s26 =	smov.u32 s31  }
0xb8: {  	[sflag:s17] =	ssyncpa.u1 $0x0;
	s31 =	smov.u32 @p3 s5;
	s26 =	smov.u32 @p3 s28  }
0xb9: {  	v1 =	vld.msk [tilespmem:s25+$0x0], $0x1;
	_ =	sdelay $0x4  }
0xba: {  	(v2sf) =	vpush v1, $0x0;
	_ =	sdelay $0xe  }
0xbb: {  	s7 =	smov.u32 s11;
	s5 =	spop (v2sf)  }
0xbc: {  	s17 =	smov.u32 s15;
	s2 =	smul.u32 $0x1C000, s4;
	p2 =	seq.s32 s31, s5  }
0xbd: {  	s3 =	smov.u32 s31;
	s29 =	ssub.s32 $0x0, s0;
	p3 =	sgt.s32 @!p2 s31, $0x0  }
0xbe: {  	s30 =	simm.s32 $0x0;
	s2 =	sshrl.u32 s2, $0x2;
	p3 =	por !p3, p2  }
0xbf: {  	s0 =	sadd.s32 $0x1, s29;
	s28 =	sor.u32 $0x106F8, s2;
	s3 =	simm.s32 @p3 $0x0  }
0xc0: {  	s2 =	simm.s32 @!p2 $0x1;
	p3 =	seq.s32 s0, $0x0;
	s3 =	smin.u32 @!p2 s3, $0x4E1F70  }
.Ltmp14:
0xc1: {  	s4 =	simm.s32 @!p2 $0x7308;
	s9 =	sand.u32 @!p2 $0x7FFFF8, s3;
	(pc) =	sbr.rel @p3 .LBB2_17-.Ltmp14, $4  }
0xc2: {  	s10 =	sadd.s32 @!p2 $0x80, s3;
	s11 =	sadd.s32 @!p2 s1, s9;
	s9 =	sand.u32 @!p2 $0x7, s3  }
0xc3: {  	[tilespmem:s4], [sflag:$0x2] =	stream.linear.gather @!p2 [hbm4b:s11+s9], $0x80, $0x38;
	[tilespmem:$0x1E678] =	vst v63  }
0xc4: {  	s15 =	smov.u32 s14;
	s2 =	smov.u32 @p2 s30;
	s4 =	sand.u32 @!p2 $0xFFFFF8, s10  }
0xc5: {  	s3 =	simm.s32 @!p2 $0x7388;
	s10 =	sadd.s32 @!p2 s1, s4;
	s4 =	sadd.s32 $0x1, s25  }
.LBB2_16:
0xc6: {  	s11 =	smov.u32 s2  }
0xc7: {  	[tilespmem:s3], [sflag:$0x2] =	stream.linear.gather @!p2 [hbm4b:s10+s9], $0x80, $0x38;
	[tilespmem:$0x1E678] =	vst v63  }
0xc8: {  	s0 =	sadd.s32 $0x1, s0;
	s9 =	smov.u32 s5;
	v1 =	vld.msk [tilespmem:s4+$0x0], $0x1  }
0xc9: {  	p3 =	seq.s32 s0, $0x0;
	_ =	sdelay $0x3  }
0xca: {  	(v2sf) =	vpush v1, $0x0;
	_ =	sdelay $0xe  }
0xcb: {  	s5 =	spop (v2sf)  }
0xcc: {  	p2 =	seq.s32 s9, s5  }
0xcd: {  	p4 =	sgt.s32 @!p2 s9, $0x0;
	s3 =	sshll.u32 @!p2 s2, $0xA;
	s2 =	sadd.s32 @!p2 $0x1, s2  }
0xce: {  	p4 =	por !p4, p2;
	s3 =	sshra.s32 @!p2 s3, $0x2;
	s2 =	smov.u32 @p2 s11  }
0xcf: {  	s9 =	simm.s32 @p4 $0x0;
	s10 =	sadd.s32 @!p2 $0x7308, s3;
	s3 =	sadd.s32 @!p2 $0x7388, s3  }
.Ltmp15:
0xd0: {  	s9 =	smin.u32 @!p2 s9, $0x4E1F70;
	(pc) =	sbr.rel @!p3 .LBB2_16-.Ltmp15, $4  }
0xd1: {  	s11 =	sand.u32 @!p2 $0x7FFFF8, s9;
	s14 =	sadd.s32 @!p2 $0x80, s9  }
0xd2: {  	s9 =	sand.u32 @!p2 $0x7, s9;
	s11 =	sadd.s32 @!p2 s1, s11;
	s14 =	sand.u32 @!p2 $0xFFFFF8, s14  }
0xd3: {  	[tilespmem:s10], [sflag:$0x2] =	stream.linear.gather @!p2 [hbm4b:s11+s9], $0x80, $0x38;
	[tilespmem:$0x1E678] =	vst v63  }
0xd4: {  	s4 =	sadd.s32 $0x1, s4;
	s10 =	sadd.s32 @!p2 s1, s14  }
.LBB2_17:
0xd5: {  	[tilespmem:s3], [sflag:$0x2] =	stream.linear.gather @!p2 [hbm4b:s10+s9], $0x80, $0x38;
	[tilespmem:$0x1E678] =	vst v63  }
0xd6: {  	s0 =	sshll.u32 s2, $0x8  }
.Ltmp16:
0xd7: {  	s14 =	simm.s32 $0x2;
	s0 =	sand.u32 $0x3FFFFF00, s0;
	(pc) =	sbr.rel .LBB2_18-.Ltmp16, $4  }
0xd8: {  	_ =	swait.ge [sflag:s14], s0  }
0xd9: {  	s0 =	ssub.s32 $0x0, s0;
	[sflag:s14] =	ssyncset.done $0x0  }
0xda: {  	s4 =	simm.s32 $0x0;
	s11 =	smov.u32 s7;
	[sflag:s14] =	ssyncadd.s32 s0  }
0xdb: {  	s14 =	smov.u32 s15;
	s15 =	smov.u32 s17;
	s17 =	simm.s32 $0xC  }
.LBB2_19:
0xdc: {  	v1 =	vld [tilespmem:s28+$0xFFFFFF80];
	_ =	sdelay $0x4  }
0xdd: {  	[tilespmem:s5+$0x208] =	vst.add.f32.msk $0xffff, v1  }
0xde: {  	v1 =	vld [tilespmem:s28+$0xFFFFFF90];
	_ =	sdelay $0x4  }
0xdf: {  	[tilespmem:s5+$0x218] =	vst.add.f32.msk $0xffff, v1  }
0xe0: {  	v1 =	vld [tilespmem:s28+$0xFFFFFFA0];
	_ =	sdelay $0x4  }
0xe1: {  	[tilespmem:s5+$0x228] =	vst.add.f32.msk $0xffff, v1  }
0xe2: {  	v1 =	vld [tilespmem:s28+$0xFFFFFFB0];
	_ =	sdelay $0x4  }
0xe3: {  	[tilespmem:s5+$0x238] =	vst.add.f32.msk $0xffff, v1  }
0xe4: {  	v1 =	vld [tilespmem:s28+$0xFFFFFFC0];
	_ =	sdelay $0x4  }
0xe5: {  	[tilespmem:s5+$0x248] =	vst.add.f32.msk $0xffff, v1  }
0xe6: {  	v1 =	vld [tilespmem:s28+$0xFFFFFFD0];
	_ =	sdelay $0x4  }
0xe7: {  	[tilespmem:s5+$0x258] =	vst.add.f32.msk $0xffff, v1  }
0xe8: {  	v1 =	vld [tilespmem:s28+$0xFFFFFFE0];
	_ =	sdelay $0x4  }
0xe9: {  	[tilespmem:s5+$0x268] =	vst.add.f32.msk $0xffff, v1  }
0xea: {  	v1 =	vld [tilespmem:s28+$0xFFFFFFF0];
	_ =	sdelay $0x4  }
0xeb: {  	[tilespmem:s5+$0x278] =	vst.add.f32.msk $0xffff, v1  }
0xec: {  	v1 =	vld [tilespmem:s28+$0x0];
	_ =	sdelay $0x4  }
0xed: {  	[tilespmem:s5+$0x288] =	vst.add.f32.msk $0xffff, v1  }
0xee: {  	v1 =	vld [tilespmem:s28+$0x10];
	_ =	sdelay $0x4  }
0xef: {  	[tilespmem:s5+$0x298] =	vst.add.f32.msk $0xffff, v1  }
0xf0: {  	v1 =	vld [tilespmem:s28+$0x20];
	_ =	sdelay $0x4  }
0xf1: {  	[tilespmem:s5+$0x2A8] =	vst.add.f32.msk $0xffff, v1  }
0xf2: {  	v1 =	vld [tilespmem:s28+$0x30];
	_ =	sdelay $0x4  }
0xf3: {  	[tilespmem:s5+$0x2B8] =	vst.add.f32.msk $0xffff, v1  }
0xf4: {  	v1 =	vld [tilespmem:s28+$0x40];
	_ =	sdelay $0x4  }
0xf5: {  	[tilespmem:s5+$0x2C8] =	vst.add.f32.msk $0xffff, v1  }
0xf6: {  	v1 =	vld [tilespmem:s28+$0x50];
	_ =	sdelay $0x4  }
0xf7: {  	[tilespmem:s5+$0x2D8] =	vst.add.f32.msk $0xffff, v1  }
0xf8: {  	v1 =	vld [tilespmem:s28+$0x60];
	_ =	sdelay $0x4  }
0xf9: {  	[tilespmem:s5+$0x2E8] =	vst.add.f32.msk $0xffff, v1  }
0xfa: {  	v1 =	vld [tilespmem:s28+$0x70];
	_ =	sdelay $0x4  }
0xfb: {  	[tilespmem:s5+$0x2F8] =	vst.add.f32.msk $0xffff, v1  }
.LBB2_23:
0xfc: {  	s29 =	sadd.s32 $0x1, s29  }
0xfd: {  	p2 =	seq.s32 s29, $0x0  }
.Ltmp17:
0xfe: {  	_ = 	snop;
	(pc) =	sbr.rel @p2 .LBB2_24-.Ltmp17, $2  }
0xff: {  	_ =	sdelay $0x2  }
0x100: {  	s25 =	sadd.s32 $0x1, s25;
	s28 =	sadd.s32 $0x100, s28;
	s31 =	smov.u32 s0  }
.LBB2_18:
0x101: {  	v1 =	vld.msk [tilespmem:s25+$0x0], $0x1;
	_ =	sdelay $0x4  }
0x102: {  	(v2sf) =	vpush v1, $0x0;
	_ =	sdelay $0xe  }
0x103: {  	s0 =	spop (v2sf)  }
0x104: {  	p2 =	sne.s32 s31, s0  }
.Ltmp18:
0x105: {  	_ = 	snop;
	(pc) =	sbr.rel @!p2 .LBB2_19-.Ltmp18, $3  }
0x106: {  	_ =	sdelay $0x1  }
0x107: {  	s2 =	sshll.u32 s24, $0xA  }
0x108: {  	s5 =	sshra.s32 s2, $0x2  }
0x109: {  	p2 =	seq.s32 s31, s26  }
.Ltmp19:
0x10a: {  	_ = 	snop;
	(pc) =	sbr.rel @!p2 .LBB2_21-.Ltmp19, $1  }
0x10b: {  	_ =	sdelay $0x3  }
.Ltmp20:
0x10c: {  	s2 =	sadd.s32 $0x208, s5;
	(pc) =	sbr.rel .LBB2_22-.Ltmp20, $4  }
0x10d: {  	[spmem:s16] =	stream.linear.scatter [tilespmem:s2], [sflag:$0x1], $0x100, $0x38;
	[tilespmem:$0x1E678] =	vst v63  }
0x10e: {  	_ =	swait.ge [sflag:s12], $0x100  }
0x10f: {  	[sflag:s12] =	ssyncset.done $0x0  }
0x110: {  	[sflag:s12] =	ssyncadd.s32 $0xFFFFFF00  }
.LBB2_21:
0x111: {  	s2 =	sshll.u32 s30, $0xA  }
0x112: {  	s2 =	sshra.s32 s2, $0x2  }
0x113: {  	v1 =	vld [tilespmem:s2+$0x7308];
	_ =	sdelay $0x4  }
0x114: {  	[tilespmem:s5+$0x208] =	vst.add.f32.msk $0xffff, v1  }
0x115: {  	v1 =	vld [tilespmem:s2+$0x7318];
	_ =	sdelay $0x4  }
0x116: {  	[tilespmem:s5+$0x218] =	vst.add.f32.msk $0xffff, v1  }
0x117: {  	v1 =	vld [tilespmem:s2+$0x7328];
	_ =	sdelay $0x4  }
0x118: {  	[tilespmem:s5+$0x228] =	vst.add.f32.msk $0xffff, v1  }
0x119: {  	v1 =	vld [tilespmem:s2+$0x7338];
	_ =	sdelay $0x4  }
0x11a: {  	[tilespmem:s5+$0x238] =	vst.add.f32.msk $0xffff, v1  }
0x11b: {  	v1 =	vld [tilespmem:s2+$0x7348];
	_ =	sdelay $0x4  }
0x11c: {  	[tilespmem:s5+$0x248] =	vst.add.f32.msk $0xffff, v1  }
0x11d: {  	v1 =	vld [tilespmem:s2+$0x7358];
	_ =	sdelay $0x4  }
0x11e: {  	[tilespmem:s5+$0x258] =	vst.add.f32.msk $0xffff, v1  }
0x11f: {  	v1 =	vld [tilespmem:s2+$0x7368];
	_ =	sdelay $0x4  }
0x120: {  	[tilespmem:s5+$0x268] =	vst.add.f32.msk $0xffff, v1  }
0x121: {  	v1 =	vld [tilespmem:s2+$0x7378];
	_ =	sdelay $0x4  }
0x122: {  	[tilespmem:s5+$0x278] =	vst.add.f32.msk $0xffff, v1  }
0x123: {  	v1 =	vld [tilespmem:s2+$0x7388];
	_ =	sdelay $0x4  }
0x124: {  	[tilespmem:s5+$0x288] =	vst.add.f32.msk $0xffff, v1  }
0x125: {  	v1 =	vld [tilespmem:s2+$0x7398];
	_ =	sdelay $0x4  }
0x126: {  	[tilespmem:s5+$0x298] =	vst.add.f32.msk $0xffff, v1  }
0x127: {  	v1 =	vld [tilespmem:s2+$0x73A8];
	_ =	sdelay $0x4  }
0x128: {  	[tilespmem:s5+$0x2A8] =	vst.add.f32.msk $0xffff, v1  }
0x129: {  	v1 =	vld [tilespmem:s2+$0x73B8];
	_ =	sdelay $0x4  }
0x12a: {  	[tilespmem:s5+$0x2B8] =	vst.add.f32.msk $0xffff, v1  }
0x12b: {  	v1 =	vld [tilespmem:s2+$0x73C8];
	_ =	sdelay $0x4  }
0x12c: {  	[tilespmem:s5+$0x2C8] =	vst.add.f32.msk $0xffff, v1  }
0x12d: {  	v1 =	vld [tilespmem:s2+$0x73D8];
	_ =	sdelay $0x4  }
0x12e: {  	[tilespmem:s5+$0x2D8] =	vst.add.f32.msk $0xffff, v1  }
0x12f: {  	v1 =	vld [tilespmem:s2+$0x73E8];
	_ =	sdelay $0x4  }
0x130: {  	[tilespmem:s5+$0x2E8] =	vst.add.f32.msk $0xffff, v1  }
0x131: {  	v1 =	vld [tilespmem:s2+$0x73F8];
	_ =	sdelay $0x2  }
0x132: {  	p2 =	sgt.u32 s31, $0x4E1F70  }
0x133: {  	s2 =	sand.u32 @!p2 $0x7FFFF8, s31  }
0x134: {  	s3 =	sadd.s32 $0x208, s5;
	s9 =	sand.u32 @!p2 $0x7, s31;
	s2 =	sadd.s32 @!p2 s1, s2;
	[tilespmem:s5+$0x2F8] =	vst.add.f32.msk $0xffff, v1  }
0x135: {  	[hbm4b:s2+s9] =	stream.linear.scatter @!p2 [tilespmem:s3], [sflag:$0xC], $0x80, $0x38;
	[tilespmem:$0x1E678] =	vst v63  }
0x136: {  	s2 =	sadd.s32 @!p2 $0x80, s31  }
0x137: {  	s2 =	sand.u32 @!p2 $0xFFFFF8, s2  }
0x138: {  	s3 =	sadd.s32 $0x288, s5;
	s2 =	sadd.s32 @!p2 s1, s2  }
0x139: {  	[hbm4b:s2+s9] =	stream.linear.scatter @!p2 [tilespmem:s3], [sflag:$0xC], $0x80, $0x38;
	[tilespmem:$0x1E678] =	vst v63  }
0x13a: {  	s2 =	simm.s32 $0x0  }
0x13b: {  	s2 =	simm.s32 @!p2 $0x400  }
0x13c: {  	s4 =	sadd.s32 s2, s4  }
.LBB2_22:
0x13d: {  	s2 =	sadd.s32 $0x1, s24  }
0x13e: {  	s3 =	sshrl.u32 s2, $0x4  }
0x13f: {  	s3 =	smulhi.u32 $0x24924925, s3  }
0x140: {  	v1 =	vld [tilespmem:s28+$0xFFFFFF80]  }
0x141: {  	s3 =	smul.u32 $0x70, s3;
	_ =	sdelay $0x1  }
0x142: {  	s24 =	ssub.s32 s2, s3  }
0x143: {  	s2 =	sshll.u32 s24, $0x8  }
0x144: {  	[tilespmem:s2+$0x208] =	vst v1  }
0x145: {  	v1 =	vld [tilespmem:s28+$0xFFFFFF90];
	_ =	sdelay $0x4  }
0x146: {  	[tilespmem:s2+$0x218] =	vst v1  }
0x147: {  	v1 =	vld [tilespmem:s28+$0xFFFFFFA0];
	_ =	sdelay $0x4  }
0x148: {  	[tilespmem:s2+$0x228] =	vst v1  }
0x149: {  	v1 =	vld [tilespmem:s28+$0xFFFFFFB0];
	_ =	sdelay $0x4  }
0x14a: {  	[tilespmem:s2+$0x238] =	vst v1  }
0x14b: {  	v1 =	vld [tilespmem:s28+$0xFFFFFFC0];
	_ =	sdelay $0x4  }
0x14c: {  	[tilespmem:s2+$0x248] =	vst v1  }
0x14d: {  	v1 =	vld [tilespmem:s28+$0xFFFFFFD0];
	_ =	sdelay $0x4  }
0x14e: {  	[tilespmem:s2+$0x258] =	vst v1  }
0x14f: {  	v1 =	vld [tilespmem:s28+$0xFFFFFFE0];
	_ =	sdelay $0x4  }
0x150: {  	[tilespmem:s2+$0x268] =	vst v1  }
0x151: {  	v1 =	vld [tilespmem:s28+$0xFFFFFFF0];
	_ =	sdelay $0x4  }
0x152: {  	[tilespmem:s2+$0x278] =	vst v1  }
0x153: {  	v1 =	vld [tilespmem:s28+$0x0];
	_ =	sdelay $0x4  }
0x154: {  	[tilespmem:s2+$0x288] =	vst v1  }
0x155: {  	v1 =	vld [tilespmem:s28+$0x10];
	_ =	sdelay $0x4  }
0x156: {  	[tilespmem:s2+$0x298] =	vst v1  }
0x157: {  	v1 =	vld [tilespmem:s28+$0x20];
	_ =	sdelay $0x4  }
0x158: {  	[tilespmem:s2+$0x2A8] =	vst v1  }
0x159: {  	v1 =	vld [tilespmem:s28+$0x30];
	_ =	sdelay $0x4  }
0x15a: {  	[tilespmem:s2+$0x2B8] =	vst v1  }
0x15b: {  	v1 =	vld [tilespmem:s28+$0x40];
	_ =	sdelay $0x4  }
0x15c: {  	[tilespmem:s2+$0x2C8] =	vst v1  }
0x15d: {  	v1 =	vld [tilespmem:s28+$0x50];
	_ =	sdelay $0x4  }
0x15e: {  	[tilespmem:s2+$0x2D8] =	vst v1  }
0x15f: {  	v1 =	vld [tilespmem:s28+$0x60];
	_ =	sdelay $0x4  }
0x160: {  	[tilespmem:s2+$0x2E8] =	vst v1  }
0x161: {  	v1 =	vld [tilespmem:s28+$0x70]  }
.Ltmp21:
0x162: {  	_ = 	snop;
	(pc) =	sbr.rel .LBB2_23-.Ltmp21, $2  }
0x163: {  	_ =	sdelay $0x2  }
0x164: {  	s30 =	sadd.s32 $0x1, s30;
	[tilespmem:s2+$0x2F8] =	vst v1  }
.LBB2_25:
.Ltmp22:
0x165: {  	(pc) =	sbr.rel .LBB2_26-.Ltmp22, $4  }
0x166: {  	_ = 	snop  }
0x167: {  	s0 =	simm.s32 $0x2  }
0x168: {  	_ =	swait.ge [sflag:s0], $0x0  }
0x169: {  	s2 =	simm.s32 $0x0;
	[sflag:s0] =	ssyncset.done $0x0;
	s0 =	smov.u32 s31  }
.LBB2_28:
0x16a: {  	_ =	sfence.sel $0x180000  }
0x16b: {  	s0 =	simm.s32 $0x9;
	[bflag:$0x0] =	sbarrier.arrive $0xFFFF  }
0x16c: {  	s24 =	simm.s32 $0xA;
	[sflag:s0] =	ssyncpa.u1 $0x1  }
0x16d: {  	s25 =	simm.s32 $0xB;
	[sflag:s24] =	ssyncpa.u1 $0x1  }
0x16e: {  	s26 =	simm.s32 $0x2;
	[sflag:s25] =	ssyncpa.u1 $0x1  }
0x16f: {  	[sflag:s26] =	ssyncpa.u1 $0x1  }
0x170: {  	v0 =	vld [tilespmem:$0xE408];
	_ =	sdelay $0x4  }
0x171: {  	(v2sf) =	vpush v0, $0x0  }
0x172: {  	(v2sf) =	vpush v0, $0x1;
	_ =	sdelay $0x1  }
0x173: {  	(v2sf) =	vpush v0, $0x2;
	_ =	sdelay $0xb  }
0x174: {  	s0 =	spop (v2sf)  }
0x175: {  	s2 =	spop (v2sf)  }
0x176: {  	s3 =	smov.u32 s0;
	p0 =	sne.s32 s0, s2  }
0x177: {  	s4 =	spop (v2sf);
	s3 =	simm.s32 @!p0 $0xFFFFFFFF  }
0x178: {  	v2 =	vimm.s32 $0x1;
	v3 =	vlaneseq.u32;
	p0 =	seq.s32 s4, $0xFFFFFFFF;
	v1 =	vmov s3  }
0x179: {  	s15 =	stileid.u32;
	v0 =	vperm.xlane v0, v2;
	p1 =	sne.s32 @!p0 s0, s2;
	v1 =	vperm.xlane v1, v3  }
0x17a: {  	vm0 =	vcmask $0x3F04;
	s6 =	simm.s32 $0xE408;
	s0 =	simm.s32 @!p0 $0x1;
	p1 =	por !p1, p0  }
0x17b: {  	s3 =	sshll.u32 s15, $0x1;
	s2 =	sshll.u32 @!p0 s4, $0xA;
	s0 =	simm.s32 @p1 $0x0;
	v0 =	vsel vm0, v1, v0  }
0x17c: {  	s5 =	sor.u32 $0x2000, s3;
	s2 =	sshra.s32 @!p0 s2, $0x2;
	s0 =	sor.u32 @!p0 s0, s3;
	[tilespmem:$0xE408] =	vst v0  }
0x17d: {  	[spmem:s5] =	stream.linear.scatter [tilespmem:s6], [sflag:$0x1], $0x2, $0x38;
	[tilespmem:$0x1E678] =	vst v63  }
0x17e: {  	s2 =	sadd.s32 @!p0 $0x208, s2;
	s0 =	sshll.u32 @!p0 s0, $0x8  }
0x17f: {  	[spmem:s0] =	stream.linear.scatter @!p0 [tilespmem:s2], [sflag:$0x1], $0x100, $0x38;
	[tilespmem:$0x1E678] =	vst v63  }
0x180: {  	s0 =	simm.s32 @!p0 $0x102  }
0x181: {  	s28 =	simm.s32 $0x1;
	s0 =	simm.s32 @p0 $0x2  }
0x182: {  	_ =	swait.ge [sflag:s28], s0  }
0x183: {  	s0 =	ssub.s32 $0x0, s0;
	[sflag:s28] =	ssyncset.done $0x0  }
0x184: {  	p0 =	sne.s32 s15, $0x0;
	[sflag:s28] =	ssyncadd.s32 s0  }
.Ltmp23:
0x185: {  	_ =	sfence.stream.spmem;
	(pc) =	sbr.rel @p0 .LBB2_45-.Ltmp23, $4  }
0x186: {  	s29 =	simm.s32 $0x3;
	[bflag:$0x0] =	sbarrier.arrive $0xFFFF  }
0x187: {  	s30 =	simm.s32 $0x4;
	[sflag:s29] =	ssyncpa.u1 $0x1  }
0x188: {  	s31 =	simm.s32 $0x3C;
	[sflag:s30] =	ssyncpa.u1 $0x1  }
0x189: {  	s14 =	rddreg [dreg:$0x4];
	[sflag:s31] =	ssyncpa.u1 $0x1  }
0x18a: {  	_ =	sfence.stream.spmem;
	s0 =	simm.s32 $0x5  }
0x18b: {  	s2 =	simm.s32 $0x2000;
	s3 =	simm.s32 $0xE418;
	[sflag:s0] =	ssyncpa.u1 $0x0  }
0x18c: {  	[tilespmem:s3], [sflag:$0x5] =	stream.linear.gather [spmem:s2], $0x20, $0x38;
	[tilespmem:$0x1E678] =	vst v63  }
0x18d: {  	s26 =	simm.s32 $0x0;
	s28 =	simm.s32 $0xE438  }
0x18e: {  	[tilespmem:s28], [sflag:$0x5] =	stream.linear.gather [spmem:s26], $0x2000, $0x38;
	[tilespmem:$0x1E678] =	vst v63  }
0x18f: {  	_ =	swait.ge [sflag:s0], $0x2020  }
0x190: {  	[sflag:s0] =	ssyncset.done $0x0  }
0x191: {  	s29 =	simm.s32 $0x0;
	[sflag:s0] =	ssyncadd.s32 $0xFFFFDFE0  }
0x192: {  	v0 =	vld.msk [tilespmem:s29+$0xE418], $0x1;
	_ =	sdelay $0x1  }
0x193: {  	s30 =	simm.s32 $0x1  }
0x194: {  	v1 =	vld.msk [tilespmem:s30+$0xE418], $0x1;
	_ =	sdelay $0x1  }
0x195: {  	(v2sf) =	vpush v0, $0x0;
	_ =	sdelay $0x2  }
0x196: {  	(v2sf) =	vpush v1, $0x0;
	_ =	sdelay $0x2  }
0x197: {  	s31 =	simm.s32 $0x2  }
0x198: {  	v0 =	vld.msk [tilespmem:s31+$0xE418], $0x1;
	_ =	sdelay $0x2  }
0x199: {  	s2 =	simm.s32 $0xFFFFFFFF;
	s3 =	simm.s32 $0xFFFFFFFF;
	s0 =	simm.s32 $0xC  }
.LBB2_30:
0x19a: {  	s4 =	smov.u32 s3;
	s5 =	smov.u32 s2  }
0x19b: {  	s2 =	sshra.s32 s0, $0x2;
	p1 =	sne.s32 s0, $0x7C;
	s0 =	sadd.s32 $0x4, s0;
	(v2sf) =	vpush v0, $0x0  }
0x19c: {  	v0 =	vld.msk [tilespmem:s2+$0xE418], $0x1  }
.Ltmp24:
0x19d: {  	(pc) =	sbr.rel @p1 .LBB2_30-.Ltmp24, $4  }
0x19e: {  	s3 =	spop (v2sf)  }
0x19f: {  	p2 =	sne.s32 s5, $0xFFFFFFFF;
	s2 =	smov.u32 s3  }
0x1a0: {  	p3 =	seq.s32 s3, $0xFFFFFFFF;
	s2 =	smov.u32 @p2 s5  }
0x1a1: {  	s3 =	smov.u32 @p3 s4;
	s2 =	smov.u32 @p3 s5  }
0x1a2: {  	(v2sf) =	vpush v0, $0x0;
	_ =	sdelay $0x8  }
0x1a3: {  	s0 =	spop (v2sf)  }
0x1a4: {  	p1 =	sne.s32 s2, $0xFFFFFFFF;
	s9 =	simm.s32 $0x6;
	s4 =	smov.u32 s0  }
0x1a5: {  	s6 =	simm.s32 $0x0;
	p2 =	seq.s32 s0, $0xFFFFFFFF;
	s4 =	smov.u32 @p1 s2  }
0x1a6: {  	s10 =	simm.s32 $0xE308;
	s4 =	smov.u32 @p2 s2;
	s2 =	spop (v2sf)  }
0x1a7: {  	s0 =	smov.u32 @p2 s3;
	p1 =	sne.s32 s4, $0xFFFFFFFF;
	s5 =	smov.u32 s2  }
.Ltmp25:
0x1a8: {  	p2 =	seq.s32 s2, $0xFFFFFFFF;
	s5 =	smov.u32 @p1 s4;
	(pc) =	sbr.rel .LBB2_32-.Ltmp25, $4  }
0x1a9: {  	s11 =	simm.s32 $0xE388;
	s5 =	smov.u32 @p2 s4;
	s7 =	spop (v2sf)  }
0x1aa: {  	s12 =	simm.s32 $0x0;
	p1 =	sne.s32 s5, $0xFFFFFFFF;
	s8 =	smov.u32 s7  }
0x1ab: {  	s2 =	smov.u32 @p2 s0;
	p2 =	seq.s32 s7, $0xFFFFFFFF;
	s8 =	smov.u32 @p1 s5  }
0x1ac: {  	[sflag:s9] =	ssyncpa.u1 $0x0;
	s7 =	smov.u32 @p2 s2;
	s8 =	smov.u32 @p2 s5  }
.LBB2_38:
0x1ad: {  	p1 =	sgt.u32 s0, $0x4E1F70  }
0x1ae: {  	p2 =	seq.s32 @!p1 s0, s8  }
0x1af: {  	p1 =	por p1, p2  }
0x1b0: {  	p2 =	sne.s32 @!p1 s0, s7  }
0x1b1: {  	p1 =	por p1, !p2  }
0x1b2: {  	s0 =	sshll.u32 @p1 s12, $0xA  }
0x1b3: {  	s2 =	sand.u32 @!p1 $0x7FFFF8, s0;
	s3 =	sand.u32 @!p1 $0x7, s0;
	s0 =	sadd.s32 @!p1 $0x80, s0  }
0x1b4: {  	s2 =	sadd.s32 @!p1 s1, s2;
	s0 =	sand.u32 @!p1 $0xFFFFF8, s0  }
0x1b5: {  	[tilespmem:s10], [sflag:$0x6] =	stream.linear.gather @!p1 [hbm4b:s2+s3], $0x80, $0x38;
	[tilespmem:$0x1E678] =	vst v63  }
0x1b6: {  	s0 =	sadd.s32 @!p1 s1, s0  }
0x1b7: {  	[tilespmem:s11], [sflag:$0x6] =	stream.linear.gather @!p1 [hbm4b:s0+s3], $0x80, $0x38;
	[tilespmem:$0x1E678] =	vst v63  }
0x1b8: {  	_ =	swait.ge @!p1 [sflag:s9], $0x100  }
0x1b9: {  	[sflag:s9] =	ssyncset.done @!p1 $0x0  }
0x1ba: {  	[sflag:s9] =	ssyncadd.s32 @!p1 $0xFFFFFF00  }
0x1bb: {  	v1 =	vld @!p1 [tilespmem:$0xE308];
	_ =	sdelay $0x2  }
0x1bc: {  	s0 =	sshll.u32 @!p1 s12, $0xA  }
0x1bd: {  	s2 =	sshrl.u32 @!p1 s0, $0x2  }
0x1be: {  	[tilespmem:s2+$0xE438] =	vst.add.f32.msk @!p1 $0xffff, v1  }
0x1bf: {  	v1 =	vld @!p1 [tilespmem:$0xE318];
	_ =	sdelay $0x4  }
0x1c0: {  	[tilespmem:s2+$0xE448] =	vst.add.f32.msk @!p1 $0xffff, v1  }
0x1c1: {  	v1 =	vld @!p1 [tilespmem:$0xE328];
	_ =	sdelay $0x4  }
0x1c2: {  	[tilespmem:s2+$0xE458] =	vst.add.f32.msk @!p1 $0xffff, v1  }
0x1c3: {  	v1 =	vld @!p1 [tilespmem:$0xE338];
	_ =	sdelay $0x4  }
0x1c4: {  	[tilespmem:s2+$0xE468] =	vst.add.f32.msk @!p1 $0xffff, v1  }
0x1c5: {  	v1 =	vld @!p1 [tilespmem:$0xE348];
	_ =	sdelay $0x4  }
0x1c6: {  	[tilespmem:s2+$0xE478] =	vst.add.f32.msk @!p1 $0xffff, v1  }
0x1c7: {  	v1 =	vld @!p1 [tilespmem:$0xE358];
	_ =	sdelay $0x4  }
0x1c8: {  	[tilespmem:s2+$0xE488] =	vst.add.f32.msk @!p1 $0xffff, v1  }
0x1c9: {  	v1 =	vld @!p1 [tilespmem:$0xE368];
	_ =	sdelay $0x4  }
0x1ca: {  	[tilespmem:s2+$0xE498] =	vst.add.f32.msk @!p1 $0xffff, v1  }
0x1cb: {  	v1 =	vld @!p1 [tilespmem:$0xE378];
	_ =	sdelay $0x4  }
0x1cc: {  	[tilespmem:s2+$0xE4A8] =	vst.add.f32.msk @!p1 $0xffff, v1  }
0x1cd: {  	v1 =	vld @!p1 [tilespmem:$0xE388];
	_ =	sdelay $0x4  }
0x1ce: {  	[tilespmem:s2+$0xE4B8] =	vst.add.f32.msk @!p1 $0xffff, v1  }
0x1cf: {  	v1 =	vld @!p1 [tilespmem:$0xE398];
	_ =	sdelay $0x4  }
0x1d0: {  	[tilespmem:s2+$0xE4C8] =	vst.add.f32.msk @!p1 $0xffff, v1  }
0x1d1: {  	v1 =	vld @!p1 [tilespmem:$0xE3A8];
	_ =	sdelay $0x4  }
0x1d2: {  	[tilespmem:s2+$0xE4D8] =	vst.add.f32.msk @!p1 $0xffff, v1  }
0x1d3: {  	v1 =	vld @!p1 [tilespmem:$0xE3B8];
	_ =	sdelay $0x4  }
0x1d4: {  	[tilespmem:s2+$0xE4E8] =	vst.add.f32.msk @!p1 $0xffff, v1  }
0x1d5: {  	v1 =	vld @!p1 [tilespmem:$0xE3C8];
	_ =	sdelay $0x4  }
0x1d6: {  	[tilespmem:s2+$0xE4F8] =	vst.add.f32.msk @!p1 $0xffff, v1  }
0x1d7: {  	v1 =	vld @!p1 [tilespmem:$0xE3D8];
	_ =	sdelay $0x4  }
0x1d8: {  	[tilespmem:s2+$0xE508] =	vst.add.f32.msk @!p1 $0xffff, v1  }
0x1d9: {  	v1 =	vld @!p1 [tilespmem:$0xE3E8];
	_ =	sdelay $0x4  }
0x1da: {  	[tilespmem:s2+$0xE518] =	vst.add.f32.msk @!p1 $0xffff, v1  }
0x1db: {  	v1 =	vld @!p1 [tilespmem:$0xE3F8];
	_ =	sdelay $0x4  }
0x1dc: {  	[tilespmem:s2+$0xE528] =	vst.add.f32.msk @!p1 $0xffff, v1  }
0x1dd: {  	s0 =	sshrl.u32 s0, $0x2;
	[tilespmem:s6+$0xE418] =	vst.msk $0x1, v0  }
0x1de: {  	v0 =	vld [tilespmem:s0+$0xE438];
	_ =	sdelay $0x2  }
0x1df: {  	s31 =	sshll.u32 s6, $0xA  }
0x1e0: {  	s2 =	sshra.s32 s31, $0x2  }
0x1e1: {  	[tilespmem:s2+$0xE438] =	vst v0  }
0x1e2: {  	v0 =	vld [tilespmem:s0+$0xE448];
	_ =	sdelay $0x4  }
0x1e3: {  	[tilespmem:s2+$0xE448] =	vst v0  }
0x1e4: {  	v0 =	vld [tilespmem:s0+$0xE458];
	_ =	sdelay $0x4  }
0x1e5: {  	[tilespmem:s2+$0xE458] =	vst v0  }
0x1e6: {  	v0 =	vld [tilespmem:s0+$0xE468];
	_ =	sdelay $0x4  }
0x1e7: {  	[tilespmem:s2+$0xE468] =	vst v0  }
0x1e8: {  	v0 =	vld [tilespmem:s0+$0xE478];
	_ =	sdelay $0x4  }
0x1e9: {  	[tilespmem:s2+$0xE478] =	vst v0  }
0x1ea: {  	v0 =	vld [tilespmem:s0+$0xE488];
	_ =	sdelay $0x4  }
0x1eb: {  	[tilespmem:s2+$0xE488] =	vst v0  }
0x1ec: {  	v0 =	vld [tilespmem:s0+$0xE498];
	_ =	sdelay $0x4  }
0x1ed: {  	[tilespmem:s2+$0xE498] =	vst v0  }
0x1ee: {  	v0 =	vld [tilespmem:s0+$0xE4A8];
	_ =	sdelay $0x4  }
0x1ef: {  	[tilespmem:s2+$0xE4A8] =	vst v0  }
0x1f0: {  	v0 =	vld [tilespmem:s0+$0xE4B8];
	_ =	sdelay $0x4  }
0x1f1: {  	[tilespmem:s2+$0xE4B8] =	vst v0  }
0x1f2: {  	v0 =	vld [tilespmem:s0+$0xE4C8];
	_ =	sdelay $0x4  }
0x1f3: {  	[tilespmem:s2+$0xE4C8] =	vst v0  }
0x1f4: {  	v0 =	vld [tilespmem:s0+$0xE4D8];
	_ =	sdelay $0x4  }
0x1f5: {  	[tilespmem:s2+$0xE4D8] =	vst v0  }
0x1f6: {  	v0 =	vld [tilespmem:s0+$0xE4E8];
	_ =	sdelay $0x4  }
0x1f7: {  	[tilespmem:s2+$0xE4E8] =	vst v0  }
0x1f8: {  	v0 =	vld [tilespmem:s0+$0xE4F8];
	_ =	sdelay $0x4  }
0x1f9: {  	[tilespmem:s2+$0xE4F8] =	vst v0  }
0x1fa: {  	v0 =	vld [tilespmem:s0+$0xE508];
	_ =	sdelay $0x4  }
0x1fb: {  	[tilespmem:s2+$0xE508] =	vst v0  }
0x1fc: {  	v0 =	vld [tilespmem:s0+$0xE518];
	_ =	sdelay $0x4  }
0x1fd: {  	[tilespmem:s2+$0xE518] =	vst v0  }
0x1fe: {  	v0 =	vld [tilespmem:s0+$0xE528];
	_ =	sdelay $0x4  }
0x1ff: {  	s6 =	sadd.s32 $0x1, s6;
	[tilespmem:s2+$0xE528] =	vst v0  }
.LBB2_39:
0x200: {  	s12 =	sadd.s32 $0x1, s12  }
0x201: {  	p1 =	sne.s32 s12, $0x20  }
.Ltmp26:
0x202: {  	_ = 	snop;
	(pc) =	sbr.rel @!p1 .LBB2_40-.Ltmp26, $1  }
0x203: {  	_ =	sdelay $0x3  }
.LBB2_32:
0x204: {  	v0 =	vld.msk [tilespmem:s12+$0xE418], $0x1;
	_ =	sdelay $0x4  }
0x205: {  	(v2sf) =	vpush v0, $0x0;
	_ =	sdelay $0xe  }
0x206: {  	s0 =	spop (v2sf)  }
0x207: {  	p1 =	seq.s32 s0, $0xFFFFFFFF  }
.Ltmp27:
0x208: {  	_ = 	snop;
	(pc) =	sbr.rel @p1 .LBB2_39-.Ltmp27, $1  }
0x209: {  	_ =	sdelay $0x3  }
0x20a: {  	p1 =	slt.s32 s6, $0x1  }
.Ltmp28:
0x20b: {  	_ = 	snop;
	(pc) =	sbr.rel @p1 .LBB2_38-.Ltmp28, $1  }
0x20c: {  	_ =	sdelay $0x3  }
0x20d: {  	s4 =	simm.s32 $0xE418;
	p1 =	por $0x0, $0x0  }
0x20e: {  	v1 =	vld.msk @!p1 [tilespmem:s4+$0x0], $0x1;
	_ =	sdelay $0x4  }
0x20f: {  	(v2sf) =	vpush @!p1 v1, $0x0;
	_ =	sdelay $0xd  }
0x210: {  	p3 =	sne.s32 s6, $0x1  }
.Ltmp29:
0x211: {  	s2 =	spop @!p1 (v2sf);
	(pc) =	sbr.rel @!p3 .LBB2_36-.Ltmp29, $4  }
0x212: {  	p2 =	seq.s32 @!p1 s0, s2  }
0x213: {  	s5 =	simm.s32 $0x0;
	p2 =	por !p2, p1  }
0x214: {  	s2 =	simm.s32 $0xFFFFFFFF;
	s5 =	simm.s32 @p2 $0xFFFFFFFF  }
0x215: {  	s13 =	simm.s32 $0x1;
	s5 =	smov.u32 @p1 s2  }
.LBB2_35:
0x216: {  	s2 =	smov.u32 s5;
	p1 =	sne.s32 s5, $0xFFFFFFFF  }
0x217: {  	s4 =	sadd.s32 $0x1, s4;
	s5 =	smov.u32 s13;
	s13 =	sadd.s32 $0x1, s13  }
0x218: {  	p2 =	sne.s32 s6, s13;
	v1 =	vld.msk @!p1 [tilespmem:s4+$0x0], $0x1;
	_ =	sdelay $0x4  }
0x219: {  	(v2sf) =	vpush @!p1 v1, $0x0;
	_ =	sdelay $0xe  }
.Ltmp30:
0x21a: {  	s3 =	spop @!p1 (v2sf);
	(pc) =	sbr.rel @p2 .LBB2_35-.Ltmp30, $4  }
0x21b: {  	p3 =	seq.s32 @!p1 s0, s3  }
0x21c: {  	p3 =	por !p3, p1  }
0x21d: {  	s5 =	simm.s32 @p3 $0xFFFFFFFF  }
0x21e: {  	s5 =	smov.u32 @p1 s2  }
.LBB2_36:
0x21f: {  	p1 =	seq.s32 s5, $0xFFFFFFFF  }
.Ltmp31:
0x220: {  	_ = 	snop;
	(pc) =	sbr.rel @p1 .LBB2_38-.Ltmp31, $1  }
0x221: {  	_ =	sdelay $0x3  }
0x222: {  	s0 =	sshll.u32 s12, $0x8  }
0x223: {  	s0 =	sand.u32 $0x3FFFFF00, s0  }
0x224: {  	v0 =	vld [tilespmem:s0+$0xE438];
	_ =	sdelay $0x2  }
0x225: {  	s2 =	sshll.u32 s5, $0xA  }
0x226: {  	s2 =	sshra.s32 s2, $0x2  }
0x227: {  	[tilespmem:s2+$0xE438] =	vst.add.f32.msk $0xffff, v0  }
0x228: {  	v0 =	vld [tilespmem:s0+$0xE448];
	_ =	sdelay $0x4  }
0x229: {  	[tilespmem:s2+$0xE448] =	vst.add.f32.msk $0xffff, v0  }
0x22a: {  	v0 =	vld [tilespmem:s0+$0xE458];
	_ =	sdelay $0x4  }
0x22b: {  	[tilespmem:s2+$0xE458] =	vst.add.f32.msk $0xffff, v0  }
0x22c: {  	v0 =	vld [tilespmem:s0+$0xE468];
	_ =	sdelay $0x4  }
0x22d: {  	[tilespmem:s2+$0xE468] =	vst.add.f32.msk $0xffff, v0  }
0x22e: {  	v0 =	vld [tilespmem:s0+$0xE478];
	_ =	sdelay $0x4  }
0x22f: {  	[tilespmem:s2+$0xE478] =	vst.add.f32.msk $0xffff, v0  }
0x230: {  	v0 =	vld [tilespmem:s0+$0xE488];
	_ =	sdelay $0x4  }
0x231: {  	[tilespmem:s2+$0xE488] =	vst.add.f32.msk $0xffff, v0  }
0x232: {  	v0 =	vld [tilespmem:s0+$0xE498];
	_ =	sdelay $0x4  }
0x233: {  	[tilespmem:s2+$0xE498] =	vst.add.f32.msk $0xffff, v0  }
0x234: {  	v0 =	vld [tilespmem:s0+$0xE4A8];
	_ =	sdelay $0x4  }
0x235: {  	[tilespmem:s2+$0xE4A8] =	vst.add.f32.msk $0xffff, v0  }
0x236: {  	v0 =	vld [tilespmem:s0+$0xE4B8];
	_ =	sdelay $0x4  }
0x237: {  	[tilespmem:s2+$0xE4B8] =	vst.add.f32.msk $0xffff, v0  }
0x238: {  	v0 =	vld [tilespmem:s0+$0xE4C8];
	_ =	sdelay $0x4  }
0x239: {  	[tilespmem:s2+$0xE4C8] =	vst.add.f32.msk $0xffff, v0  }
0x23a: {  	v0 =	vld [tilespmem:s0+$0xE4D8];
	_ =	sdelay $0x4  }
0x23b: {  	[tilespmem:s2+$0xE4D8] =	vst.add.f32.msk $0xffff, v0  }
0x23c: {  	v0 =	vld [tilespmem:s0+$0xE4E8];
	_ =	sdelay $0x4  }
0x23d: {  	[tilespmem:s2+$0xE4E8] =	vst.add.f32.msk $0xffff, v0  }
0x23e: {  	v0 =	vld [tilespmem:s0+$0xE4F8];
	_ =	sdelay $0x4  }
0x23f: {  	[tilespmem:s2+$0xE4F8] =	vst.add.f32.msk $0xffff, v0  }
0x240: {  	v0 =	vld [tilespmem:s0+$0xE508];
	_ =	sdelay $0x4  }
0x241: {  	[tilespmem:s2+$0xE508] =	vst.add.f32.msk $0xffff, v0  }
0x242: {  	v0 =	vld [tilespmem:s0+$0xE518];
	_ =	sdelay $0x4  }
0x243: {  	[tilespmem:s2+$0xE518] =	vst.add.f32.msk $0xffff, v0  }
0x244: {  	v0 =	vld [tilespmem:s0+$0xE528]  }
.Ltmp32:
0x245: {  	_ = 	snop;
	(pc) =	sbr.rel .LBB2_39-.Ltmp32, $2  }
0x246: {  	_ =	sdelay $0x2  }
0x247: {  	[tilespmem:s2+$0xE528] =	vst.add.f32.msk $0xffff, v0  }
.LBB2_40:
0x248: {  	s0 =	simm.s32 $0x6;
	p1 =	seq.s32 s6, $0x0  }
0x249: {  	[sflag:s0] =	ssyncpa.u1 $0x1;
	v0 =	vimm.s32 @p1 $0xFFFFFFFF  }
0x24a: {  	s0 =	sadd.s32 $0xFFFFFFFF, s6;
	[tilespmem:$0x10438] =	vst @p1 v0  }
0x24b: {  	v0 =	vld.msk @!p1 [tilespmem:s0+$0xE418], $0x1;
	_ =	sdelay $0x1  }
0x24c: {  	v1 =	vld.msk @!p1 [tilespmem:$0xE418], $0x1;
	_ =	sdelay $0x2  }
0x24d: {  	p2 =	seq.s32 @!p1 s0, $0x0;
	v0 =	vbroadcast @!p1 v0, $0x0  }
0x24e: {  	vm0 =	vmmov @!p1 $0x1;
	p2 =	por !p2, p1  }
0x24f: {  	v1 =	vnsel @!p1 vm0, $0xFFFFFFFF, v1;
	vm0 =	vcmask @!p1 $0x308;
	v0 =	vpsel !p2, $0xFFFFFFFF, v0  }
0x250: {  	p2 =	sne.s32 @!p1 s8, s7;
	v0 =	vsel @!p1 vm0, v1, v0  }
0x251: {  	s2 =	simm.s32 @!p1 $0xE438;
	s3 =	simm.s32 @!p1 $0x0;
	p3 =	por !p2, p1;
	[tilespmem:$0x10438] =	vst @!p1 v0  }
0x252: {  	[spmem:s3] =	stream.linear.scatter @!p1 [tilespmem:s2], [sflag:$0x1], $0x100, $0x38;
	[tilespmem:$0x1E678] =	vst v63  }
0x253: {  	s2 =	sshll.u32 @!p3 s0, $0xA  }
0x254: {  	s2 =	sshra.s32 @!p3 s2, $0x2  }
0x255: {  	s3 =	simm.s32 @!p3 $0x100;
	s2 =	sadd.s32 @!p3 $0xE438, s2  }
0x256: {  	[spmem:s3] =	stream.linear.scatter @!p3 [tilespmem:s2], [sflag:$0x1], $0x100, $0x38;
	[tilespmem:$0x1E678] =	vst v63  }
0x257: {  	s2 =	simm.s32 @!p3 $0x1  }
0x258: {  	_ =	swait.ge @!p3 [sflag:s2], $0x200  }
0x259: {  	p1 =	por p2, p1;
	[sflag:s2] =	ssyncset.done @!p3 $0x0  }
0x25a: {  	[sflag:s2] =	ssyncadd.s32 @!p3 $0xFFFFFE00;
	s2 =	simm.s32 @!p1 $0x1  }
0x25b: {  	_ =	swait.ge @!p1 [sflag:s2], $0x100  }
0x25c: {  	s29 =	simm.s32 $0x10438;
	[sflag:s2] =	ssyncset.done @!p1 $0x0  }
0x25d: {  	s30 =	simm.s32 $0x2000;
	s31 =	simm.s32 $0x1;
	[sflag:s2] =	ssyncadd.s32 @!p1 $0xFFFFFF00  }
0x25e: {  	[spmem:s30] =	stream.linear.scatter [tilespmem:s29], [sflag:$0x1], $0x10, $0x38;
	[tilespmem:$0x1E678] =	vst v63  }
0x25f: {  	_ =	swait.ge [sflag:s31], $0x10  }
0x260: {  	[sflag:s31] =	ssyncset.done $0x0  }
0x261: {  	p1 =	seq.s32 s14, $0x0;
	s9 =	rddreg [dreg:$0x1];
	[sflag:s31] =	ssyncadd.s32 $0xFFFFFFF0  }
0x262: {  	s3 =	sshll.u32 @p1 s9, $0xE;
	s8 =	rddreg [dreg:$0x2]  }
0x263: {  	s2 =	sadd.s32 @p1 $0x15C3C, s3;
	s3 =	sshll.u32 @p1 s8, $0x11  }
0x264: {  	_ =	sfence.stream.spmem;
	s2 =	sor.u32 @p1 s3, s2  }
0x265: {  	[sflag:s2] =	ssyncadd.remote.s32 @p1 $0x1;
	s2 =	simm.s32 @p1 $0x4  }
0x266: {  	s4 =	simm.s32 @!p1 $0x3C;
	s3 =	sand.u32 $0xFFFFFFFE, s9;
	_ =	swait.ge @p1 [sflag:s2], $0x42  }
0x267: {  	s5 =	simm.s32 @!p1 $0x0;
	s3 =	sadd.s32 @!p1 $0x4, s3;
	[sflag:s2] =	ssyncset.done @p1 $0x0  }
0x268: {  	s7 =	simm.s32 @!p1 $0x200;
	[sflag:s2] =	ssyncadd.s32 @p1 $0xFFFFFFBE;
	s2 =	sshll.u32 @!p1 s3, $0x1A  }
0x269: {  	s3 =	sshll.u32 @!p1 s3, $0xD;
	s2 =	sor.u32 @!p1 s2, s8;
	_ =	swait.eq @!p1 [sflag:s4], $0x1  }
0x26a: {  	s3 =	sor.u32 @!p1 $0x1C04, s3;
	s4 =	simm.s32 @!p1 $0x1C03;
	s2 =	sor.u32 @!p1 $0x80004000, s2  }
0x26b: {  	[spmem:s7], [sflag:s3] =	dma.general @!p1 [spmem:s5], [sflag:s4], length:$0x40, [dreg:$0x0], stride_count:$0x0, ici_dest:s2, dma_misc:DstOpCode:WRITE  }
0x26c: {  	p2 =	slt.s32 s0, $0x2;
	s5 =	simm.s32 @!p1 $0x400;
	s7 =	simm.s32 @!p1 $0x402  }
0x26d: {  	[spmem:s7], [sflag:s3] =	dma.general @!p1 [spmem:s5], [sflag:s4], length:$0x2, [dreg:$0x0], stride_count:$0x0, ici_dest:s2, dma_misc:DstOpCode:WRITE  }
.Ltmp33:
0x26e: {  	s2 =	simm.s32 @!p1 $0x3;
	(pc) =	sbr.rel @p2 .LBB2_44-.Ltmp33, $4  }
0x26f: {  	s3 =	sshll.u32 @!p1 s9, $0xE;
	_ =	swait.ge @!p1 [sflag:s2], $0x42  }
0x270: {  	s4 =	sshll.u32 @!p1 s8, $0x11;
	s3 =	sadd.s32 @!p1 $0x11C3C, s3;
	[sflag:s2] =	ssyncset.done @!p1 $0x0  }
0x271: {  	[sflag:s2] =	ssyncadd.s32 @!p1 $0xFFFFFFBE;
	s2 =	sor.u32 @!p1 s4, s3  }
0x272: {  	s0 =	simm.s32 $0x0;
	[sflag:s2] =	ssyncadd.remote.s32 @!p1 $0xFFFFFFFF  }
0x273: {  	s0 =	simm.s32 $0xE419  }
0x274: {  	v0 =	vld.msk [tilespmem:s0+$0x0], $0x1;
	_ =	sdelay $0x4  }
0x275: {  	(v2sf) =	vpush v0, $0x0;
	_ =	sdelay $0xd  }
0x276: {  	s31 =	sadd.s32 $0xFFFFFFFE, s6  }
0x277: {  	s6 =	simm.s32 $0x0;
	s0 =	sadd.s32 $0xFFFFFFFF, s31;
	s2 =	spop (v2sf)  }
0x278: {  	s3 =	simm.s32 $0xE538;
	p1 =	sne.s32 s0, $0x0;
	p2 =	sgt.u32 s2, $0x4E1F70  }
.Ltmp34:
0x279: {  	s4 =	simm.s32 $0xE638;
	s5 =	sand.u32 @!p2 $0x7FFFF8, s2;
	(pc) =	sbr.rel @!p1 .LBB2_43-.Ltmp34, $4  }
0x27a: {  	s7 =	sadd.s32 @!p2 $0x80, s2;
	s2 =	sand.u32 @!p2 $0x7, s2;
	s6 =	simm.s32 @!p2 $0x400  }
0x27b: {  	s5 =	sadd.s32 @!p2 s1, s5;
	s7 =	sand.u32 @!p2 $0xFFFFF8, s7;
	s6 =	sadd.s32 $0x0, s6  }
0x27c: {  	[hbm4b:s5+s2] =	stream.linear.scatter @!p2 [tilespmem:s3], [sflag:$0x5], $0x80, $0x38;
	[tilespmem:$0x1E678] =	vst v63  }
0x27d: {  	s5 =	simm.s32 $0xE41A;
	s3 =	simm.s32 @!p2 $0xE5B8;
	s7 =	sadd.s32 @!p2 s1, s7  }
.LBB2_42:
0x27e: {  	[hbm4b:s7+s2] =	stream.linear.scatter @!p2 [tilespmem:s3], [sflag:$0x5], $0x80, $0x38;
	[tilespmem:$0x1E678] =	vst v63  }
0x27f: {  	s0 =	sadd.s32 $0xFFFFFFFF, s0;
	s3 =	smov.u32 s4;
	v0 =	vld.msk [tilespmem:s5+$0x0], $0x1  }
0x280: {  	p1 =	sne.s32 s0, $0x0;
	_ =	sdelay $0x3  }
0x281: {  	(v2sf) =	vpush v0, $0x0;
	_ =	sdelay $0xe  }
0x282: {  	s4 =	sadd.s32 $0x100, s4;
	s8 =	simm.s32 $0x0;
	s2 =	spop (v2sf)  }
.Ltmp35:
0x283: {  	s5 =	sadd.s32 $0x1, s5;
	p2 =	sgt.u32 s2, $0x4E1F70;
	(pc) =	sbr.rel @p1 .LBB2_42-.Ltmp35, $4  }
0x284: {  	s8 =	simm.s32 @!p2 $0x400;
	s7 =	sand.u32 @!p2 $0x7FFFF8, s2;
	s9 =	sadd.s32 @!p2 $0x80, s2  }
0x285: {  	s2 =	sand.u32 @!p2 $0x7, s2;
	s7 =	sadd.s32 @!p2 s1, s7;
	s9 =	sand.u32 @!p2 $0xFFFFF8, s9  }
0x286: {  	[hbm4b:s7+s2] =	stream.linear.scatter @!p2 [tilespmem:s3], [sflag:$0x5], $0x80, $0x38;
	[tilespmem:$0x1E678] =	vst v63  }
0x287: {  	s6 =	sadd.s32 s6, s8;
	s3 =	sadd.s32 @!p2 $0x80, s3;
	s7 =	sadd.s32 @!p2 s1, s9  }
.LBB2_43:
0x288: {  	[hbm4b:s7+s2] =	stream.linear.scatter @!p2 [tilespmem:s3], [sflag:$0x5], $0x80, $0x38;
	[tilespmem:$0x1E678] =	vst v63  }
0x289: {  	s0 =	sshrl.u32 s6, $0x2  }
.LBB2_44:
0x28a: {  	s2 =	simm.s32 $0x5  }
0x28b: {  	_ =	swait.ge [sflag:s2], s0  }
0x28c: {  	s31 =	ssub.s32 $0x0, s0;
	[sflag:s2] =	ssyncset.done $0x0  }
0x28d: {  	[sflag:s2] =	ssyncadd.s32 s31  }
0x28e: {  	[sflag:s2] =	ssyncpa.u1 $0x1  }
.LBB2_45:
0x28f: {  	s0 =	sor.u32 s14, s15  }
0x290: {  	p1 =	sne.s32 s0, $0x0  }
.Ltmp36:
0x291: {  	_ = 	snop;
	(pc) =	sbr.rel @p1 .LBB2_60-.Ltmp36, $3  }
0x292: {  	_ =	sdelay $0x1  }
0x293: {  	[bflag:$0x0] =	sbarrier.arrive $0xFFFF  }
0x294: {  	_ =	sfence  }
0x295: {  	s0 =	simm.s32 $0x7  }
0x296: {  	s2 =	simm.s32 $0x2000;
	s3 =	simm.s32 $0xE418;
	[sflag:s0] =	ssyncpa.u1 $0x0  }
0x297: {  	[tilespmem:s3], [sflag:$0x7] =	stream.linear.gather [spmem:s2], $0x20, $0x38;
	[tilespmem:$0x1E678] =	vst v63  }
0x298: {  	s30 =	simm.s32 $0xE438;
	s2 =	simm.s32 $0x0  }
0x299: {  	[tilespmem:s30], [sflag:$0x7] =	stream.linear.gather [spmem:s2], $0x2000, $0x38;
	[tilespmem:$0x1E678] =	vst v63  }
.Ltmp37:
0x29a: {  	_ = 	snop;
	(pc) =	sbr.rel .LBB2_47-.Ltmp37, $4  }
0x29b: {  	_ =	swait.ge [sflag:s0], $0x2020  }
0x29c: {  	[sflag:s0] =	ssyncset.done $0x0  }
0x29d: {  	s31 =	simm.s32 $0x8;
	[sflag:s0] =	ssyncadd.s32 $0xFFFFDFE0  }
0x29e: {  	s3 =	simm.s32 $0x0;
	[sflag:s31] =	ssyncpa.u1 $0x0  }
.LBB2_53:
0x29f: {  	p1 =	slt.u32 s0, $0x4E1F71  }
0x2a0: {  	s4 =	sand.u32 @p1 $0x7FFFF8, s0;
	s5 =	sand.u32 @p1 $0x7, s0;
	s0 =	sadd.s32 @p1 $0x80, s0  }
0x2a1: {  	s6 =	simm.s32 @p1 $0xE308;
	s4 =	sadd.s32 @p1 s1, s4;
	s0 =	sand.u32 @p1 $0xFFFFF8, s0  }
0x2a2: {  	[tilespmem:s6], [sflag:$0x8] =	stream.linear.gather @p1 [hbm4b:s4+s5], $0x80, $0x38;
	[tilespmem:$0x1E678] =	vst v63  }
0x2a3: {  	s0 =	sadd.s32 @p1 s1, s0;
	s4 =	simm.s32 @p1 $0xE388  }
0x2a4: {  	[tilespmem:s4], [sflag:$0x8] =	stream.linear.gather @p1 [hbm4b:s0+s5], $0x80, $0x38;
	[tilespmem:$0x1E678] =	vst v63  }
0x2a5: {  	s0 =	simm.s32 @p1 $0x8  }
0x2a6: {  	_ =	swait.ge @p1 [sflag:s0], $0x100  }
0x2a7: {  	[sflag:s0] =	ssyncset.done @p1 $0x0  }
0x2a8: {  	[sflag:s0] =	ssyncadd.s32 @p1 $0xFFFFFF00  }
0x2a9: {  	v1 =	vld @p1 [tilespmem:$0xE308];
	_ =	sdelay $0x2  }
0x2aa: {  	s0 =	sshll.u32 @p1 s3, $0xA  }
0x2ab: {  	s4 =	sshrl.u32 @p1 s0, $0x2  }
0x2ac: {  	[tilespmem:s4+$0xE438] =	vst.add.f32.msk @p1 $0xffff, v1  }
0x2ad: {  	v1 =	vld @p1 [tilespmem:$0xE318];
	_ =	sdelay $0x4  }
0x2ae: {  	[tilespmem:s4+$0xE448] =	vst.add.f32.msk @p1 $0xffff, v1  }
0x2af: {  	v1 =	vld @p1 [tilespmem:$0xE328];
	_ =	sdelay $0x4  }
0x2b0: {  	[tilespmem:s4+$0xE458] =	vst.add.f32.msk @p1 $0xffff, v1  }
0x2b1: {  	v1 =	vld @p1 [tilespmem:$0xE338];
	_ =	sdelay $0x4  }
0x2b2: {  	[tilespmem:s4+$0xE468] =	vst.add.f32.msk @p1 $0xffff, v1  }
0x2b3: {  	v1 =	vld @p1 [tilespmem:$0xE348];
	_ =	sdelay $0x4  }
0x2b4: {  	[tilespmem:s4+$0xE478] =	vst.add.f32.msk @p1 $0xffff, v1  }
0x2b5: {  	v1 =	vld @p1 [tilespmem:$0xE358];
	_ =	sdelay $0x4  }
0x2b6: {  	[tilespmem:s4+$0xE488] =	vst.add.f32.msk @p1 $0xffff, v1  }
0x2b7: {  	v1 =	vld @p1 [tilespmem:$0xE368];
	_ =	sdelay $0x4  }
0x2b8: {  	[tilespmem:s4+$0xE498] =	vst.add.f32.msk @p1 $0xffff, v1  }
0x2b9: {  	v1 =	vld @p1 [tilespmem:$0xE378];
	_ =	sdelay $0x4  }
0x2ba: {  	[tilespmem:s4+$0xE4A8] =	vst.add.f32.msk @p1 $0xffff, v1  }
0x2bb: {  	v1 =	vld @p1 [tilespmem:$0xE388];
	_ =	sdelay $0x4  }
0x2bc: {  	[tilespmem:s4+$0xE4B8] =	vst.add.f32.msk @p1 $0xffff, v1  }
0x2bd: {  	v1 =	vld @p1 [tilespmem:$0xE398];
	_ =	sdelay $0x4  }
0x2be: {  	[tilespmem:s4+$0xE4C8] =	vst.add.f32.msk @p1 $0xffff, v1  }
0x2bf: {  	v1 =	vld @p1 [tilespmem:$0xE3A8];
	_ =	sdelay $0x4  }
0x2c0: {  	[tilespmem:s4+$0xE4D8] =	vst.add.f32.msk @p1 $0xffff, v1  }
0x2c1: {  	v1 =	vld @p1 [tilespmem:$0xE3B8];
	_ =	sdelay $0x4  }
0x2c2: {  	[tilespmem:s4+$0xE4E8] =	vst.add.f32.msk @p1 $0xffff, v1  }
0x2c3: {  	v1 =	vld @p1 [tilespmem:$0xE3C8];
	_ =	sdelay $0x4  }
0x2c4: {  	[tilespmem:s4+$0xE4F8] =	vst.add.f32.msk @p1 $0xffff, v1  }
0x2c5: {  	v1 =	vld @p1 [tilespmem:$0xE3D8];
	_ =	sdelay $0x4  }
0x2c6: {  	[tilespmem:s4+$0xE508] =	vst.add.f32.msk @p1 $0xffff, v1  }
0x2c7: {  	v1 =	vld @p1 [tilespmem:$0xE3E8];
	_ =	sdelay $0x4  }
0x2c8: {  	[tilespmem:s4+$0xE518] =	vst.add.f32.msk @p1 $0xffff, v1  }
0x2c9: {  	v1 =	vld @p1 [tilespmem:$0xE3F8];
	_ =	sdelay $0x3  }
0x2ca: {  	s5 =	sshll.u32 @!p1 s3, $0xA  }
0x2cb: {  	s5 =	smov.u32 @p1 s0;
	[tilespmem:s4+$0xE528] =	vst.add.f32.msk @p1 $0xffff, v1  }
0x2cc: {  	s0 =	sshrl.u32 s5, $0x2;
	[tilespmem:s2+$0xE418] =	vst.msk $0x1, v0  }
0x2cd: {  	v0 =	vld [tilespmem:s0+$0xE438];
	_ =	sdelay $0x2  }
0x2ce: {  	s31 =	sshll.u32 s2, $0xA  }
0x2cf: {  	s4 =	sshra.s32 s31, $0x2  }
0x2d0: {  	[tilespmem:s4+$0xE438] =	vst v0  }
0x2d1: {  	v0 =	vld [tilespmem:s0+$0xE448];
	_ =	sdelay $0x4  }
0x2d2: {  	[tilespmem:s4+$0xE448] =	vst v0  }
0x2d3: {  	v0 =	vld [tilespmem:s0+$0xE458];
	_ =	sdelay $0x4  }
0x2d4: {  	[tilespmem:s4+$0xE458] =	vst v0  }
0x2d5: {  	v0 =	vld [tilespmem:s0+$0xE468];
	_ =	sdelay $0x4  }
0x2d6: {  	[tilespmem:s4+$0xE468] =	vst v0  }
0x2d7: {  	v0 =	vld [tilespmem:s0+$0xE478];
	_ =	sdelay $0x4  }
0x2d8: {  	[tilespmem:s4+$0xE478] =	vst v0  }
0x2d9: {  	v0 =	vld [tilespmem:s0+$0xE488];
	_ =	sdelay $0x4  }
0x2da: {  	[tilespmem:s4+$0xE488] =	vst v0  }
0x2db: {  	v0 =	vld [tilespmem:s0+$0xE498];
	_ =	sdelay $0x4  }
0x2dc: {  	[tilespmem:s4+$0xE498] =	vst v0  }
0x2dd: {  	v0 =	vld [tilespmem:s0+$0xE4A8];
	_ =	sdelay $0x4  }
0x2de: {  	[tilespmem:s4+$0xE4A8] =	vst v0  }
0x2df: {  	v0 =	vld [tilespmem:s0+$0xE4B8];
	_ =	sdelay $0x4  }
0x2e0: {  	[tilespmem:s4+$0xE4B8] =	vst v0  }
0x2e1: {  	v0 =	vld [tilespmem:s0+$0xE4C8];
	_ =	sdelay $0x4  }
0x2e2: {  	[tilespmem:s4+$0xE4C8] =	vst v0  }
0x2e3: {  	v0 =	vld [tilespmem:s0+$0xE4D8];
	_ =	sdelay $0x4  }
0x2e4: {  	[tilespmem:s4+$0xE4D8] =	vst v0  }
0x2e5: {  	v0 =	vld [tilespmem:s0+$0xE4E8];
	_ =	sdelay $0x4  }
0x2e6: {  	[tilespmem:s4+$0xE4E8] =	vst v0  }
0x2e7: {  	v0 =	vld [tilespmem:s0+$0xE4F8];
	_ =	sdelay $0x4  }
0x2e8: {  	[tilespmem:s4+$0xE4F8] =	vst v0  }
0x2e9: {  	v0 =	vld [tilespmem:s0+$0xE508];
	_ =	sdelay $0x4  }
0x2ea: {  	[tilespmem:s4+$0xE508] =	vst v0  }
0x2eb: {  	v0 =	vld [tilespmem:s0+$0xE518];
	_ =	sdelay $0x4  }
0x2ec: {  	[tilespmem:s4+$0xE518] =	vst v0  }
0x2ed: {  	v0 =	vld [tilespmem:s0+$0xE528];
	_ =	sdelay $0x4  }
0x2ee: {  	s2 =	sadd.s32 $0x1, s2;
	[tilespmem:s4+$0xE528] =	vst v0  }
.LBB2_54:
0x2ef: {  	s3 =	sadd.s32 $0x1, s3  }
0x2f0: {  	p1 =	sne.s32 s3, $0x20  }
.Ltmp38:
0x2f1: {  	_ = 	snop;
	(pc) =	sbr.rel @!p1 .LBB2_55-.Ltmp38, $1  }
0x2f2: {  	_ =	sdelay $0x3  }
.LBB2_47:
0x2f3: {  	v0 =	vld.msk [tilespmem:s3+$0xE418], $0x1;
	_ =	sdelay $0x4  }
0x2f4: {  	(v2sf) =	vpush v0, $0x0;
	_ =	sdelay $0xe  }
0x2f5: {  	s0 =	spop (v2sf)  }
0x2f6: {  	p1 =	seq.s32 s0, $0xFFFFFFFF  }
.Ltmp39:
0x2f7: {  	_ = 	snop;
	(pc) =	sbr.rel @p1 .LBB2_54-.Ltmp39, $1  }
0x2f8: {  	_ =	sdelay $0x3  }
0x2f9: {  	p1 =	slt.s32 s2, $0x1  }
.Ltmp40:
0x2fa: {  	_ = 	snop;
	(pc) =	sbr.rel @p1 .LBB2_53-.Ltmp40, $1  }
0x2fb: {  	_ =	sdelay $0x3  }
0x2fc: {  	s4 =	simm.s32 $0xE418;
	p1 =	por $0x0, $0x0  }
0x2fd: {  	v1 =	vld.msk @!p1 [tilespmem:s4+$0x0], $0x1;
	_ =	sdelay $0x4  }
0x2fe: {  	(v2sf) =	vpush @!p1 v1, $0x0;
	_ =	sdelay $0xd  }
0x2ff: {  	p3 =	sne.s32 s2, $0x1  }
.Ltmp41:
0x300: {  	s5 =	spop @!p1 (v2sf);
	(pc) =	sbr.rel @!p3 .LBB2_51-.Ltmp41, $4  }
0x301: {  	p2 =	seq.s32 @!p1 s0, s5  }
0x302: {  	s5 =	simm.s32 $0x0;
	p2 =	por !p2, p1  }
0x303: {  	s7 =	simm.s32 $0xFFFFFFFF;
	s5 =	simm.s32 @p2 $0xFFFFFFFF  }
0x304: {  	s6 =	simm.s32 $0x1;
	s5 =	smov.u32 @p1 s7  }
.LBB2_50:
0x305: {  	s7 =	smov.u32 s5;
	p1 =	sne.s32 s5, $0xFFFFFFFF  }
0x306: {  	s4 =	sadd.s32 $0x1, s4;
	s5 =	smov.u32 s6;
	s6 =	sadd.s32 $0x1, s6  }
0x307: {  	p2 =	sne.s32 s2, s6;
	v1 =	vld.msk @!p1 [tilespmem:s4+$0x0], $0x1;
	_ =	sdelay $0x4  }
0x308: {  	(v2sf) =	vpush @!p1 v1, $0x0;
	_ =	sdelay $0xe  }
.Ltmp42:
0x309: {  	s8 =	spop @!p1 (v2sf);
	(pc) =	sbr.rel @p2 .LBB2_50-.Ltmp42, $4  }
0x30a: {  	p3 =	seq.s32 @!p1 s0, s8  }
0x30b: {  	p3 =	por !p3, p1  }
0x30c: {  	s5 =	simm.s32 @p3 $0xFFFFFFFF  }
0x30d: {  	s5 =	smov.u32 @p1 s7  }
.LBB2_51:
0x30e: {  	p1 =	seq.s32 s5, $0xFFFFFFFF  }
.Ltmp43:
0x30f: {  	_ = 	snop;
	(pc) =	sbr.rel @p1 .LBB2_53-.Ltmp43, $1  }
0x310: {  	_ =	sdelay $0x3  }
0x311: {  	s0 =	sshll.u32 s3, $0x8  }
0x312: {  	s0 =	sand.u32 $0x3FFFFF00, s0  }
0x313: {  	v0 =	vld [tilespmem:s0+$0xE438];
	_ =	sdelay $0x2  }
0x314: {  	s4 =	sshll.u32 s5, $0xA  }
0x315: {  	s4 =	sshra.s32 s4, $0x2  }
0x316: {  	[tilespmem:s4+$0xE438] =	vst.add.f32.msk $0xffff, v0  }
0x317: {  	v0 =	vld [tilespmem:s0+$0xE448];
	_ =	sdelay $0x4  }
0x318: {  	[tilespmem:s4+$0xE448] =	vst.add.f32.msk $0xffff, v0  }
0x319: {  	v0 =	vld [tilespmem:s0+$0xE458];
	_ =	sdelay $0x4  }
0x31a: {  	[tilespmem:s4+$0xE458] =	vst.add.f32.msk $0xffff, v0  }
0x31b: {  	v0 =	vld [tilespmem:s0+$0xE468];
	_ =	sdelay $0x4  }
0x31c: {  	[tilespmem:s4+$0xE468] =	vst.add.f32.msk $0xffff, v0  }
0x31d: {  	v0 =	vld [tilespmem:s0+$0xE478];
	_ =	sdelay $0x4  }
0x31e: {  	[tilespmem:s4+$0xE478] =	vst.add.f32.msk $0xffff, v0  }
0x31f: {  	v0 =	vld [tilespmem:s0+$0xE488];
	_ =	sdelay $0x4  }
0x320: {  	[tilespmem:s4+$0xE488] =	vst.add.f32.msk $0xffff, v0  }
0x321: {  	v0 =	vld [tilespmem:s0+$0xE498];
	_ =	sdelay $0x4  }
0x322: {  	[tilespmem:s4+$0xE498] =	vst.add.f32.msk $0xffff, v0  }
0x323: {  	v0 =	vld [tilespmem:s0+$0xE4A8];
	_ =	sdelay $0x4  }
0x324: {  	[tilespmem:s4+$0xE4A8] =	vst.add.f32.msk $0xffff, v0  }
0x325: {  	v0 =	vld [tilespmem:s0+$0xE4B8];
	_ =	sdelay $0x4  }
0x326: {  	[tilespmem:s4+$0xE4B8] =	vst.add.f32.msk $0xffff, v0  }
0x327: {  	v0 =	vld [tilespmem:s0+$0xE4C8];
	_ =	sdelay $0x4  }
0x328: {  	[tilespmem:s4+$0xE4C8] =	vst.add.f32.msk $0xffff, v0  }
0x329: {  	v0 =	vld [tilespmem:s0+$0xE4D8];
	_ =	sdelay $0x4  }
0x32a: {  	[tilespmem:s4+$0xE4D8] =	vst.add.f32.msk $0xffff, v0  }
0x32b: {  	v0 =	vld [tilespmem:s0+$0xE4E8];
	_ =	sdelay $0x4  }
0x32c: {  	[tilespmem:s4+$0xE4E8] =	vst.add.f32.msk $0xffff, v0  }
0x32d: {  	v0 =	vld [tilespmem:s0+$0xE4F8];
	_ =	sdelay $0x4  }
0x32e: {  	[tilespmem:s4+$0xE4F8] =	vst.add.f32.msk $0xffff, v0  }
0x32f: {  	v0 =	vld [tilespmem:s0+$0xE508];
	_ =	sdelay $0x4  }
0x330: {  	[tilespmem:s4+$0xE508] =	vst.add.f32.msk $0xffff, v0  }
0x331: {  	v0 =	vld [tilespmem:s0+$0xE518];
	_ =	sdelay $0x4  }
0x332: {  	[tilespmem:s4+$0xE518] =	vst.add.f32.msk $0xffff, v0  }
0x333: {  	v0 =	vld [tilespmem:s0+$0xE528]  }
.Ltmp44:
0x334: {  	_ = 	snop;
	(pc) =	sbr.rel .LBB2_54-.Ltmp44, $2  }
0x335: {  	_ =	sdelay $0x2  }
0x336: {  	[tilespmem:s4+$0xE528] =	vst.add.f32.msk $0xffff, v0  }
.LBB2_55:
0x337: {  	p1 =	slt.s32 s2, $0x1  }
.Ltmp45:
0x338: {  	_ = 	snop;
	(pc) =	sbr.rel @p1 .LBB2_59-.Ltmp45, $3  }
0x339: {  	_ =	sdelay $0x1  }
0x33a: {  	s0 =	simm.s32 $0x8  }
0x33b: {  	s4 =	simm.s32 $0x0;
	[sflag:s0] =	ssyncpa.u1 $0x1  }
0x33c: {  	s0 =	simm.s32 $0xE418  }
0x33d: {  	v0 =	vld.msk [tilespmem:s0+$0x0], $0x1;
	_ =	sdelay $0x4  }
0x33e: {  	(v2sf) =	vpush v0, $0x0;
	_ =	sdelay $0xe  }
0x33f: {  	s0 =	sadd.s32 $0xFFFFFFFF, s2;
	s3 =	spop (v2sf)  }
0x340: {  	s6 =	simm.s32 $0xE438;
	p1 =	sne.s32 s0, $0x0;
	p2 =	sgt.u32 s3, $0x4E1F70  }
.Ltmp46:
0x341: {  	s2 =	simm.s32 $0xE538;
	s5 =	sand.u32 @!p2 $0x7FFFF8, s3;
	(pc) =	sbr.rel @!p1 .LBB2_58-.Ltmp46, $4  }
0x342: {  	s7 =	sadd.s32 @!p2 $0x80, s3;
	s4 =	simm.s32 @!p2 $0x400;
	s8 =	sadd.s32 @!p2 s1, s5  }
0x343: {  	s5 =	sand.u32 @!p2 $0x7, s3;
	s3 =	simm.s32 $0xE419;
	s7 =	sand.u32 @!p2 $0xFFFFF8, s7  }
0x344: {  	[hbm4b:s8+s5] =	stream.linear.scatter @!p2 [tilespmem:s6], [sflag:$0x7], $0x80, $0x38;
	[tilespmem:$0x1E678] =	vst v63  }
0x345: {  	s4 =	sadd.s32 $0x0, s4;
	s6 =	simm.s32 @!p2 $0xE4B8;
	s7 =	sadd.s32 @!p2 s1, s7  }
.LBB2_57:
0x346: {  	[hbm4b:s7+s5] =	stream.linear.scatter @!p2 [tilespmem:s6], [sflag:$0x7], $0x80, $0x38;
	[tilespmem:$0x1E678] =	vst v63  }
0x347: {  	s0 =	sadd.s32 $0xFFFFFFFF, s0;
	s6 =	smov.u32 s2;
	v0 =	vld.msk [tilespmem:s3+$0x0], $0x1  }
0x348: {  	p1 =	sne.s32 s0, $0x0;
	_ =	sdelay $0x3  }
0x349: {  	(v2sf) =	vpush v0, $0x0;
	_ =	sdelay $0xe  }
0x34a: {  	s2 =	sadd.s32 $0x100, s2;
	s8 =	simm.s32 $0x0;
	s5 =	spop (v2sf)  }
.Ltmp47:
0x34b: {  	s3 =	sadd.s32 $0x1, s3;
	p2 =	sgt.u32 s5, $0x4E1F70;
	(pc) =	sbr.rel @p1 .LBB2_57-.Ltmp47, $4  }
0x34c: {  	s8 =	simm.s32 @!p2 $0x400;
	s7 =	sand.u32 @!p2 $0x7FFFF8, s5;
	s9 =	sadd.s32 @!p2 $0x80, s5  }
0x34d: {  	s5 =	sand.u32 @!p2 $0x7, s5;
	s7 =	sadd.s32 @!p2 s1, s7;
	s9 =	sand.u32 @!p2 $0xFFFFF8, s9  }
0x34e: {  	[hbm4b:s7+s5] =	stream.linear.scatter @!p2 [tilespmem:s6], [sflag:$0x7], $0x80, $0x38;
	[tilespmem:$0x1E678] =	vst v63  }
0x34f: {  	s4 =	sadd.s32 s4, s8;
	s6 =	sadd.s32 @!p2 $0x80, s6;
	s7 =	sadd.s32 @!p2 s1, s9  }
.LBB2_58:
0x350: {  	[hbm4b:s7+s5] =	stream.linear.scatter @!p2 [tilespmem:s6], [sflag:$0x7], $0x80, $0x38;
	[tilespmem:$0x1E678] =	vst v63  }
0x351: {  	s4 =	sshrl.u32 s4, $0x2  }
.LBB2_59:
0x352: {  	s0 =	simm.s32 $0x7  }
0x353: {  	_ =	swait.ge [sflag:s0], s4  }
0x354: {  	s1 =	ssub.s32 $0x0, s4;
	[sflag:s0] =	ssyncset.done $0x0  }
0x355: {  	[sflag:s0] =	ssyncadd.s32 s1  }
0x356: {  	[sflag:s0] =	ssyncpa.u1 $0x1  }
.LBB2_60:
0x357: {  	_ =	sfence;
	s0 =	simm.s32 $0x1  }
0x358: {  	[sflag:s0] =	ssyncpa.u1 $0x1  }
0x359: {  	_ =	strace $0x90000050  }
0x35a: {  	[bflag:$0x2] =	sbarrier.arrive $0xFFFF  }
0x35b: {  	s0 =	rddreg [dreg:$0x3]  }
0x35c: {  	s0 =	sadd.s32 @!p0 $0x100000, s0  }
0x35d: {  	[sflag:s0] =	ssyncadd.tile.s32 @!p0 $0x1;
	_ =	shalt  }
.Lfunc_end2:
_tile_overlayer_lowered:
.L_overlay_start_2:
0x35e: {  	(tag) =	ssettag $0x2  }
0x35f: {  	s0 =	rddreg [dreg:$0x0];
	s2 =	stileid.u32  }
0x360: {  	s1 =	rddreg [dreg:$0x1];
	p0 =	sne.s32 s2, $0x0  }
0x361: {  	s3 =	rddreg [dreg:$0x2];
	[bflag:$0x3] =	sbarrier.arrive $0xFFFF;
	s2 =	simm.s32 @!p0 $0x1C01  }
0x362: {  	[timem:s3], [sflag:s2] =	dma.local @!p0 [hbm:s0], s1  }
0x363: {  	s0 =	simm.s32 @!p0 $0x1  }
0x364: {  	_ =	swait.ge @!p0 [sflag:s0], s1  }
0x365: {  	s1 =	ssub.s32 @!p0 $0x0, s1;
	[sflag:s0] =	ssyncset.done @!p0 $0x0  }
0x366: {  	[sflag:s0] =	ssyncadd.s32 @!p0 s1  }
0x367: {  	[bflag:$0x3] =	sbarrier.arrive $0xFFFF  }
0x368: {  	_ =	shalt  }

// kernel: scatter_offload_async_start
scs
__scs_entry_jumppad:
0x0: {  	(pc) =	sbr.rel $0x88, $3  }
0x1: {  	(tag) =	ssettag $0x0;
	lr =	simm.s32 $0x1  }
0x2: {  	[smem:$0x3F98] =	sst lr;
	_ =	strace $0xD0000000  }
0x3: {  	_ = 	snop  }
0x4: {  	_ = 	snop  }
0x5: {  	_ = 	snop  }
0x6: {  	_ = 	snop  }
0x7: {  	_ = 	snop  }
__scs_overlays_trampoline_lowered:
0x8: {  	[smem:$0x3FA7] =	sst s0  }
0x9: {  	[smem:$0x3FA8] =	sst s1  }
0xa: {  	[smem:$0x3FA9] =	sst s2  }
0xb: {  	[smem:$0x3FAA] =	sst s3  }
0xc: {  	[smem:$0x3FAB] =	sst s4  }
0xd: {  	[smem:$0x3FAC] =	sst s5  }
0xe: {  	[smem:$0x3FAD] =	sst s6  }
0xf: {  	[smem:$0x3FAE] =	sst s7  }
0x10: {  	[smem:$0x3FAF] =	sst s8  }
0x11: {  	[smem:$0x3FB0] =	sst s9;
	s0 =	simm.s32 @!p0 $0x0  }
0x12: {  	s1 =	sld [smem:$0x3F96];
	s0 =	simm.s32 @p0 $0x1  }
0x13: {  	[smem:$0x3FB1] =	sst s0;
	s0 =	simm.s32 @!p1 $0x0  }
0x14: {  	s2 =	sld [smem:$0x3F95];
	s0 =	simm.s32 @p1 $0x1  }
0x15: {  	[smem:$0x3FB2] =	sst s0;
	s0 =	simm.s32 @!p2 $0x0  }
0x16: {  	s3 =	sld [smem:$0x3FDB];
	s0 =	simm.s32 @p2 $0x1  }
0x17: {  	s4 =	simm.s32 $0x1BF5;
	[smem:$0x3FB4] =	sst s0  }
0x18: {  	s0 =	sld [smem:$0x3F97];
	_ =	swait.ge [sflag:s4], $0x0  }
0x19: {  	s7 =	sld [smem:$0x3F98]  }
0x1a: {  	s8 =	sadd.s32 $0xFFFFE003, lr  }
0x1b: {  	s9 =	sadd.s32 $0xFFFFFEF7, lr;
	s5 =	simm.s32 $0xFFFFFFFF;
	p2 =	slt.u32 s8, $0xFFFFF086  }
0x1c: {  	p1 =	slt.u32 s9, $0xF7A;
	s5 =	simm.s32 @!p2 $0x0  }
0x1d: {  	s5 =	simm.s32 @p1 $0x1;
	p0 =	seq.s32 s7, s2  }
0x1e: {  	s7 =	smul.u32 @!p0 $0xF7A, s2;
	p2 =	seq.s32 @!p0 s5, $0x0  }
0x1f: {  	s9 =	smul.u32 $0xF7A, s1;
	s8 =	simm.s32 @!p0 $0x1BF5;
	p2 =	por !p2, p0  }
0x20: {  	[sflag:s8] =	ssyncset.s32 @!p0 $0xFFFFF086;
	s6 =	sadd.s32 @!p0 s3, s7;
	s7 =	simm.s32 @!p0 $0x108  }
0x21: {  	s3 =	sadd.s32 s3, s9;
	s6 =	sadd.s32 @!p0 $0x88, s6;
	s7 =	simm.s32 @p2 $0x1082  }
0x22: {  	[simem:s7], [sflag:s8] =	dma.local @!p0 [hbm:s6], $0xF7A  }
0x23: {  	s9 =	sor.u32 $0xD0000000, s2;
	s6 =	simm.s32 $0x108;
	_ =	swait.ge @!p0 [sflag:s8], $0x0  }
0x24: {  	s3 =	sadd.s32 $0x88, s3;
	s6 =	simm.s32 @!p1 $0x1082;
	[sflag:s4] =	ssyncset.s32 $0xFFFFF086  }
0x25: {  	[simem:s6], [sflag:s4] =	dma.local [hbm:s3], $0xF7A  }
0x26: {  	[smem:$0x3F98] =	sst s1;
	(tag) =	ssettag s2;
	_ =	strace s9  }
0x27: {  	s1 =	sld [smem:$0x3FA8]  }
0x28: {  	s2 =	sld [smem:$0x3FA9]  }
0x29: {  	s4 =	sld [smem:$0x3FAB]  }
0x2a: {  	p0 =	seq.s32 s5, $0x0;
	s5 =	sld [smem:$0x3FAC]  }
0x2b: {  	s6 =	sld [smem:$0x3FAD]  }
0x2c: {  	s7 =	sld [smem:$0x3FAE]  }
0x2d: {  	s3 =	simm.s32 $0x108;
	s8 =	sld [smem:$0x3FAF]  }
0x2e: {  	s3 =	simm.s32 @!p0 $0x1082;
	s9 =	sld [smem:$0x3FB0]  }
0x2f: {  	lr =	sadd.s32 s0, s3;
	s0 =	sld [smem:$0x3FA7]  }
0x30: {  	s3 =	sld [smem:$0x3FAA]  }
0x31: {  	[smem:$0x3FB3] =	sst s10  }
0x32: {  	s10 =	sld [smem:$0x3FB1];
	_ =	sdelay $0x3  }
0x33: {  	p0 =	seq.s32 s10, $0x1;
	s10 =	sld [smem:$0x3FB3];
	_ =	sdelay $0x3  }
0x34: {  	[smem:$0x3FB3] =	sst s10  }
0x35: {  	s10 =	sld [smem:$0x3FB2];
	_ =	sdelay $0x3  }
0x36: {  	p1 =	seq.s32 s10, $0x1;
	s10 =	sld [smem:$0x3FB3];
	_ =	sdelay $0x3  }
0x37: {  	[smem:$0x3FB3] =	sst s10  }
0x38: {  	s10 =	sld [smem:$0x3FB4]  }
0x39: {  	_ = 	snop;
	(pc) =	sbr.ind lr, $3  }
0x3a: {  	_ = 	snop  }
0x3b: {  	_ = 	snop  }
0x3c: {  	p2 =	seq.s32 s10, $0x1;
	s10 =	sld [smem:$0x3FB3]  }
0x3d: {  	_ =	shalt  }
0x3e: {  	_ =	shalt  }
0x3f: {  	_ =	shalt  }
0x40: {  	_ =	shalt  }
0x41: {  	_ =	shalt  }
0x42: {  	_ =	shalt  }
0x43: {  	_ =	shalt  }
0x44: {  	_ =	shalt  }
0x45: {  	_ =	shalt  }
0x46: {  	_ =	shalt  }
0x47: {  	_ =	shalt  }
0x48: {  	_ =	shalt  }
0x49: {  	_ =	shalt  }
0x4a: {  	_ =	shalt  }
0x4b: {  	_ =	shalt  }
0x4c: {  	_ =	shalt  }
0x4d: {  	_ =	shalt  }
0x4e: {  	_ =	shalt  }
0x4f: {  	_ =	shalt  }
0x50: {  	_ =	shalt  }
0x51: {  	_ =	shalt  }
0x52: {  	_ =	shalt  }
0x53: {  	_ =	shalt  }
0x54: {  	_ =	shalt  }
0x55: {  	_ =	shalt  }
0x56: {  	_ =	shalt  }
0x57: {  	_ =	shalt  }
0x58: {  	_ =	shalt  }
0x59: {  	_ =	shalt  }
0x5a: {  	_ =	shalt  }
0x5b: {  	_ =	shalt  }
0x5c: {  	_ =	shalt  }
0x5d: {  	_ =	shalt  }
0x5e: {  	_ =	shalt  }
0x5f: {  	_ =	shalt  }
0x60: {  	_ =	shalt  }
0x61: {  	_ =	shalt  }
0x62: {  	_ =	shalt  }
0x63: {  	_ =	shalt  }
0x64: {  	_ =	shalt  }
0x65: {  	_ =	shalt  }
0x66: {  	_ =	shalt  }
0x67: {  	_ =	shalt  }
0x68: {  	_ =	shalt  }
0x69: {  	_ =	shalt  }
0x6a: {  	_ =	shalt  }
0x6b: {  	_ =	shalt  }
0x6c: {  	_ =	shalt  }
0x6d: {  	_ =	shalt  }
0x6e: {  	_ =	shalt  }
0x6f: {  	_ =	shalt  }
0x70: {  	_ =	shalt  }
0x71: {  	_ =	shalt  }
0x72: {  	_ =	shalt  }
0x73: {  	_ =	shalt  }
0x74: {  	_ =	shalt  }
0x75: {  	_ =	shalt  }
0x76: {  	_ =	shalt  }
0x77: {  	_ =	shalt  }
0x78: {  	_ =	shalt  }
0x79: {  	_ =	shalt  }
0x7a: {  	_ =	shalt  }
0x7b: {  	_ =	shalt  }
0x7c: {  	_ =	shalt  }
0x7d: {  	_ =	shalt  }
0x7e: {  	_ =	shalt  }
0x7f: {  	_ =	shalt  }
0x80: {  	_ =	shalt  }
0x81: {  	_ =	shalt  }
0x82: {  	_ =	shalt  }
0x83: {  	_ =	shalt  }
0x84: {  	_ =	shalt  }
0x85: {  	_ =	shalt  }
0x86: {  	_ =	shalt  }
0x87: {  	_ =	shalt  }
.Lfunc_end0:
.L_simem_size_0:
called_computation_lowered:
.L_overlay_start_0:
0x88: {  	s2 =	sld [smem:$0x3FD9]  }
0x89: {  	s3 =	sld [smem:$0x3FFE];
	_ =	sdelay $0x1  }
0x8a: {  	s1 =	srdreg.scid  }
0x8b: {  	s0 =	sand.u32 $0x1, s1  }
0x8c: {  	s17 =	sshll.u32 s0, $0xA;
	s2 =	sadd.s32 s3, s2  }
0x8d: {  	s2 =	sadd.s32 s2, s17  }
0x8e: {  	[smem:$0x3FBF] =	sst s2  }
0x8f: {  	_ = 	snop  }
0x90: {  	(tm) =	ssettm $0x1  }
0x91: {  	s18 =	sld [smem:$0x3FFB];
	_ =	sdelay $0x3  }
0x92: {  	_ =	strace s18  }
0x93: {  	s2 =	sld [smem:$0x3FFC];
	_ =	sdelay $0x3  }
0x94: {  	_ =	strace s2  }
0x95: {  	s2 =	sld [smem:$0x3FFD];
	_ =	sdelay $0x3  }
0x96: {  	_ =	strace s2  }
0x97: {  	_ =	strace $0x8FFFFFFF  }
0x98: {  	s19 =	sld [smem:$0x3FDB];
	_ =	sdelay $0x1  }
0x99: {  	s20 =	simm.s32 $_scs_section_size  }
0x9a: {  	s4 =	simm.s32 $_size__tile_overlayer_lowered;
	s5 =	simm.s32 $_tile_overlayer_lowered  }
0x9b: {  	s6 =	simm.s32 $0x1BFF;
	s21 =	sshll.u32 s5, $0x1;
	s3 =	sadd.s32 s20, s19  }
0x9c: {  	s22 =	simm.s32 $0x0;
	s4 =	sshll.u32 s4, $0x1;
	s5 =	sadd.s32 s21, s3  }
0x9d: {  	[timem:s22], [sflag:s6] =	dma.local [hbm:s5], s4  }
0x9e: {  	_ =	swait.ge [sflag:s6], s4  }
0x9f: {  	s4 =	ssub.s32 $0x0, s4;
	[sflag:s6] =	ssyncset.done $0x0  }
0xa0: {  	[sflag:s6] =	ssyncadd.s32 s4;
	_ =	sdelay $0x1  }
0xa1: {  	s23 =	simm.s32 $0x1B8B  }
0xa2: {  	_ =	swait.ge [sflag:s23], $0x1  }
0xa3: {  	[sflag:s23] =	ssyncset.done $0x0  }
0xa4: {  	[sflag:s23] =	ssyncadd.s32 $0xFFFFFFFF  }
0xa5: {  	s4 =	sld [smem:$0x0]  }
0xa6: {  	s5 =	sand.u32 $0xFFFFFFFE, s1  }
0xa7: {  	p0 =	sne.s32 s1, s5  }
0xa8: {  	s5 =	sshll.u32 @p0 s5, $0xE  }
0xa9: {  	s5 =	sadd.s32 @p0 $0x11B8D, s5;
	s6 =	sshll.u32 @p0 s4, $0x11  }
0xaa: {  	s5 =	sor.u32 @p0 s6, s5  }
0xab: {  	[sflag:s5] =	ssyncadd.remote.s32 @p0 $0x1;
	_ =	sdelay $0x1  }
0xac: {  	s5 =	simm.s32 @p0 $0x1B8D  }
0xad: {  	_ =	swait.eq @p0 [sflag:s5], $0x1  }
0xae: {  	[sflag:s5] =	ssyncadd.s32 @p0 $0xFFFFFFFF  }
0xaf: {  	s6 =	sshll.u32 @!p0 s1, $0xE  }
0xb0: {  	s6 =	sor.u32 @!p0 $0x4000, s6;
	s5 =	simm.s32 @!p0 $0x1B8D  }
0xb1: {  	s7 =	sshll.u32 @!p0 s4, $0x11;
	s6 =	sadd.s32 @!p0 $0x11B8D, s6;
	_ =	swait.eq @!p0 [sflag:s5], $0x1  }
0xb2: {  	[sflag:s5] =	ssyncadd.s32 @!p0 $0xFFFFFFFF;
	s5 =	sor.u32 @!p0 s7, s6  }
0xb3: {  	s25 =	simm.s32 $0x1B8E;
	s24 =	sld [smem:$0x3FFE];
	[sflag:s5] =	ssyncadd.remote.s32 @!p0 $0x1  }
0xb4: {  	s26 =	simm.s32 $execute0_lowered;
	[smem:$0x3FD2] =	sst s25  }
0xb5: {  	s6 =	sshll.u32 s26, $0x1;
	_ =	strace $0x8000004C;
	[dreg:$0x1] =	wrdreg $0xFFFFFFFF  }
0xb6: {  	s28 =	simm.s32 $_size_execute0_lowered;
	s3 =	sadd.s32 s3, s6;
	[dreg:$0x0] =	wrdreg $0x0  }
0xb7: {  	s6 =	sshll.u32 s28, $0x1;
	[dreg:$0x2] =	wrdreg s3  }
0xb8: {  	[dreg:$0x3] =	wrdreg s6  }
0xb9: {  	[dreg:$0x4] =	wrdreg $0xC0  }
0xba: {  	_ =	task [dreg:s22], $0x5FFFF  }
0xbb: {  	[dreg:$0x1] =	wrdreg $0xFFFFFFFF  }
0xbc: {  	[dreg:$0x0] =	wrdreg $0x60  }
0xbd: {  	[dreg:$0x2] =	wrdreg s24  }
0xbe: {  	[dreg:$0x3] =	wrdreg s1  }
0xbf: {  	[dreg:$0x4] =	wrdreg s4  }
0xc0: {  	[dreg:$0x5] =	wrdreg $0x9  }
0xc1: {  	_ =	task.clear_ibuf [dreg:s22], $0x6FFFF;
	_ =	strace $0x9000004C  }
0xc2: {  	s29 =	simm.s32 $0x9;
	_ =	strace $0x8000004E  }
0xc3: {  	_ =	swait.ge [sflag:s29], $0x1  }
0xc4: {  	[sflag:s29] =	ssyncadd.s32 $0xFFFFFFFF  }
0xc5: {  	_ =	strace $0x9000004E  }
0xc6: {  	_ =	sfence  }
0xc7: {  	s30 =	sld [smem:$0x0];
	_ =	sdelay $0x2  }
0xc8: {  	s31 =	sshll.u32 s1, $0xD;
	s1 =	sshrl.u32 s1, $0x2  }
0xc9: {  	s4 =	sand.u32 $0x4000, s31;
	s1 =	sadd.s32 s1, s30  }
0xca: {  	s0 =	sor.u32 s4, s0;
	s1 =	sshll.u32 s1, $0x11  }
0xcb: {  	s0 =	sor.u32 s1, s0  }
0xcc: {  	s0 =	sadd.s32 $0x8F2B, s0  }
0xcd: {  	[sflag:s0] =	ssyncadd.remote.s32 $0x1  }
0xce: {  	_ =	sfence.sel $0xFFFF  }
0xcf: {  	[dreg:$0x0] =	wrdreg $0xFFFFFFFF;
	(pc) =	sbr.abs _section_cstart, $3  }
0xd0: {  	[dreg:$0x1] =	wrdreg $0xFFFFFFFF  }
0xd1: {  	_ =	task.clear_ibuf [dreg:s22], $0x2FFFF;
	_ =	strace $0x9FFFFFFF  }
0xd2: {  	(tm) =	ssettm $0x7FFFFFFF  }
0xd3: {  	_ =	shalt  }
tec
execute0_lowered:
.L_overlay_start_1:
0x0: {  	(tag) =	ssettag $0x1  }
0x1: {  	s2 =	rddreg [dreg:$0x0]  }
0x2: {  	s3 =	rddreg [dreg:$0x1];
	_ =	strace $0x8000004D;
	s0 =	simm.s32 $0x1  }
0x3: {  	s5 =	simm.s32 $0x208;
	v0 =	vimm.s32 $0x0;
	[sflag:s0] =	ssyncpa.u1 $0x0  }
0x4: {  	[tilespmem:s5+$0x70] =	vst v0  }
0x5: {  	[tilespmem:s5+$0x60] =	vst v0  }
0x6: {  	[tilespmem:s5+$0x50] =	vst v0  }
0x7: {  	[tilespmem:s5+$0x40] =	vst v0  }
0x8: {  	[tilespmem:s5+$0x30] =	vst v0  }
0x9: {  	s1 =	sadd.s32 $0x27B600, s2;
	s0 =	sadd.s32 $0x600, s2;
	s6 =	sadd.s32 $0x576000, s2;
	[tilespmem:s5+$0x20] =	vst v0  }
0xa: {  	s4 =	sadd.s32 $0x5600, s2;
	s10 =	sand.u32 $0x1, s3;
	s2 =	simm.s32 $0x40;
	[tilespmem:s5+$0x10] =	vst v0  }
.LBB2_1:
0xb: {  	s2 =	sadd.s32 $0x40, s2;
	[tilespmem:s5+$0x0] =	vst v0;
	s5 =	sadd.s32 $0x80, s5  }
0xc: {  	p0 =	slt.u32 s2, $0x3880;
	[tilespmem:s5+$0x70] =	vst v0  }
0xd: {  	[tilespmem:s5+$0x60] =	vst v0  }
.Ltmp0:
0xe: {  	[tilespmem:s5+$0x50] =	vst v0;
	(pc) =	sbr.rel @p0 .LBB2_1-.Ltmp0, $4  }
0xf: {  	[tilespmem:s5+$0x40] =	vst v0  }
0x10: {  	[tilespmem:s5+$0x30] =	vst v0  }
0x11: {  	[tilespmem:s5+$0x20] =	vst v0  }
0x12: {  	[tilespmem:s5+$0x10] =	vst v0  }
0x13: {  	s11 =	stileid.u32  }
0x14: {  	s2 =	smul.u32 $0x2C, s11  }
0x15: {  	s3 =	smin.u32 s11, $0xB  }
0x16: {  	s2 =	sadd.s32 s3, s2  }
0x17: {  	p0 =	slt.u32 s11, $0xB;
	s20 =	smul.u32 $0x70, s2;
	s2 =	simm.s32 $0x13B0  }
0x18: {  	s2 =	simm.s32 @!p0 $0x1340  }
0x19: {  	s2 =	sadd.s32 s2, s20  }
0x1a: {  	s8 =	smin.u32 s2, $0x13880  }
0x1b: {  	s26 =	simm.s32 $0x2;
	s2 =	ssub.s32 s8, s20  }
0x1c: {  	s9 =	simm.s32 $0x9;
	s29 =	simm.s32 $0xA;
	p0 =	sgt.s32 s2, $0x0  }
0x1d: {  	s30 =	simm.s32 $0xB;
	s31 =	smul.u32 $0x2710, s10;
	s2 =	simm.s32 @!p0 $0x0  }
0x1e: {  	[dreg:$0x4] =	wrdreg s10;
	s12 =	simm.s32 $0x1;
	s25 =	smulhi.u32 $0x92492493, s2  }
0x1f: {  	s24 =	simm.s32 $0x0;
	p1 =	por $0x0, $0x0;
	s18 =	simm.s32 $0x80  }
0x20: {  	s19 =	simm.s32 $0x400;
	s17 =	simm.s32 $0xC;
	s3 =	sshrl.u32 s25, $0x6  }
0x21: {  	s21 =	simm.s32 $0x0;
	s23 =	simm.s32 $0x0;
	s28 =	smul.u32 $0x70, s3  }
.Ltmp1:
0x22: {  	[tilespmem:s5+$0x0] =	vst v0;
	v0 =	vimm.s32 $0xFFFFFFFF;
	[sflag:s26] =	ssyncpa.u1 $0x0;
	s16 =	sshll.u32 s11, $0x9;
	(pc) =	sbr.rel .LBB2_3-.Ltmp1, $4  }
0x23: {  	[tilespmem:$0xE408] =	vst v0;
	[sflag:s9] =	ssyncpa.u1 $0x0;
	p0 =	sne.s32 s2, s28;
	s2 =	simm.s32 $0x1  }
0x24: {  	s14 =	sadd.s32 s31, s4;
	[sflag:s29] =	ssyncpa.u1 $0x0;
	s2 =	simm.s32 @!p0 $0x0  }
0x25: {  	s15 =	sadd.s32 s31, s0;
	[sflag:s30] =	ssyncpa.u1 $0x0;
	s13 =	sadd.s32 s2, s3  }
0x26: {  	v0 =	vlaneseq.u32;
	s22 =	smov.u32 s20;
	p0 =	por $0x1, $0x1;
	s11 =	sadd.s32 $0x1, s13  }
.LBB2_24:
0x27: {  	s2 =	sshrl.u32 s4, $0x2  }
.LBB2_26:
0x28: {  	_ =	swait.ge [sflag:s17], s2  }
0x29: {  	s31 =	ssub.s32 $0x0, s2;
	v1 =	vmov s26;
	vm0 =	veq.s32 v0, $0x0;
	[sflag:s17] =	ssyncset.done $0x0  }
0x2a: {  	vm15 =	veq.s32 v0, $0x2;
	v1 =	vsel vm0, s0, v1;
	[sflag:s17] =	ssyncadd.s32 s31  }
0x2b: {  	v1 =	vsel vm15, s24, v1;
	[sflag:s17] =	ssyncpa.u1 $0x1  }
0x2c: {  	[tilespmem:$0xE408] =	vst v1  }
.LBB2_27:
0x2d: {  	s0 =	sadd.s32 $0x70, s22  }
0x2e: {  	s2 =	smov.u32 s20;
	p2 =	slt.s32 s0, s8  }
0x2f: {  	s2 =	smov.u32 @p2 s0;
	p2 =	sne.s32 s23, s11  }
.Ltmp2:
0x30: {  	_ = 	snop;
	(pc) =	sbr.rel @!p2 .LBB2_28-.Ltmp2, $4  }
0x31: {  	_ = 	snop  }
0x32: {  	s24 =	smov.u32 s21  }
0x33: {  	s31 =	sadd.s32 $0x1, s23;
	s21 =	smov.u32 s22;
	p0 =	por !p0, !p0  }
0x34: {  	p1 =	por !p1, !p1;
	s23 =	smov.u32 s31;
	s22 =	smov.u32 s2  }
.LBB2_3:
0x35: {  	p2 =	sge.u32 s23, s13  }
0x36: {  	s0 =	smulhi.u32 @!p2 $0xAAAAAAAB, s23  }
0x37: {  	s2 =	smov.u32 s22;
	p3 =	sgt.s32 @!p2 s22, $0x13810  }
0x38: {  	s3 =	sshra.s32 @!p2 s22, $0x1F;
	p3 =	por !p3, p2;
	s0 =	sshrl.u32 @!p2 s0, $0x1  }
0x39: {  	s3 =	sand.u32 @!p2 s3, s22;
	s2 =	simm.s32 @p3 $0x13810;
	s0 =	smul.u32 @!p2 $0x3, s0  }
0x3a: {  	s2 =	ssub.s32 @!p2 s2, s3  }
0x3b: {  	s2 =	sadd.s32 @!p2 $0xFFFEC7F0, s2;
	s0 =	ssub.s32 @!p2 s23, s0  }
0x3c: {  	s3 =	sshll.u32 @!p2 s2, $0x2;
	p3 =	sgt.s32 @!p2 s2, $0x6F;
	s0 =	smul.u32 @!p2 $0x1C0, s0  }
0x3d: {  	s4 =	sand.u32 @!p2 $0x7, s22;
	s2 =	ssub.s32 @!p2 $0x1C0, s3;
	p3 =	por !p3, p2  }
0x3e: {  	s3 =	sshrl.u32 @!p2 s22, $0x3;
	s2 =	sshrl.u32 @!p2 s2, $0x2;
	s0 =	sshrl.u32 @!p2 s0, $0x2  }
0x3f: {  	s3 =	sadd.s32 @!p2 s3, s14;
	s2 =	simm.s32 @!p3 $0x0;
	s0 =	sadd.s32 @!p2 $0x10448, s0  }
0x40: {  	[tilespmem:s0], [sflag:$0xA] =	stream.linear.gather @!p2 [hbm4b:s3+s4], s2, $0x38;
	[tilespmem:$0x1E678] =	vst v63  }
0x41: {  	s2 =	sadd.s32 $0xFFFFFFFF, s23  }
0x42: {  	p2 =	sge.u32 s2, s13  }
0x43: {  	p3 =	sgt.s32 @!p2 s21, $0x13810  }
0x44: {  	s0 =	smov.u32 s21;
	s3 =	sshra.s32 @!p2 s21, $0x1F;
	p3 =	por !p3, p2  }
0x45: {  	s3 =	sand.u32 @!p2 s3, s21;
	s0 =	simm.s32 @p3 $0x13810  }
0x46: {  	s0 =	ssub.s32 @!p2 s0, s3  }
0x47: {  	s0 =	sadd.s32 @!p2 $0xFFFEC7F0, s0  }
0x48: {  	s3 =	sshll.u32 @!p2 s0, $0x2  }
0x49: {  	p3 =	sgt.s32 @!p2 s0, $0x6F;
	s0 =	ssub.s32 @!p2 $0x1C0, s3  }
0x4a: {  	p3 =	por !p3, p2;
	s0 =	sshrl.u32 @!p2 s0, $0x2  }
0x4b: {  	s4 =	simm.s32 @!p2 $0xA;
	s3 =	sand.u32 @!p2 $0x1, s2;
	s0 =	simm.s32 @!p3 $0x0  }
0x4c: {  	s3 =	smul.u32 @!p2 $0x1C0, s3;
	_ =	swait.ge @!p2 [sflag:s4], s0  }
0x4d: {  	s5 =	ssub.s32 @!p2 $0x0, s0;
	[sflag:s4] =	ssyncset.done @!p2 $0x0  }
0x4e: {  	s3 =	sshrl.u32 @!p2 s3, $0x2;
	[sflag:s4] =	ssyncadd.s32 @!p2 s5;
	s4 =	sshrl.u32 @!p2 s21, $0x3  }
0x4f: {  	s3 =	sadd.s32 @!p2 $0x10598, s3;
	s5 =	sand.u32 @!p2 $0x7, s21;
	s4 =	sadd.s32 @!p2 s4, s15  }
0x50: {  	[tilespmem:s3], [sflag:$0xB] =	stream.linear.gather @!p2 [hbm4b:s4+s5], s0, $0x38;
	[tilespmem:$0x1E678] =	vst v63  }
0x51: {  	s0 =	ssub.s32 @!p2 $0x13880, s21  }
0x52: {  	p3 =	slt.s32 @!p2 s0, $0x1  }
0x53: {  	p3 =	por p2, p3  }
.Ltmp3:
0x54: {  	_ = 	snop;
	(pc) =	sbr.rel @p3 .LBB2_9-.Ltmp3, $1  }
0x55: {  	_ =	sdelay $0x3  }
0x56: {  	s3 =	smulhi.u32 $0xAAAAAAAB, s2;
	_ =	sdelay $0x1  }
0x57: {  	s3 =	sshrl.u32 s3, $0x1  }
0x58: {  	s3 =	smul.u32 $0x3, s3;
	_ =	sdelay $0x1  }
0x59: {  	s30 =	ssub.s32 s2, s3  }
0x5a: {  	s4 =	simm.s32 $0x1;
	s2 =	smul.u32 $0x1C0, s30  }
.Ltmp4:
0x5b: {  	s4 =	simm.s32 @!p0 $0x0;
	(pc) =	sbr.rel .LBB2_6-.Ltmp4, $4  }
0x5c: {  	s31 =	smul.u32 $0x1C000, s4  }
0x5d: {  	p3 =	slt.s32 @!p2 s0, $0x70;
	s2 =	sshrl.u32 s2, $0x2  }
0x5e: {  	p2 =	por !p3, p2;
	s3 =	sshrl.u32 s31, $0x2;
	s5 =	sadd.s32 $0x10448, s2  }
0x5f: {  	s0 =	simm.s32 @p2 $0x70;
	s4 =	sor.u32 $0x10678, s3;
	s2 =	simm.s32 $0x0;
	v1 =	vmov s5  }
.LBB2_5:
0x60: {  	p2 =	sge.s32 s2, s0  }
.Ltmp5:
0x61: {  	_ = 	snop;
	(pc) =	sbr.rel @p2 .LBB2_9-.Ltmp5, $2  }
0x62: {  	_ =	sdelay $0x2  }
0x63: {  	s4 =	sadd.s32 $0x1000, s4  }
.LBB2_6:
0x64: {  	p2 =	sle.s32 s0, s2  }
.Ltmp6:
0x65: {  	_ = 	snop;
	(pc) =	sbr.rel @p2 .LBB2_5-.Ltmp6, $2  }
0x66: {  	_ =	sdelay $0x2  }
0x67: {  	s5 =	smov.u32 s2;
	s2 =	sadd.s32 $0x10, s2  }
0x68: {  	s3 =	ssub.s32 s0, s5  }
0x69: {  	p2 =	slt.s32 s3, $0x10  }
0x6a: {  	s3 =	simm.s32 @!p2 $0x10  }
0x6b: {  	v2 =	vmov s3  }
0x6c: {  	vm0 =	vgt.s32 v2, v0;
	_ =	sdelay $0x5  }
0x6d: {  	v2 =	vld.idx.msk [tilespmem:v1+s5+$0x0 ss:$0x1], vm0;
	_ =	sdelay $0x2  }
0x6e: {  	p2 =	slt.s32 s2, s0;
	s3 =	smov.u32 s0  }
0x6f: {  	s9 =	smov.u32 s4;
	s25 =	simm.s32 $0x0;
	s3 =	smov.u32 @p2 s2  }
.LBB2_8:
0x70: {  	(v2sf) =	vpush v2, s25;
	_ =	sdelay $0xe  }
0x71: {  	s25 =	sadd.s32 $0x1, s25;
	s10 =	spop (v2sf)  }
0x72: {  	s31 =	sadd.s32 s25, s5;
	s26 =	sshll.u32 s10, $0x8;
	s10 =	sshll.u32 s10, $0x7  }
0x73: {  	p2 =	slt.s32 s31, s3;
	s26 =	sand.u32 $0xFFFFF800, s26;
	s10 =	sand.u32 $0x380, s10  }
.Ltmp7:
0x74: {  	s10 =	sor.u32 s10, s26;
	(pc) =	sbr.rel @p2 .LBB2_8-.Ltmp7, $4  }
0x75: {  	s10 =	sshrl.u32 s10, $0x3  }
0x76: {  	s10 =	sadd.s32 s6, s10  }
0x77: {  	[tilespmem:s9], [sflag:$0x9] =	stream.strided.gather [hbm4b:s10+s18], $0x100, s19, s18, $0x38;
	[tilespmem:$0x1E678] =	vst v63  }
0x78: {  	s9 =	sadd.s32 $0x100, s9  }
.Ltmp8:
0x79: {  	_ = 	snop;
	(pc) =	sbr.rel .LBB2_5-.Ltmp8, $1  }
0x7a: {  	_ =	sdelay $0x3  }
.LBB2_9:
0x7b: {  	p2 =	slt.u32 s23, $0x2  }
.Ltmp9:
0x7c: {  	_ = 	snop;
	(pc) =	sbr.rel @p2 .LBB2_27-.Ltmp9, $1  }
0x7d: {  	_ =	sdelay $0x3  }
0x7e: {  	p2 =	sgt.s32 s24, $0x13810  }
0x7f: {  	s0 =	smov.u32 s24;
	s2 =	sshra.s32 s24, $0x1F;
	s3 =	ssub.s32 $0x13880, s24  }
0x80: {  	s0 =	simm.s32 @!p2 $0x13810;
	s2 =	sand.u32 s2, s24;
	p2 =	slt.s32 s3, $0x70  }
0x81: {  	s0 =	ssub.s32 s0, s2;
	s3 =	simm.s32 @!p2 $0x70  }
0x82: {  	s0 =	sadd.s32 $0xFFFEC7F0, s0;
	s9 =	sshll.u32 s3, $0x8  }
0x83: {  	s26 =	simm.s32 $0x9;
	s10 =	sshll.u32 s0, $0x2;
	s2 =	sand.u32 $0x3FFFFF00, s9  }
0x84: {  	p2 =	sgt.s32 s0, $0x6F;
	s25 =	ssub.s32 $0x1C0, s10;
	_ =	swait.ge [sflag:s26], s2  }
0x85: {  	s2 =	ssub.s32 $0x0, s2;
	[sflag:s26] =	ssyncset.done $0x0;
	s0 =	sshrl.u32 s25, $0x2  }
0x86: {  	s29 =	simm.s32 $0xB;
	[sflag:s26] =	ssyncadd.s32 s2;
	s0 =	simm.s32 @p2 $0x0  }
0x87: {  	_ =	swait.ge [sflag:s29], s0  }
0x88: {  	s0 =	ssub.s32 $0x0, s0;
	[sflag:s29] =	ssyncset.done $0x0  }
0x89: {  	[sflag:s29] =	ssyncadd.s32 s0  }
0x8a: {  	v1 =	vld [tilespmem:$0xE408];
	_ =	sdelay $0x4  }
0x8b: {  	(v2sf) =	vpush v1, $0x0  }
0x8c: {  	(v2sf) =	vpush v1, $0x1  }
0x8d: {  	(v2sf) =	vpush v1, $0x2;
	_ =	sdelay $0x3  }
0x8e: {  	s0 =	sadd.s32 $0x70, s24  }
0x8f: {  	s2 =	ssub.s32 $0x27100, s24;
	p2 =	slt.s32 s8, s0  }
0x90: {  	s0 =	smov.u32 @p2 s8;
	p2 =	sgt.s32 s2, $0x0  }
0x91: {  	s0 =	ssub.s32 s0, s24;
	s2 =	simm.s32 @!p2 $0x0  }
0x92: {  	p2 =	slt.s32 s2, s0  }
0x93: {  	s0 =	smov.u32 @p2 s2  }
0x94: {  	s4 =	simm.s32 $0x1;
	p2 =	slt.s32 s0, $0x1  }
.Ltmp10:
0x95: {  	s4 =	simm.s32 @!p1 $0x0;
	(pc) =	sbr.rel @p2 .LBB2_14-.Ltmp10, $4  }
0x96: {  	s30 =	smul.u32 $0x1C0, s4  }
0x97: {  	s5 =	spop (v2sf)  }
0x98: {  	s31 =	sshrl.u32 s30, $0x2;
	s28 =	spop (v2sf)  }
0x99: {  	s25 =	sadd.s32 $0x10598, s31;
	s24 =	spop (v2sf)  }
0x9a: {  	s2 =	smin.u32 s0, $0x10  }
0x9b: {  	v1 =	vmov s2  }
0x9c: {  	vm1 =	vgt.u32 v1, v0  }
0x9d: {  	p3 =	sgt.s32 s0, $0x10  }
.Ltmp11:
0x9e: {  	_ = 	snop;
	(pc) =	sbr.rel @!p3 .LBB2_13-.Ltmp11, $2  }
0x9f: {  	_ =	sdelay $0x2  }
0xa0: {  	s26 =	simm.s32 $0x10;
	s29 =	sadd.s32 $0xFFFFFFF0, s0;
	s2 =	smov.u32 s25;
	vm0 =	vmmov vm1;
	v1 =	vld.msk [tilespmem:s25+$0x0 ss:$0x1], vm1  }
.LBB2_12:
0xa1: {  	s3 =	smin.u32 s29, $0x10;
	s26 =	sadd.s32 $0x10, s26  }
0xa2: {  	v2 =	vmov s3;
	p3 =	slt.s32 s26, s0  }
0xa3: {  	vm1 =	vgt.u32 v2, v0;
	_ =	sdelay $0x1  }
0xa4: {  	v2 =	vshll.u32 v1, $0x5;
	v1 =	vshll.u32 v1, $0x4  }
.Ltmp12:
0xa5: {  	v2 =	vand.u32 $0xFFFFFF00, v2;
	v1 =	vand.u32 $0x70, v1;
	(pc) =	sbr.rel @p3 .LBB2_12-.Ltmp12, $4  }
0xa6: {  	v1 =	vor.u32 v1, v2  }
0xa7: {  	[tilespmem:s2+$0x0] =	vst.msk vm0, v1;
	s2 =	sadd.s32 $0x10, s2;
	vm0 =	vmmov vm1  }
0xa8: {  	v1 =	vld.msk [tilespmem:s2+$0x0 ss:$0x1], vm1  }
0xa9: {  	s29 =	sadd.s32 $0xFFFFFFF0, s29  }
.LBB2_13:
0xaa: {  	_ =	sdelay $0x3  }
0xab: {  	v2 =	vshll.u32 v1, $0x5;
	v1 =	vshll.u32 v1, $0x4  }
0xac: {  	v2 =	vand.u32 $0xFFFFFF00, v2;
	v1 =	vand.u32 $0x70, v1  }
0xad: {  	v1 =	vor.u32 v1, v2  }
0xae: {  	[tilespmem:s2+$0x0] =	vst.msk vm0, v1  }
.LBB2_14:
0xaf: {  	s2 =	sand.u32 $0x1, s23  }
0xb0: {  	s2 =	smul.u32 $0x70, s2  }
0xb1: {  	p3 =	sne.s32 s28, $0xFFFFFFFF  }
0xb2: {  	v1 =	vld.msk @!p3 [tilespmem:s2+$0x10598], $0x1;
	_ =	sdelay $0x4  }
0xb3: {  	(v2sf) =	vpush @!p3 v1, $0x0;
	_ =	sdelay $0xc  }
.Ltmp13:
0xb4: {  	_ = 	snop;
	(pc) =	sbr.rel @p2 .LBB2_25-.Ltmp13, $4  }
0xb5: {  	_ = 	snop  }
0xb6: {  	s31 =	spop @!p3 (v2sf)  }
0xb7: {  	s24 =	simm.s32 @!p3 $0x0;
	s26 =	smov.u32 s31  }
0xb8: {  	[sflag:s17] =	ssyncpa.u1 $0x0;
	s31 =	smov.u32 @p3 s5;
	s26 =	smov.u32 @p3 s28  }
0xb9: {  	v1 =	vld.msk [tilespmem:s25+$0x0], $0x1;
	_ =	sdelay $0x4  }
0xba: {  	(v2sf) =	vpush v1, $0x0;
	_ =	sdelay $0xe  }
0xbb: {  	s7 =	smov.u32 s11;
	s5 =	spop (v2sf)  }
0xbc: {  	s17 =	smov.u32 s15;
	s2 =	smul.u32 $0x1C000, s4;
	p2 =	seq.s32 s31, s5  }
0xbd: {  	s3 =	smov.u32 s31;
	s29 =	ssub.s32 $0x0, s0;
	p3 =	sgt.s32 @!p2 s31, $0x0  }
0xbe: {  	s30 =	simm.s32 $0x0;
	s2 =	sshrl.u32 s2, $0x2;
	p3 =	por !p3, p2  }
0xbf: {  	s0 =	sadd.s32 $0x1, s29;
	s28 =	sor.u32 $0x106F8, s2;
	s3 =	simm.s32 @p3 $0x0  }
0xc0: {  	s2 =	simm.s32 @!p2 $0x1;
	p3 =	seq.s32 s0, $0x0;
	s3 =	smin.u32 @!p2 s3, $0x4E170  }
.Ltmp14:
0xc1: {  	s4 =	simm.s32 @!p2 $0x7308;
	s9 =	sand.u32 @!p2 $0x7FFF8, s3;
	(pc) =	sbr.rel @p3 .LBB2_17-.Ltmp14, $4  }
0xc2: {  	s10 =	sadd.s32 @!p2 $0x80, s3;
	s11 =	sadd.s32 @!p2 s1, s9;
	s9 =	sand.u32 @!p2 $0x7, s3  }
0xc3: {  	[tilespmem:s4], [sflag:$0x2] =	stream.linear.gather @!p2 [hbm4b:s11+s9], $0x80, $0x38;
	[tilespmem:$0x1E678] =	vst v63  }
0xc4: {  	s15 =	smov.u32 s14;
	s2 =	smov.u32 @p2 s30;
	s4 =	sand.u32 @!p2 $0xFFFF8, s10  }
0xc5: {  	s3 =	simm.s32 @!p2 $0x7388;
	s10 =	sadd.s32 @!p2 s1, s4;
	s4 =	sadd.s32 $0x1, s25  }
.LBB2_16:
0xc6: {  	s11 =	smov.u32 s2  }
0xc7: {  	[tilespmem:s3], [sflag:$0x2] =	stream.linear.gather @!p2 [hbm4b:s10+s9], $0x80, $0x38;
	[tilespmem:$0x1E678] =	vst v63  }
0xc8: {  	s0 =	sadd.s32 $0x1, s0;
	s9 =	smov.u32 s5;
	v1 =	vld.msk [tilespmem:s4+$0x0], $0x1  }
0xc9: {  	p3 =	seq.s32 s0, $0x0;
	_ =	sdelay $0x3  }
0xca: {  	(v2sf) =	vpush v1, $0x0;
	_ =	sdelay $0xe  }
0xcb: {  	s5 =	spop (v2sf)  }
0xcc: {  	p2 =	seq.s32 s9, s5  }
0xcd: {  	p4 =	sgt.s32 @!p2 s9, $0x0;
	s3 =	sshll.u32 @!p2 s2, $0xA;
	s2 =	sadd.s32 @!p2 $0x1, s2  }
0xce: {  	p4 =	por !p4, p2;
	s3 =	sshra.s32 @!p2 s3, $0x2;
	s2 =	smov.u32 @p2 s11  }
0xcf: {  	s9 =	simm.s32 @p4 $0x0;
	s10 =	sadd.s32 @!p2 $0x7308, s3;
	s3 =	sadd.s32 @!p2 $0x7388, s3  }
.Ltmp15:
0xd0: {  	s9 =	smin.u32 @!p2 s9, $0x4E170;
	(pc) =	sbr.rel @!p3 .LBB2_16-.Ltmp15, $4  }
0xd1: {  	s11 =	sand.u32 @!p2 $0x7FFF8, s9;
	s14 =	sadd.s32 @!p2 $0x80, s9  }
0xd2: {  	s9 =	sand.u32 @!p2 $0x7, s9;
	s11 =	sadd.s32 @!p2 s1, s11;
	s14 =	sand.u32 @!p2 $0xFFFF8, s14  }
0xd3: {  	[tilespmem:s10], [sflag:$0x2] =	stream.linear.gather @!p2 [hbm4b:s11+s9], $0x80, $0x38;
	[tilespmem:$0x1E678] =	vst v63  }
0xd4: {  	s4 =	sadd.s32 $0x1, s4;
	s10 =	sadd.s32 @!p2 s1, s14  }
.LBB2_17:
0xd5: {  	[tilespmem:s3], [sflag:$0x2] =	stream.linear.gather @!p2 [hbm4b:s10+s9], $0x80, $0x38;
	[tilespmem:$0x1E678] =	vst v63  }
0xd6: {  	s0 =	sshll.u32 s2, $0x8  }
.Ltmp16:
0xd7: {  	s14 =	simm.s32 $0x2;
	s0 =	sand.u32 $0x3FFFFF00, s0;
	(pc) =	sbr.rel .LBB2_18-.Ltmp16, $4  }
0xd8: {  	_ =	swait.ge [sflag:s14], s0  }
0xd9: {  	s0 =	ssub.s32 $0x0, s0;
	[sflag:s14] =	ssyncset.done $0x0  }
0xda: {  	s4 =	simm.s32 $0x0;
	s11 =	smov.u32 s7;
	[sflag:s14] =	ssyncadd.s32 s0  }
0xdb: {  	s14 =	smov.u32 s15;
	s15 =	smov.u32 s17;
	s17 =	simm.s32 $0xC  }
.LBB2_19:
0xdc: {  	v1 =	vld [tilespmem:s28+$0xFFFFFF80];
	_ =	sdelay $0x4  }
0xdd: {  	[tilespmem:s5+$0x208] =	vst.add.f32.msk $0xffff, v1  }
0xde: {  	v1 =	vld [tilespmem:s28+$0xFFFFFF90];
	_ =	sdelay $0x4  }
0xdf: {  	[tilespmem:s5+$0x218] =	vst.add.f32.msk $0xffff, v1  }
0xe0: {  	v1 =	vld [tilespmem:s28+$0xFFFFFFA0];
	_ =	sdelay $0x4  }
0xe1: {  	[tilespmem:s5+$0x228] =	vst.add.f32.msk $0xffff, v1  }
0xe2: {  	v1 =	vld [tilespmem:s28+$0xFFFFFFB0];
	_ =	sdelay $0x4  }
0xe3: {  	[tilespmem:s5+$0x238] =	vst.add.f32.msk $0xffff, v1  }
0xe4: {  	v1 =	vld [tilespmem:s28+$0xFFFFFFC0];
	_ =	sdelay $0x4  }
0xe5: {  	[tilespmem:s5+$0x248] =	vst.add.f32.msk $0xffff, v1  }
0xe6: {  	v1 =	vld [tilespmem:s28+$0xFFFFFFD0];
	_ =	sdelay $0x4  }
0xe7: {  	[tilespmem:s5+$0x258] =	vst.add.f32.msk $0xffff, v1  }
0xe8: {  	v1 =	vld [tilespmem:s28+$0xFFFFFFE0];
	_ =	sdelay $0x4  }
0xe9: {  	[tilespmem:s5+$0x268] =	vst.add.f32.msk $0xffff, v1  }
0xea: {  	v1 =	vld [tilespmem:s28+$0xFFFFFFF0];
	_ =	sdelay $0x4  }
0xeb: {  	[tilespmem:s5+$0x278] =	vst.add.f32.msk $0xffff, v1  }
0xec: {  	v1 =	vld [tilespmem:s28+$0x0];
	_ =	sdelay $0x4  }
0xed: {  	[tilespmem:s5+$0x288] =	vst.add.f32.msk $0xffff, v1  }
0xee: {  	v1 =	vld [tilespmem:s28+$0x10];
	_ =	sdelay $0x4  }
0xef: {  	[tilespmem:s5+$0x298] =	vst.add.f32.msk $0xffff, v1  }
0xf0: {  	v1 =	vld [tilespmem:s28+$0x20];
	_ =	sdelay $0x4  }
0xf1: {  	[tilespmem:s5+$0x2A8] =	vst.add.f32.msk $0xffff, v1  }
0xf2: {  	v1 =	vld [tilespmem:s28+$0x30];
	_ =	sdelay $0x4  }
0xf3: {  	[tilespmem:s5+$0x2B8] =	vst.add.f32.msk $0xffff, v1  }
0xf4: {  	v1 =	vld [tilespmem:s28+$0x40];
	_ =	sdelay $0x4  }
0xf5: {  	[tilespmem:s5+$0x2C8] =	vst.add.f32.msk $0xffff, v1  }
0xf6: {  	v1 =	vld [tilespmem:s28+$0x50];
	_ =	sdelay $0x4  }
0xf7: {  	[tilespmem:s5+$0x2D8] =	vst.add.f32.msk $0xffff, v1  }
0xf8: {  	v1 =	vld [tilespmem:s28+$0x60];
	_ =	sdelay $0x4  }
0xf9: {  	[tilespmem:s5+$0x2E8] =	vst.add.f32.msk $0xffff, v1  }
0xfa: {  	v1 =	vld [tilespmem:s28+$0x70];
	_ =	sdelay $0x4  }
0xfb: {  	[tilespmem:s5+$0x2F8] =	vst.add.f32.msk $0xffff, v1  }
.LBB2_23:
0xfc: {  	s29 =	sadd.s32 $0x1, s29  }
0xfd: {  	p2 =	seq.s32 s29, $0x0  }
.Ltmp17:
0xfe: {  	_ = 	snop;
	(pc) =	sbr.rel @p2 .LBB2_24-.Ltmp17, $2  }
0xff: {  	_ =	sdelay $0x2  }
0x100: {  	s25 =	sadd.s32 $0x1, s25;
	s28 =	sadd.s32 $0x100, s28;
	s31 =	smov.u32 s0  }
.LBB2_18:
0x101: {  	v1 =	vld.msk [tilespmem:s25+$0x0], $0x1;
	_ =	sdelay $0x4  }
0x102: {  	(v2sf) =	vpush v1, $0x0;
	_ =	sdelay $0xe  }
0x103: {  	s0 =	spop (v2sf)  }
0x104: {  	p2 =	sne.s32 s31, s0  }
.Ltmp18:
0x105: {  	_ = 	snop;
	(pc) =	sbr.rel @!p2 .LBB2_19-.Ltmp18, $3  }
0x106: {  	_ =	sdelay $0x1  }
0x107: {  	s2 =	sshll.u32 s24, $0xA  }
0x108: {  	s5 =	sshra.s32 s2, $0x2  }
0x109: {  	p2 =	seq.s32 s31, s26  }
.Ltmp19:
0x10a: {  	_ = 	snop;
	(pc) =	sbr.rel @!p2 .LBB2_21-.Ltmp19, $1  }
0x10b: {  	_ =	sdelay $0x3  }
.Ltmp20:
0x10c: {  	s2 =	sadd.s32 $0x208, s5;
	(pc) =	sbr.rel .LBB2_22-.Ltmp20, $4  }
0x10d: {  	[spmem:s16] =	stream.linear.scatter [tilespmem:s2], [sflag:$0x1], $0x100, $0x38;
	[tilespmem:$0x1E678] =	vst v63  }
0x10e: {  	_ =	swait.ge [sflag:s12], $0x100  }
0x10f: {  	[sflag:s12] =	ssyncset.done $0x0  }
0x110: {  	[sflag:s12] =	ssyncadd.s32 $0xFFFFFF00  }
.LBB2_21:
0x111: {  	s2 =	sshll.u32 s30, $0xA  }
0x112: {  	s2 =	sshra.s32 s2, $0x2  }
0x113: {  	v1 =	vld [tilespmem:s2+$0x7308];
	_ =	sdelay $0x4  }
0x114: {  	[tilespmem:s5+$0x208] =	vst.add.f32.msk $0xffff, v1  }
0x115: {  	v1 =	vld [tilespmem:s2+$0x7318];
	_ =	sdelay $0x4  }
0x116: {  	[tilespmem:s5+$0x218] =	vst.add.f32.msk $0xffff, v1  }
0x117: {  	v1 =	vld [tilespmem:s2+$0x7328];
	_ =	sdelay $0x4  }
0x118: {  	[tilespmem:s5+$0x228] =	vst.add.f32.msk $0xffff, v1  }
0x119: {  	v1 =	vld [tilespmem:s2+$0x7338];
	_ =	sdelay $0x4  }
0x11a: {  	[tilespmem:s5+$0x238] =	vst.add.f32.msk $0xffff, v1  }
0x11b: {  	v1 =	vld [tilespmem:s2+$0x7348];
	_ =	sdelay $0x4  }
0x11c: {  	[tilespmem:s5+$0x248] =	vst.add.f32.msk $0xffff, v1  }
0x11d: {  	v1 =	vld [tilespmem:s2+$0x7358];
	_ =	sdelay $0x4  }
0x11e: {  	[tilespmem:s5+$0x258] =	vst.add.f32.msk $0xffff, v1  }
0x11f: {  	v1 =	vld [tilespmem:s2+$0x7368];
	_ =	sdelay $0x4  }
0x120: {  	[tilespmem:s5+$0x268] =	vst.add.f32.msk $0xffff, v1  }
0x121: {  	v1 =	vld [tilespmem:s2+$0x7378];
	_ =	sdelay $0x4  }
0x122: {  	[tilespmem:s5+$0x278] =	vst.add.f32.msk $0xffff, v1  }
0x123: {  	v1 =	vld [tilespmem:s2+$0x7388];
	_ =	sdelay $0x4  }
0x124: {  	[tilespmem:s5+$0x288] =	vst.add.f32.msk $0xffff, v1  }
0x125: {  	v1 =	vld [tilespmem:s2+$0x7398];
	_ =	sdelay $0x4  }
0x126: {  	[tilespmem:s5+$0x298] =	vst.add.f32.msk $0xffff, v1  }
0x127: {  	v1 =	vld [tilespmem:s2+$0x73A8];
	_ =	sdelay $0x4  }
0x128: {  	[tilespmem:s5+$0x2A8] =	vst.add.f32.msk $0xffff, v1  }
0x129: {  	v1 =	vld [tilespmem:s2+$0x73B8];
	_ =	sdelay $0x4  }
0x12a: {  	[tilespmem:s5+$0x2B8] =	vst.add.f32.msk $0xffff, v1  }
0x12b: {  	v1 =	vld [tilespmem:s2+$0x73C8];
	_ =	sdelay $0x4  }
0x12c: {  	[tilespmem:s5+$0x2C8] =	vst.add.f32.msk $0xffff, v1  }
0x12d: {  	v1 =	vld [tilespmem:s2+$0x73D8];
	_ =	sdelay $0x4  }
0x12e: {  	[tilespmem:s5+$0x2D8] =	vst.add.f32.msk $0xffff, v1  }
0x12f: {  	v1 =	vld [tilespmem:s2+$0x73E8];
	_ =	sdelay $0x4  }
0x130: {  	[tilespmem:s5+$0x2E8] =	vst.add.f32.msk $0xffff, v1  }
0x131: {  	v1 =	vld [tilespmem:s2+$0x73F8];
	_ =	sdelay $0x2  }
0x132: {  	p2 =	sgt.u32 s31, $0x4E170  }
0x133: {  	s2 =	sand.u32 @!p2 $0x7FFF8, s31  }
0x134: {  	s3 =	sadd.s32 $0x208, s5;
	s9 =	sand.u32 @!p2 $0x7, s31;
	s2 =	sadd.s32 @!p2 s1, s2;
	[tilespmem:s5+$0x2F8] =	vst.add.f32.msk $0xffff, v1  }
0x135: {  	[hbm4b:s2+s9] =	stream.linear.scatter @!p2 [tilespmem:s3], [sflag:$0xC], $0x80, $0x38;
	[tilespmem:$0x1E678] =	vst v63  }
0x136: {  	s2 =	sadd.s32 @!p2 $0x80, s31  }
0x137: {  	s2 =	sand.u32 @!p2 $0xFFFF8, s2  }
0x138: {  	s3 =	sadd.s32 $0x288, s5;
	s2 =	sadd.s32 @!p2 s1, s2  }
0x139: {  	[hbm4b:s2+s9] =	stream.linear.scatter @!p2 [tilespmem:s3], [sflag:$0xC], $0x80, $0x38;
	[tilespmem:$0x1E678] =	vst v63  }
0x13a: {  	s2 =	simm.s32 $0x0  }
0x13b: {  	s2 =	simm.s32 @!p2 $0x400  }
0x13c: {  	s4 =	sadd.s32 s2, s4  }
.LBB2_22:
0x13d: {  	s2 =	sadd.s32 $0x1, s24  }
0x13e: {  	s3 =	sshrl.u32 s2, $0x4  }
0x13f: {  	s3 =	smulhi.u32 $0x24924925, s3  }
0x140: {  	v1 =	vld [tilespmem:s28+$0xFFFFFF80]  }
0x141: {  	s3 =	smul.u32 $0x70, s3;
	_ =	sdelay $0x1  }
0x142: {  	s24 =	ssub.s32 s2, s3  }
0x143: {  	s2 =	sshll.u32 s24, $0x8  }
0x144: {  	[tilespmem:s2+$0x208] =	vst v1  }
0x145: {  	v1 =	vld [tilespmem:s28+$0xFFFFFF90];
	_ =	sdelay $0x4  }
0x146: {  	[tilespmem:s2+$0x218] =	vst v1  }
0x147: {  	v1 =	vld [tilespmem:s28+$0xFFFFFFA0];
	_ =	sdelay $0x4  }
0x148: {  	[tilespmem:s2+$0x228] =	vst v1  }
0x149: {  	v1 =	vld [tilespmem:s28+$0xFFFFFFB0];
	_ =	sdelay $0x4  }
0x14a: {  	[tilespmem:s2+$0x238] =	vst v1  }
0x14b: {  	v1 =	vld [tilespmem:s28+$0xFFFFFFC0];
	_ =	sdelay $0x4  }
0x14c: {  	[tilespmem:s2+$0x248] =	vst v1  }
0x14d: {  	v1 =	vld [tilespmem:s28+$0xFFFFFFD0];
	_ =	sdelay $0x4  }
0x14e: {  	[tilespmem:s2+$0x258] =	vst v1  }
0x14f: {  	v1 =	vld [tilespmem:s28+$0xFFFFFFE0];
	_ =	sdelay $0x4  }
0x150: {  	[tilespmem:s2+$0x268] =	vst v1  }
0x151: {  	v1 =	vld [tilespmem:s28+$0xFFFFFFF0];
	_ =	sdelay $0x4  }
0x152: {  	[tilespmem:s2+$0x278] =	vst v1  }
0x153: {  	v1 =	vld [tilespmem:s28+$0x0];
	_ =	sdelay $0x4  }
0x154: {  	[tilespmem:s2+$0x288] =	vst v1  }
0x155: {  	v1 =	vld [tilespmem:s28+$0x10];
	_ =	sdelay $0x4  }
0x156: {  	[tilespmem:s2+$0x298] =	vst v1  }
0x157: {  	v1 =	vld [tilespmem:s28+$0x20];
	_ =	sdelay $0x4  }
0x158: {  	[tilespmem:s2+$0x2A8] =	vst v1  }
0x159: {  	v1 =	vld [tilespmem:s28+$0x30];
	_ =	sdelay $0x4  }
0x15a: {  	[tilespmem:s2+$0x2B8] =	vst v1  }
0x15b: {  	v1 =	vld [tilespmem:s28+$0x40];
	_ =	sdelay $0x4  }
0x15c: {  	[tilespmem:s2+$0x2C8] =	vst v1  }
0x15d: {  	v1 =	vld [tilespmem:s28+$0x50];
	_ =	sdelay $0x4  }
0x15e: {  	[tilespmem:s2+$0x2D8] =	vst v1  }
0x15f: {  	v1 =	vld [tilespmem:s28+$0x60];
	_ =	sdelay $0x4  }
0x160: {  	[tilespmem:s2+$0x2E8] =	vst v1  }
0x161: {  	v1 =	vld [tilespmem:s28+$0x70]  }
.Ltmp21:
0x162: {  	_ = 	snop;
	(pc) =	sbr.rel .LBB2_23-.Ltmp21, $2  }
0x163: {  	_ =	sdelay $0x2  }
0x164: {  	s30 =	sadd.s32 $0x1, s30;
	[tilespmem:s2+$0x2F8] =	vst v1  }
.LBB2_25:
.Ltmp22:
0x165: {  	(pc) =	sbr.rel .LBB2_26-.Ltmp22, $4  }
0x166: {  	_ = 	snop  }
0x167: {  	s0 =	simm.s32 $0x2  }
0x168: {  	_ =	swait.ge [sflag:s0], $0x0  }
0x169: {  	s2 =	simm.s32 $0x0;
	[sflag:s0] =	ssyncset.done $0x0;
	s0 =	smov.u32 s31  }
.LBB2_28:
0x16a: {  	_ =	sfence.sel $0x180000  }
0x16b: {  	s0 =	simm.s32 $0x9;
	[bflag:$0x0] =	sbarrier.arrive $0xFFFF  }
0x16c: {  	s24 =	simm.s32 $0xA;
	[sflag:s0] =	ssyncpa.u1 $0x1  }
0x16d: {  	s25 =	simm.s32 $0xB;
	[sflag:s24] =	ssyncpa.u1 $0x1  }
0x16e: {  	s26 =	simm.s32 $0x2;
	[sflag:s25] =	ssyncpa.u1 $0x1  }
0x16f: {  	[sflag:s26] =	ssyncpa.u1 $0x1  }
0x170: {  	v0 =	vld [tilespmem:$0xE408];
	_ =	sdelay $0x4  }
0x171: {  	(v2sf) =	vpush v0, $0x0  }
0x172: {  	(v2sf) =	vpush v0, $0x1;
	_ =	sdelay $0x1  }
0x173: {  	(v2sf) =	vpush v0, $0x2;
	_ =	sdelay $0xb  }
0x174: {  	s0 =	spop (v2sf)  }
0x175: {  	s2 =	spop (v2sf)  }
0x176: {  	s3 =	smov.u32 s0;
	p0 =	sne.s32 s0, s2  }
0x177: {  	s4 =	spop (v2sf);
	s3 =	simm.s32 @!p0 $0xFFFFFFFF  }
0x178: {  	v2 =	vimm.s32 $0x1;
	v3 =	vlaneseq.u32;
	p0 =	seq.s32 s4, $0xFFFFFFFF;
	v1 =	vmov s3  }
0x179: {  	s15 =	stileid.u32;
	v0 =	vperm.xlane v0, v2;
	p1 =	sne.s32 @!p0 s0, s2;
	v1 =	vperm.xlane v1, v3  }
0x17a: {  	vm0 =	vcmask $0x3F04;
	s6 =	simm.s32 $0xE408;
	s0 =	simm.s32 @!p0 $0x1;
	p1 =	por !p1, p0  }
0x17b: {  	s3 =	sshll.u32 s15, $0x1;
	s2 =	sshll.u32 @!p0 s4, $0xA;
	s0 =	simm.s32 @p1 $0x0;
	v0 =	vsel vm0, v1, v0  }
0x17c: {  	s5 =	sor.u32 $0x2000, s3;
	s2 =	sshra.s32 @!p0 s2, $0x2;
	s0 =	sor.u32 @!p0 s0, s3;
	[tilespmem:$0xE408] =	vst v0  }
0x17d: {  	[spmem:s5] =	stream.linear.scatter [tilespmem:s6], [sflag:$0x1], $0x2, $0x38;
	[tilespmem:$0x1E678] =	vst v63  }
0x17e: {  	s2 =	sadd.s32 @!p0 $0x208, s2;
	s0 =	sshll.u32 @!p0 s0, $0x8  }
0x17f: {  	[spmem:s0] =	stream.linear.scatter @!p0 [tilespmem:s2], [sflag:$0x1], $0x100, $0x38;
	[tilespmem:$0x1E678] =	vst v63  }
0x180: {  	s0 =	simm.s32 @!p0 $0x102  }
0x181: {  	s28 =	simm.s32 $0x1;
	s0 =	simm.s32 @p0 $0x2  }
0x182: {  	_ =	swait.ge [sflag:s28], s0  }
0x183: {  	s0 =	ssub.s32 $0x0, s0;
	[sflag:s28] =	ssyncset.done $0x0  }
0x184: {  	p0 =	sne.s32 s15, $0x0;
	[sflag:s28] =	ssyncadd.s32 s0  }
.Ltmp23:
0x185: {  	_ =	sfence.stream.spmem;
	(pc) =	sbr.rel @p0 .LBB2_45-.Ltmp23, $4  }
0x186: {  	s29 =	simm.s32 $0x3;
	[bflag:$0x0] =	sbarrier.arrive $0xFFFF  }
0x187: {  	s30 =	simm.s32 $0x4;
	[sflag:s29] =	ssyncpa.u1 $0x1  }
0x188: {  	s31 =	simm.s32 $0x3C;
	[sflag:s30] =	ssyncpa.u1 $0x1  }
0x189: {  	s14 =	rddreg [dreg:$0x4];
	[sflag:s31] =	ssyncpa.u1 $0x1  }
0x18a: {  	_ =	sfence.stream.spmem;
	s0 =	simm.s32 $0x5  }
0x18b: {  	s2 =	simm.s32 $0x2000;
	s3 =	simm.s32 $0xE418;
	[sflag:s0] =	ssyncpa.u1 $0x0  }
0x18c: {  	[tilespmem:s3], [sflag:$0x5] =	stream.linear.gather [spmem:s2], $0x20, $0x38;
	[tilespmem:$0x1E678] =	vst v63  }
0x18d: {  	s26 =	simm.s32 $0x0;
	s28 =	simm.s32 $0xE438  }
0x18e: {  	[tilespmem:s28], [sflag:$0x5] =	stream.linear.gather [spmem:s26], $0x2000, $0x38;
	[tilespmem:$0x1E678] =	vst v63  }
0x18f: {  	_ =	swait.ge [sflag:s0], $0x2020  }
0x190: {  	[sflag:s0] =	ssyncset.done $0x0  }
0x191: {  	s29 =	simm.s32 $0x0;
	[sflag:s0] =	ssyncadd.s32 $0xFFFFDFE0  }
0x192: {  	v0 =	vld.msk [tilespmem:s29+$0xE418], $0x1;
	_ =	sdelay $0x1  }
0x193: {  	s30 =	simm.s32 $0x1  }
0x194: {  	v1 =	vld.msk [tilespmem:s30+$0xE418], $0x1;
	_ =	sdelay $0x1  }
0x195: {  	(v2sf) =	vpush v0, $0x0;
	_ =	sdelay $0x2  }
0x196: {  	(v2sf) =	vpush v1, $0x0;
	_ =	sdelay $0x2  }
0x197: {  	s31 =	simm.s32 $0x2  }
0x198: {  	v0 =	vld.msk [tilespmem:s31+$0xE418], $0x1;
	_ =	sdelay $0x2  }
0x199: {  	s2 =	simm.s32 $0xFFFFFFFF;
	s3 =	simm.s32 $0xFFFFFFFF;
	s0 =	simm.s32 $0xC  }
.LBB2_30:
0x19a: {  	s4 =	smov.u32 s3;
	s5 =	smov.u32 s2  }
0x19b: {  	s2 =	sshra.s32 s0, $0x2;
	p1 =	sne.s32 s0, $0x7C;
	s0 =	sadd.s32 $0x4, s0;
	(v2sf) =	vpush v0, $0x0  }
0x19c: {  	v0 =	vld.msk [tilespmem:s2+$0xE418], $0x1  }
.Ltmp24:
0x19d: {  	(pc) =	sbr.rel @p1 .LBB2_30-.Ltmp24, $4  }
0x19e: {  	s3 =	spop (v2sf)  }
0x19f: {  	p2 =	sne.s32 s5, $0xFFFFFFFF;
	s2 =	smov.u32 s3  }
0x1a0: {  	p3 =	seq.s32 s3, $0xFFFFFFFF;
	s2 =	smov.u32 @p2 s5  }
0x1a1: {  	s3 =	smov.u32 @p3 s4;
	s2 =	smov.u32 @p3 s5  }
0x1a2: {  	(v2sf) =	vpush v0, $0x0;
	_ =	sdelay $0x8  }
0x1a3: {  	s0 =	spop (v2sf)  }
0x1a4: {  	p1 =	sne.s32 s2, $0xFFFFFFFF;
	s9 =	simm.s32 $0x6;
	s4 =	smov.u32 s0  }
0x1a5: {  	s6 =	simm.s32 $0x0;
	p2 =	seq.s32 s0, $0xFFFFFFFF;
	s4 =	smov.u32 @p1 s2  }
0x1a6: {  	s10 =	simm.s32 $0xE308;
	s4 =	smov.u32 @p2 s2;
	s2 =	spop (v2sf)  }
0x1a7: {  	s0 =	smov.u32 @p2 s3;
	p1 =	sne.s32 s4, $0xFFFFFFFF;
	s5 =	smov.u32 s2  }
.Ltmp25:
0x1a8: {  	p2 =	seq.s32 s2, $0xFFFFFFFF;
	s5 =	smov.u32 @p1 s4;
	(pc) =	sbr.rel .LBB2_32-.Ltmp25, $4  }
0x1a9: {  	s11 =	simm.s32 $0xE388;
	s5 =	smov.u32 @p2 s4;
	s7 =	spop (v2sf)  }
0x1aa: {  	s12 =	simm.s32 $0x0;
	p1 =	sne.s32 s5, $0xFFFFFFFF;
	s8 =	smov.u32 s7  }
0x1ab: {  	s2 =	smov.u32 @p2 s0;
	p2 =	seq.s32 s7, $0xFFFFFFFF;
	s8 =	smov.u32 @p1 s5  }
0x1ac: {  	[sflag:s9] =	ssyncpa.u1 $0x0;
	s7 =	smov.u32 @p2 s2;
	s8 =	smov.u32 @p2 s5  }
.LBB2_38:
0x1ad: {  	p1 =	sgt.u32 s0, $0x4E170  }
0x1ae: {  	p2 =	seq.s32 @!p1 s0, s8  }
0x1af: {  	p1 =	por p1, p2  }
0x1b0: {  	p2 =	sne.s32 @!p1 s0, s7  }
0x1b1: {  	p1 =	por p1, !p2  }
0x1b2: {  	s0 =	sshll.u32 @p1 s12, $0xA  }
0x1b3: {  	s2 =	sand.u32 @!p1 $0x7FFF8, s0;
	s3 =	sand.u32 @!p1 $0x7, s0;
	s0 =	sadd.s32 @!p1 $0x80, s0  }
0x1b4: {  	s2 =	sadd.s32 @!p1 s1, s2;
	s0 =	sand.u32 @!p1 $0xFFFF8, s0  }
0x1b5: {  	[tilespmem:s10], [sflag:$0x6] =	stream.linear.gather @!p1 [hbm4b:s2+s3], $0x80, $0x38;
	[tilespmem:$0x1E678] =	vst v63  }
0x1b6: {  	s0 =	sadd.s32 @!p1 s1, s0  }
0x1b7: {  	[tilespmem:s11], [sflag:$0x6] =	stream.linear.gather @!p1 [hbm4b:s0+s3], $0x80, $0x38;
	[tilespmem:$0x1E678] =	vst v63  }
0x1b8: {  	_ =	swait.ge @!p1 [sflag:s9], $0x100  }
0x1b9: {  	[sflag:s9] =	ssyncset.done @!p1 $0x0  }
0x1ba: {  	[sflag:s9] =	ssyncadd.s32 @!p1 $0xFFFFFF00  }
0x1bb: {  	v1 =	vld @!p1 [tilespmem:$0xE308];
	_ =	sdelay $0x2  }
0x1bc: {  	s0 =	sshll.u32 @!p1 s12, $0xA  }
0x1bd: {  	s2 =	sshrl.u32 @!p1 s0, $0x2  }
0x1be: {  	[tilespmem:s2+$0xE438] =	vst.add.f32.msk @!p1 $0xffff, v1  }
0x1bf: {  	v1 =	vld @!p1 [tilespmem:$0xE318];
	_ =	sdelay $0x4  }
0x1c0: {  	[tilespmem:s2+$0xE448] =	vst.add.f32.msk @!p1 $0xffff, v1  }
0x1c1: {  	v1 =	vld @!p1 [tilespmem:$0xE328];
	_ =	sdelay $0x4  }
0x1c2: {  	[tilespmem:s2+$0xE458] =	vst.add.f32.msk @!p1 $0xffff, v1  }
0x1c3: {  	v1 =	vld @!p1 [tilespmem:$0xE338];
	_ =	sdelay $0x4  }
0x1c4: {  	[tilespmem:s2+$0xE468] =	vst.add.f32.msk @!p1 $0xffff, v1  }
0x1c5: {  	v1 =	vld @!p1 [tilespmem:$0xE348];
	_ =	sdelay $0x4  }
0x1c6: {  	[tilespmem:s2+$0xE478] =	vst.add.f32.msk @!p1 $0xffff, v1  }
0x1c7: {  	v1 =	vld @!p1 [tilespmem:$0xE358];
	_ =	sdelay $0x4  }
0x1c8: {  	[tilespmem:s2+$0xE488] =	vst.add.f32.msk @!p1 $0xffff, v1  }
0x1c9: {  	v1 =	vld @!p1 [tilespmem:$0xE368];
	_ =	sdelay $0x4  }
0x1ca: {  	[tilespmem:s2+$0xE498] =	vst.add.f32.msk @!p1 $0xffff, v1  }
0x1cb: {  	v1 =	vld @!p1 [tilespmem:$0xE378];
	_ =	sdelay $0x4  }
0x1cc: {  	[tilespmem:s2+$0xE4A8] =	vst.add.f32.msk @!p1 $0xffff, v1  }
0x1cd: {  	v1 =	vld @!p1 [tilespmem:$0xE388];
	_ =	sdelay $0x4  }
0x1ce: {  	[tilespmem:s2+$0xE4B8] =	vst.add.f32.msk @!p1 $0xffff, v1  }
0x1cf: {  	v1 =	vld @!p1 [tilespmem:$0xE398];
	_ =	sdelay $0x4  }
0x1d0: {  	[tilespmem:s2+$0xE4C8] =	vst.add.f32.msk @!p1 $0xffff, v1  }
0x1d1: {  	v1 =	vld @!p1 [tilespmem:$0xE3A8];
	_ =	sdelay $0x4  }
0x1d2: {  	[tilespmem:s2+$0xE4D8] =	vst.add.f32.msk @!p1 $0xffff, v1  }
0x1d3: {  	v1 =	vld @!p1 [tilespmem:$0xE3B8];
	_ =	sdelay $0x4  }
0x1d4: {  	[tilespmem:s2+$0xE4E8] =	vst.add.f32.msk @!p1 $0xffff, v1  }
0x1d5: {  	v1 =	vld @!p1 [tilespmem:$0xE3C8];
	_ =	sdelay $0x4  }
0x1d6: {  	[tilespmem:s2+$0xE4F8] =	vst.add.f32.msk @!p1 $0xffff, v1  }
0x1d7: {  	v1 =	vld @!p1 [tilespmem:$0xE3D8];
	_ =	sdelay $0x4  }
0x1d8: {  	[tilespmem:s2+$0xE508] =	vst.add.f32.msk @!p1 $0xffff, v1  }
0x1d9: {  	v1 =	vld @!p1 [tilespmem:$0xE3E8];
	_ =	sdelay $0x4  }
0x1da: {  	[tilespmem:s2+$0xE518] =	vst.add.f32.msk @!p1 $0xffff, v1  }
0x1db: {  	v1 =	vld @!p1 [tilespmem:$0xE3F8];
	_ =	sdelay $0x4  }
0x1dc: {  	[tilespmem:s2+$0xE528] =	vst.add.f32.msk @!p1 $0xffff, v1  }
0x1dd: {  	s0 =	sshrl.u32 s0, $0x2;
	[tilespmem:s6+$0xE418] =	vst.msk $0x1, v0  }
0x1de: {  	v0 =	vld [tilespmem:s0+$0xE438];
	_ =	sdelay $0x2  }
0x1df: {  	s31 =	sshll.u32 s6, $0xA  }
0x1e0: {  	s2 =	sshra.s32 s31, $0x2  }
0x1e1: {  	[tilespmem:s2+$0xE438] =	vst v0  }
0x1e2: {  	v0 =	vld [tilespmem:s0+$0xE448];
	_ =	sdelay $0x4  }
0x1e3: {  	[tilespmem:s2+$0xE448] =	vst v0  }
0x1e4: {  	v0 =	vld [tilespmem:s0+$0xE458];
	_ =	sdelay $0x4  }
0x1e5: {  	[tilespmem:s2+$0xE458] =	vst v0  }
0x1e6: {  	v0 =	vld [tilespmem:s0+$0xE468];
	_ =	sdelay $0x4  }
0x1e7: {  	[tilespmem:s2+$0xE468] =	vst v0  }
0x1e8: {  	v0 =	vld [tilespmem:s0+$0xE478];
	_ =	sdelay $0x4  }
0x1e9: {  	[tilespmem:s2+$0xE478] =	vst v0  }
0x1ea: {  	v0 =	vld [tilespmem:s0+$0xE488];
	_ =	sdelay $0x4  }
0x1eb: {  	[tilespmem:s2+$0xE488] =	vst v0  }
0x1ec: {  	v0 =	vld [tilespmem:s0+$0xE498];
	_ =	sdelay $0x4  }
0x1ed: {  	[tilespmem:s2+$0xE498] =	vst v0  }
0x1ee: {  	v0 =	vld [tilespmem:s0+$0xE4A8];
	_ =	sdelay $0x4  }
0x1ef: {  	[tilespmem:s2+$0xE4A8] =	vst v0  }
0x1f0: {  	v0 =	vld [tilespmem:s0+$0xE4B8];
	_ =	sdelay $0x4  }
0x1f1: {  	[tilespmem:s2+$0xE4B8] =	vst v0  }
0x1f2: {  	v0 =	vld [tilespmem:s0+$0xE4C8];
	_ =	sdelay $0x4  }
0x1f3: {  	[tilespmem:s2+$0xE4C8] =	vst v0  }
0x1f4: {  	v0 =	vld [tilespmem:s0+$0xE4D8];
	_ =	sdelay $0x4  }
0x1f5: {  	[tilespmem:s2+$0xE4D8] =	vst v0  }
0x1f6: {  	v0 =	vld [tilespmem:s0+$0xE4E8];
	_ =	sdelay $0x4  }
0x1f7: {  	[tilespmem:s2+$0xE4E8] =	vst v0  }
0x1f8: {  	v0 =	vld [tilespmem:s0+$0xE4F8];
	_ =	sdelay $0x4  }
0x1f9: {  	[tilespmem:s2+$0xE4F8] =	vst v0  }
0x1fa: {  	v0 =	vld [tilespmem:s0+$0xE508];
	_ =	sdelay $0x4  }
0x1fb: {  	[tilespmem:s2+$0xE508] =	vst v0  }
0x1fc: {  	v0 =	vld [tilespmem:s0+$0xE518];
	_ =	sdelay $0x4  }
0x1fd: {  	[tilespmem:s2+$0xE518] =	vst v0  }
0x1fe: {  	v0 =	vld [tilespmem:s0+$0xE528];
	_ =	sdelay $0x4  }
0x1ff: {  	s6 =	sadd.s32 $0x1, s6;
	[tilespmem:s2+$0xE528] =	vst v0  }
.LBB2_39:
0x200: {  	s12 =	sadd.s32 $0x1, s12  }
0x201: {  	p1 =	sne.s32 s12, $0x20  }
.Ltmp26:
0x202: {  	_ = 	snop;
	(pc) =	sbr.rel @!p1 .LBB2_40-.Ltmp26, $1  }
0x203: {  	_ =	sdelay $0x3  }
.LBB2_32:
0x204: {  	v0 =	vld.msk [tilespmem:s12+$0xE418], $0x1;
	_ =	sdelay $0x4  }
0x205: {  	(v2sf) =	vpush v0, $0x0;
	_ =	sdelay $0xe  }
0x206: {  	s0 =	spop (v2sf)  }
0x207: {  	p1 =	seq.s32 s0, $0xFFFFFFFF  }
.Ltmp27:
0x208: {  	_ = 	snop;
	(pc) =	sbr.rel @p1 .LBB2_39-.Ltmp27, $1  }
0x209: {  	_ =	sdelay $0x3  }
0x20a: {  	p1 =	slt.s32 s6, $0x1  }
.Ltmp28:
0x20b: {  	_ = 	snop;
	(pc) =	sbr.rel @p1 .LBB2_38-.Ltmp28, $1  }
0x20c: {  	_ =	sdelay $0x3  }
0x20d: {  	s4 =	simm.s32 $0xE418;
	p1 =	por $0x0, $0x0  }
0x20e: {  	v1 =	vld.msk @!p1 [tilespmem:s4+$0x0], $0x1;
	_ =	sdelay $0x4  }
0x20f: {  	(v2sf) =	vpush @!p1 v1, $0x0;
	_ =	sdelay $0xd  }
0x210: {  	p3 =	sne.s32 s6, $0x1  }
.Ltmp29:
0x211: {  	s2 =	spop @!p1 (v2sf);
	(pc) =	sbr.rel @!p3 .LBB2_36-.Ltmp29, $4  }
0x212: {  	p2 =	seq.s32 @!p1 s0, s2  }
0x213: {  	s5 =	simm.s32 $0x0;
	p2 =	por !p2, p1  }
0x214: {  	s2 =	simm.s32 $0xFFFFFFFF;
	s5 =	simm.s32 @p2 $0xFFFFFFFF  }
0x215: {  	s13 =	simm.s32 $0x1;
	s5 =	smov.u32 @p1 s2  }
.LBB2_35:
0x216: {  	s2 =	smov.u32 s5;
	p1 =	sne.s32 s5, $0xFFFFFFFF  }
0x217: {  	s4 =	sadd.s32 $0x1, s4;
	s5 =	smov.u32 s13;
	s13 =	sadd.s32 $0x1, s13  }
0x218: {  	p2 =	sne.s32 s6, s13;
	v1 =	vld.msk @!p1 [tilespmem:s4+$0x0], $0x1;
	_ =	sdelay $0x4  }
0x219: {  	(v2sf) =	vpush @!p1 v1, $0x0;
	_ =	sdelay $0xe  }
.Ltmp30:
0x21a: {  	s3 =	spop @!p1 (v2sf);
	(pc) =	sbr.rel @p2 .LBB2_35-.Ltmp30, $4  }
0x21b: {  	p3 =	seq.s32 @!p1 s0, s3  }
0x21c: {  	p3 =	por !p3, p1  }
0x21d: {  	s5 =	simm.s32 @p3 $0xFFFFFFFF  }
0x21e: {  	s5 =	smov.u32 @p1 s2  }
.LBB2_36:
0x21f: {  	p1 =	seq.s32 s5, $0xFFFFFFFF  }
.Ltmp31:
0x220: {  	_ = 	snop;
	(pc) =	sbr.rel @p1 .LBB2_38-.Ltmp31, $1  }
0x221: {  	_ =	sdelay $0x3  }
0x222: {  	s0 =	sshll.u32 s12, $0x8  }
0x223: {  	s0 =	sand.u32 $0x3FFFFF00, s0  }
0x224: {  	v0 =	vld [tilespmem:s0+$0xE438];
	_ =	sdelay $0x2  }
0x225: {  	s2 =	sshll.u32 s5, $0xA  }
0x226: {  	s2 =	sshra.s32 s2, $0x2  }
0x227: {  	[tilespmem:s2+$0xE438] =	vst.add.f32.msk $0xffff, v0  }
0x228: {  	v0 =	vld [tilespmem:s0+$0xE448];
	_ =	sdelay $0x4  }
0x229: {  	[tilespmem:s2+$0xE448] =	vst.add.f32.msk $0xffff, v0  }
0x22a: {  	v0 =	vld [tilespmem:s0+$0xE458];
	_ =	sdelay $0x4  }
0x22b: {  	[tilespmem:s2+$0xE458] =	vst.add.f32.msk $0xffff, v0  }
0x22c: {  	v0 =	vld [tilespmem:s0+$0xE468];
	_ =	sdelay $0x4  }
0x22d: {  	[tilespmem:s2+$0xE468] =	vst.add.f32.msk $0xffff, v0  }
0x22e: {  	v0 =	vld [tilespmem:s0+$0xE478];
	_ =	sdelay $0x4  }
0x22f: {  	[tilespmem:s2+$0xE478] =	vst.add.f32.msk $0xffff, v0  }
0x230: {  	v0 =	vld [tilespmem:s0+$0xE488];
	_ =	sdelay $0x4  }
0x231: {  	[tilespmem:s2+$0xE488] =	vst.add.f32.msk $0xffff, v0  }
0x232: {  	v0 =	vld [tilespmem:s0+$0xE498];
	_ =	sdelay $0x4  }
0x233: {  	[tilespmem:s2+$0xE498] =	vst.add.f32.msk $0xffff, v0  }
0x234: {  	v0 =	vld [tilespmem:s0+$0xE4A8];
	_ =	sdelay $0x4  }
0x235: {  	[tilespmem:s2+$0xE4A8] =	vst.add.f32.msk $0xffff, v0  }
0x236: {  	v0 =	vld [tilespmem:s0+$0xE4B8];
	_ =	sdelay $0x4  }
0x237: {  	[tilespmem:s2+$0xE4B8] =	vst.add.f32.msk $0xffff, v0  }
0x238: {  	v0 =	vld [tilespmem:s0+$0xE4C8];
	_ =	sdelay $0x4  }
0x239: {  	[tilespmem:s2+$0xE4C8] =	vst.add.f32.msk $0xffff, v0  }
0x23a: {  	v0 =	vld [tilespmem:s0+$0xE4D8];
	_ =	sdelay $0x4  }
0x23b: {  	[tilespmem:s2+$0xE4D8] =	vst.add.f32.msk $0xffff, v0  }
0x23c: {  	v0 =	vld [tilespmem:s0+$0xE4E8];
	_ =	sdelay $0x4  }
0x23d: {  	[tilespmem:s2+$0xE4E8] =	vst.add.f32.msk $0xffff, v0  }
0x23e: {  	v0 =	vld [tilespmem:s0+$0xE4F8];
	_ =	sdelay $0x4  }
0x23f: {  	[tilespmem:s2+$0xE4F8] =	vst.add.f32.msk $0xffff, v0  }
0x240: {  	v0 =	vld [tilespmem:s0+$0xE508];
	_ =	sdelay $0x4  }
0x241: {  	[tilespmem:s2+$0xE508] =	vst.add.f32.msk $0xffff, v0  }
0x242: {  	v0 =	vld [tilespmem:s0+$0xE518];
	_ =	sdelay $0x4  }
0x243: {  	[tilespmem:s2+$0xE518] =	vst.add.f32.msk $0xffff, v0  }
0x244: {  	v0 =	vld [tilespmem:s0+$0xE528]  }
.Ltmp32:
0x245: {  	_ = 	snop;
	(pc) =	sbr.rel .LBB2_39-.Ltmp32, $2  }
0x246: {  	_ =	sdelay $0x2  }
0x247: {  	[tilespmem:s2+$0xE528] =	vst.add.f32.msk $0xffff, v0  }
.LBB2_40:
0x248: {  	s0 =	simm.s32 $0x6;
	p1 =	seq.s32 s6, $0x0  }
0x249: {  	[sflag:s0] =	ssyncpa.u1 $0x1;
	v0 =	vimm.s32 @p1 $0xFFFFFFFF  }
0x24a: {  	s0 =	sadd.s32 $0xFFFFFFFF, s6;
	[tilespmem:$0x10438] =	vst @p1 v0  }
0x24b: {  	v0 =	vld.msk @!p1 [tilespmem:s0+$0xE418], $0x1;
	_ =	sdelay $0x1  }
0x24c: {  	v1 =	vld.msk @!p1 [tilespmem:$0xE418], $0x1;
	_ =	sdelay $0x2  }
0x24d: {  	p2 =	seq.s32 @!p1 s0, $0x0;
	v0 =	vbroadcast @!p1 v0, $0x0  }
0x24e: {  	vm0 =	vmmov @!p1 $0x1;
	p2 =	por !p2, p1  }
0x24f: {  	v1 =	vnsel @!p1 vm0, $0xFFFFFFFF, v1;
	vm0 =	vcmask @!p1 $0x308;
	v0 =	vpsel !p2, $0xFFFFFFFF, v0  }
0x250: {  	p2 =	sne.s32 @!p1 s8, s7;
	v0 =	vsel @!p1 vm0, v1, v0  }
0x251: {  	s2 =	simm.s32 @!p1 $0xE438;
	s3 =	simm.s32 @!p1 $0x0;
	p3 =	por !p2, p1;
	[tilespmem:$0x10438] =	vst @!p1 v0  }
0x252: {  	[spmem:s3] =	stream.linear.scatter @!p1 [tilespmem:s2], [sflag:$0x1], $0x100, $0x38;
	[tilespmem:$0x1E678] =	vst v63  }
0x253: {  	s2 =	sshll.u32 @!p3 s0, $0xA  }
0x254: {  	s2 =	sshra.s32 @!p3 s2, $0x2  }
0x255: {  	s3 =	simm.s32 @!p3 $0x100;
	s2 =	sadd.s32 @!p3 $0xE438, s2  }
0x256: {  	[spmem:s3] =	stream.linear.scatter @!p3 [tilespmem:s2], [sflag:$0x1], $0x100, $0x38;
	[tilespmem:$0x1E678] =	vst v63  }
0x257: {  	s2 =	simm.s32 @!p3 $0x1  }
0x258: {  	_ =	swait.ge @!p3 [sflag:s2], $0x200  }
0x259: {  	p1 =	por p2, p1;
	[sflag:s2] =	ssyncset.done @!p3 $0x0  }
0x25a: {  	[sflag:s2] =	ssyncadd.s32 @!p3 $0xFFFFFE00;
	s2 =	simm.s32 @!p1 $0x1  }
0x25b: {  	_ =	swait.ge @!p1 [sflag:s2], $0x100  }
0x25c: {  	s29 =	simm.s32 $0x10438;
	[sflag:s2] =	ssyncset.done @!p1 $0x0  }
0x25d: {  	s30 =	simm.s32 $0x2000;
	s31 =	simm.s32 $0x1;
	[sflag:s2] =	ssyncadd.s32 @!p1 $0xFFFFFF00  }
0x25e: {  	[spmem:s30] =	stream.linear.scatter [tilespmem:s29], [sflag:$0x1], $0x10, $0x38;
	[tilespmem:$0x1E678] =	vst v63  }
0x25f: {  	_ =	swait.ge [sflag:s31], $0x10  }
0x260: {  	[sflag:s31] =	ssyncset.done $0x0  }
0x261: {  	p1 =	seq.s32 s14, $0x0;
	s9 =	rddreg [dreg:$0x1];
	[sflag:s31] =	ssyncadd.s32 $0xFFFFFFF0  }
0x262: {  	s3 =	sshll.u32 @p1 s9, $0xE;
	s8 =	rddreg [dreg:$0x2]  }
0x263: {  	s2 =	sadd.s32 @p1 $0x15C3C, s3;
	s3 =	sshll.u32 @p1 s8, $0x11  }
0x264: {  	_ =	sfence.stream.spmem;
	s2 =	sor.u32 @p1 s3, s2  }
0x265: {  	[sflag:s2] =	ssyncadd.remote.s32 @p1 $0x1;
	s2 =	simm.s32 @p1 $0x4  }
0x266: {  	s4 =	simm.s32 @!p1 $0x3C;
	s3 =	sand.u32 $0xFFFFFFFE, s9;
	_ =	swait.ge @p1 [sflag:s2], $0x42  }
0x267: {  	s5 =	simm.s32 @!p1 $0x0;
	s3 =	sadd.s32 @!p1 $0x4, s3;
	[sflag:s2] =	ssyncset.done @p1 $0x0  }
0x268: {  	s7 =	simm.s32 @!p1 $0x200;
	[sflag:s2] =	ssyncadd.s32 @p1 $0xFFFFFFBE;
	s2 =	sshll.u32 @!p1 s3, $0x1A  }
0x269: {  	s3 =	sshll.u32 @!p1 s3, $0xD;
	s2 =	sor.u32 @!p1 s2, s8;
	_ =	swait.eq @!p1 [sflag:s4], $0x1  }
0x26a: {  	s3 =	sor.u32 @!p1 $0x1C04, s3;
	s4 =	simm.s32 @!p1 $0x1C03;
	s2 =	sor.u32 @!p1 $0x80004000, s2  }
0x26b: {  	[spmem:s7], [sflag:s3] =	dma.general @!p1 [spmem:s5], [sflag:s4], length:$0x40, [dreg:$0x0], stride_count:$0x0, ici_dest:s2, dma_misc:DstOpCode:WRITE  }
0x26c: {  	p2 =	slt.s32 s0, $0x2;
	s5 =	simm.s32 @!p1 $0x400;
	s7 =	simm.s32 @!p1 $0x402  }
0x26d: {  	[spmem:s7], [sflag:s3] =	dma.general @!p1 [spmem:s5], [sflag:s4], length:$0x2, [dreg:$0x0], stride_count:$0x0, ici_dest:s2, dma_misc:DstOpCode:WRITE  }
.Ltmp33:
0x26e: {  	s2 =	simm.s32 @!p1 $0x3;
	(pc) =	sbr.rel @p2 .LBB2_44-.Ltmp33, $4  }
0x26f: {  	s3 =	sshll.u32 @!p1 s9, $0xE;
	_ =	swait.ge @!p1 [sflag:s2], $0x42  }
0x270: {  	s4 =	sshll.u32 @!p1 s8, $0x11;
	s3 =	sadd.s32 @!p1 $0x11C3C, s3;
	[sflag:s2] =	ssyncset.done @!p1 $0x0  }
0x271: {  	[sflag:s2] =	ssyncadd.s32 @!p1 $0xFFFFFFBE;
	s2 =	sor.u32 @!p1 s4, s3  }
0x272: {  	s0 =	simm.s32 $0x0;
	[sflag:s2] =	ssyncadd.remote.s32 @!p1 $0xFFFFFFFF  }
0x273: {  	s0 =	simm.s32 $0xE419  }
0x274: {  	v0 =	vld.msk [tilespmem:s0+$0x0], $0x1;
	_ =	sdelay $0x4  }
0x275: {  	(v2sf) =	vpush v0, $0x0;
	_ =	sdelay $0xd  }
0x276: {  	s31 =	sadd.s32 $0xFFFFFFFE, s6  }
0x277: {  	s6 =	simm.s32 $0x0;
	s0 =	sadd.s32 $0xFFFFFFFF, s31;
	s2 =	spop (v2sf)  }
0x278: {  	s3 =	simm.s32 $0xE538;
	p1 =	sne.s32 s0, $0x0;
	p2 =	sgt.u32 s2, $0x4E170  }
.Ltmp34:
0x279: {  	s4 =	simm.s32 $0xE638;
	s5 =	sand.u32 @!p2 $0x7FFF8, s2;
	(pc) =	sbr.rel @!p1 .LBB2_43-.Ltmp34, $4  }
0x27a: {  	s7 =	sadd.s32 @!p2 $0x80, s2;
	s2 =	sand.u32 @!p2 $0x7, s2;
	s6 =	simm.s32 @!p2 $0x400  }
0x27b: {  	s5 =	sadd.s32 @!p2 s1, s5;
	s7 =	sand.u32 @!p2 $0xFFFF8, s7;
	s6 =	sadd.s32 $0x0, s6  }
0x27c: {  	[hbm4b:s5+s2] =	stream.linear.scatter @!p2 [tilespmem:s3], [sflag:$0x5], $0x80, $0x38;
	[tilespmem:$0x1E678] =	vst v63  }
0x27d: {  	s5 =	simm.s32 $0xE41A;
	s3 =	simm.s32 @!p2 $0xE5B8;
	s7 =	sadd.s32 @!p2 s1, s7  }
.LBB2_42:
0x27e: {  	[hbm4b:s7+s2] =	stream.linear.scatter @!p2 [tilespmem:s3], [sflag:$0x5], $0x80, $0x38;
	[tilespmem:$0x1E678] =	vst v63  }
0x27f: {  	s0 =	sadd.s32 $0xFFFFFFFF, s0;
	s3 =	smov.u32 s4;
	v0 =	vld.msk [tilespmem:s5+$0x0], $0x1  }
0x280: {  	p1 =	sne.s32 s0, $0x0;
	_ =	sdelay $0x3  }
0x281: {  	(v2sf) =	vpush v0, $0x0;
	_ =	sdelay $0xe  }
0x282: {  	s4 =	sadd.s32 $0x100, s4;
	s8 =	simm.s32 $0x0;
	s2 =	spop (v2sf)  }
.Ltmp35:
0x283: {  	s5 =	sadd.s32 $0x1, s5;
	p2 =	sgt.u32 s2, $0x4E170;
	(pc) =	sbr.rel @p1 .LBB2_42-.Ltmp35, $4  }
0x284: {  	s8 =	simm.s32 @!p2 $0x400;
	s7 =	sand.u32 @!p2 $0x7FFF8, s2;
	s9 =	sadd.s32 @!p2 $0x80, s2  }
0x285: {  	s2 =	sand.u32 @!p2 $0x7, s2;
	s7 =	sadd.s32 @!p2 s1, s7;
	s9 =	sand.u32 @!p2 $0xFFFF8, s9  }
0x286: {  	[hbm4b:s7+s2] =	stream.linear.scatter @!p2 [tilespmem:s3], [sflag:$0x5], $0x80, $0x38;
	[tilespmem:$0x1E678] =	vst v63  }
0x287: {  	s6 =	sadd.s32 s6, s8;
	s3 =	sadd.s32 @!p2 $0x80, s3;
	s7 =	sadd.s32 @!p2 s1, s9  }
.LBB2_43:
0x288: {  	[hbm4b:s7+s2] =	stream.linear.scatter @!p2 [tilespmem:s3], [sflag:$0x5], $0x80, $0x38;
	[tilespmem:$0x1E678] =	vst v63  }
0x289: {  	s0 =	sshrl.u32 s6, $0x2  }
.LBB2_44:
0x28a: {  	s2 =	simm.s32 $0x5  }
0x28b: {  	_ =	swait.ge [sflag:s2], s0  }
0x28c: {  	s31 =	ssub.s32 $0x0, s0;
	[sflag:s2] =	ssyncset.done $0x0  }
0x28d: {  	[sflag:s2] =	ssyncadd.s32 s31  }
0x28e: {  	[sflag:s2] =	ssyncpa.u1 $0x1  }
.LBB2_45:
0x28f: {  	s0 =	sor.u32 s14, s15  }
0x290: {  	p1 =	sne.s32 s0, $0x0  }
.Ltmp36:
0x291: {  	_ = 	snop;
	(pc) =	sbr.rel @p1 .LBB2_60-.Ltmp36, $3  }
0x292: {  	_ =	sdelay $0x1  }
0x293: {  	[bflag:$0x0] =	sbarrier.arrive $0xFFFF  }
0x294: {  	_ =	sfence  }
0x295: {  	s0 =	simm.s32 $0x7  }
0x296: {  	s2 =	simm.s32 $0x2000;
	s3 =	simm.s32 $0xE418;
	[sflag:s0] =	ssyncpa.u1 $0x0  }
0x297: {  	[tilespmem:s3], [sflag:$0x7] =	stream.linear.gather [spmem:s2], $0x20, $0x38;
	[tilespmem:$0x1E678] =	vst v63  }
0x298: {  	s30 =	simm.s32 $0xE438;
	s2 =	simm.s32 $0x0  }
0x299: {  	[tilespmem:s30], [sflag:$0x7] =	stream.linear.gather [spmem:s2], $0x2000, $0x38;
	[tilespmem:$0x1E678] =	vst v63  }
.Ltmp37:
0x29a: {  	_ = 	snop;
	(pc) =	sbr.rel .LBB2_47-.Ltmp37, $4  }
0x29b: {  	_ =	swait.ge [sflag:s0], $0x2020  }
0x29c: {  	[sflag:s0] =	ssyncset.done $0x0  }
0x29d: {  	s31 =	simm.s32 $0x8;
	[sflag:s0] =	ssyncadd.s32 $0xFFFFDFE0  }
0x29e: {  	s3 =	simm.s32 $0x0;
	[sflag:s31] =	ssyncpa.u1 $0x0  }
.LBB2_53:
0x29f: {  	p1 =	slt.u32 s0, $0x4E171  }
0x2a0: {  	s4 =	sand.u32 @p1 $0x7FFF8, s0;
	s5 =	sand.u32 @p1 $0x7, s0;
	s0 =	sadd.s32 @p1 $0x80, s0  }
0x2a1: {  	s6 =	simm.s32 @p1 $0xE308;
	s4 =	sadd.s32 @p1 s1, s4;
	s0 =	sand.u32 @p1 $0xFFFF8, s0  }
0x2a2: {  	[tilespmem:s6], [sflag:$0x8] =	stream.linear.gather @p1 [hbm4b:s4+s5], $0x80, $0x38;
	[tilespmem:$0x1E678] =	vst v63  }
0x2a3: {  	s0 =	sadd.s32 @p1 s1, s0;
	s4 =	simm.s32 @p1 $0xE388  }
0x2a4: {  	[tilespmem:s4], [sflag:$0x8] =	stream.linear.gather @p1 [hbm4b:s0+s5], $0x80, $0x38;
	[tilespmem:$0x1E678] =	vst v63  }
0x2a5: {  	s0 =	simm.s32 @p1 $0x8  }
0x2a6: {  	_ =	swait.ge @p1 [sflag:s0], $0x100  }
0x2a7: {  	[sflag:s0] =	ssyncset.done @p1 $0x0  }
0x2a8: {  	[sflag:s0] =	ssyncadd.s32 @p1 $0xFFFFFF00  }
0x2a9: {  	v1 =	vld @p1 [tilespmem:$0xE308];
	_ =	sdelay $0x2  }
0x2aa: {  	s0 =	sshll.u32 @p1 s3, $0xA  }
0x2ab: {  	s4 =	sshrl.u32 @p1 s0, $0x2  }
0x2ac: {  	[tilespmem:s4+$0xE438] =	vst.add.f32.msk @p1 $0xffff, v1  }
0x2ad: {  	v1 =	vld @p1 [tilespmem:$0xE318];
	_ =	sdelay $0x4  }
0x2ae: {  	[tilespmem:s4+$0xE448] =	vst.add.f32.msk @p1 $0xffff, v1  }
0x2af: {  	v1 =	vld @p1 [tilespmem:$0xE328];
	_ =	sdelay $0x4  }
0x2b0: {  	[tilespmem:s4+$0xE458] =	vst.add.f32.msk @p1 $0xffff, v1  }
0x2b1: {  	v1 =	vld @p1 [tilespmem:$0xE338];
	_ =	sdelay $0x4  }
0x2b2: {  	[tilespmem:s4+$0xE468] =	vst.add.f32.msk @p1 $0xffff, v1  }
0x2b3: {  	v1 =	vld @p1 [tilespmem:$0xE348];
	_ =	sdelay $0x4  }
0x2b4: {  	[tilespmem:s4+$0xE478] =	vst.add.f32.msk @p1 $0xffff, v1  }
0x2b5: {  	v1 =	vld @p1 [tilespmem:$0xE358];
	_ =	sdelay $0x4  }
0x2b6: {  	[tilespmem:s4+$0xE488] =	vst.add.f32.msk @p1 $0xffff, v1  }
0x2b7: {  	v1 =	vld @p1 [tilespmem:$0xE368];
	_ =	sdelay $0x4  }
0x2b8: {  	[tilespmem:s4+$0xE498] =	vst.add.f32.msk @p1 $0xffff, v1  }
0x2b9: {  	v1 =	vld @p1 [tilespmem:$0xE378];
	_ =	sdelay $0x4  }
0x2ba: {  	[tilespmem:s4+$0xE4A8] =	vst.add.f32.msk @p1 $0xffff, v1  }
0x2bb: {  	v1 =	vld @p1 [tilespmem:$0xE388];
	_ =	sdelay $0x4  }
0x2bc: {  	[tilespmem:s4+$0xE4B8] =	vst.add.f32.msk @p1 $0xffff, v1  }
0x2bd: {  	v1 =	vld @p1 [tilespmem:$0xE398];
	_ =	sdelay $0x4  }
0x2be: {  	[tilespmem:s4+$0xE4C8] =	vst.add.f32.msk @p1 $0xffff, v1  }
0x2bf: {  	v1 =	vld @p1 [tilespmem:$0xE3A8];
	_ =	sdelay $0x4  }
0x2c0: {  	[tilespmem:s4+$0xE4D8] =	vst.add.f32.msk @p1 $0xffff, v1  }
0x2c1: {  	v1 =	vld @p1 [tilespmem:$0xE3B8];
	_ =	sdelay $0x4  }
0x2c2: {  	[tilespmem:s4+$0xE4E8] =	vst.add.f32.msk @p1 $0xffff, v1  }
0x2c3: {  	v1 =	vld @p1 [tilespmem:$0xE3C8];
	_ =	sdelay $0x4  }
0x2c4: {  	[tilespmem:s4+$0xE4F8] =	vst.add.f32.msk @p1 $0xffff, v1  }
0x2c5: {  	v1 =	vld @p1 [tilespmem:$0xE3D8];
	_ =	sdelay $0x4  }
0x2c6: {  	[tilespmem:s4+$0xE508] =	vst.add.f32.msk @p1 $0xffff, v1  }
0x2c7: {  	v1 =	vld @p1 [tilespmem:$0xE3E8];
	_ =	sdelay $0x4  }
0x2c8: {  	[tilespmem:s4+$0xE518] =	vst.add.f32.msk @p1 $0xffff, v1  }
0x2c9: {  	v1 =	vld @p1 [tilespmem:$0xE3F8];
	_ =	sdelay $0x3  }
0x2ca: {  	s5 =	sshll.u32 @!p1 s3, $0xA  }
0x2cb: {  	s5 =	smov.u32 @p1 s0;
	[tilespmem:s4+$0xE528] =	vst.add.f32.msk @p1 $0xffff, v1  }
0x2cc: {  	s0 =	sshrl.u32 s5, $0x2;
	[tilespmem:s2+$0xE418] =	vst.msk $0x1, v0  }
0x2cd: {  	v0 =	vld [tilespmem:s0+$0xE438];
	_ =	sdelay $0x2  }
0x2ce: {  	s31 =	sshll.u32 s2, $0xA  }
0x2cf: {  	s4 =	sshra.s32 s31, $0x2  }
0x2d0: {  	[tilespmem:s4+$0xE438] =	vst v0  }
0x2d1: {  	v0 =	vld [tilespmem:s0+$0xE448];
	_ =	sdelay $0x4  }
0x2d2: {  	[tilespmem:s4+$0xE448] =	vst v0  }
0x2d3: {  	v0 =	vld [tilespmem:s0+$0xE458];
	_ =	sdelay $0x4  }
0x2d4: {  	[tilespmem:s4+$0xE458] =	vst v0  }
0x2d5: {  	v0 =	vld [tilespmem:s0+$0xE468];
	_ =	sdelay $0x4  }
0x2d6: {  	[tilespmem:s4+$0xE468] =	vst v0  }
0x2d7: {  	v0 =	vld [tilespmem:s0+$0xE478];
	_ =	sdelay $0x4  }
0x2d8: {  	[tilespmem:s4+$0xE478] =	vst v0  }
0x2d9: {  	v0 =	vld [tilespmem:s0+$0xE488];
	_ =	sdelay $0x4  }
0x2da: {  	[tilespmem:s4+$0xE488] =	vst v0  }
0x2db: {  	v0 =	vld [tilespmem:s0+$0xE498];
	_ =	sdelay $0x4  }
0x2dc: {  	[tilespmem:s4+$0xE498] =	vst v0  }
0x2dd: {  	v0 =	vld [tilespmem:s0+$0xE4A8];
	_ =	sdelay $0x4  }
0x2de: {  	[tilespmem:s4+$0xE4A8] =	vst v0  }
0x2df: {  	v0 =	vld [tilespmem:s0+$0xE4B8];
	_ =	sdelay $0x4  }
0x2e0: {  	[tilespmem:s4+$0xE4B8] =	vst v0  }
0x2e1: {  	v0 =	vld [tilespmem:s0+$0xE4C8];
	_ =	sdelay $0x4  }
0x2e2: {  	[tilespmem:s4+$0xE4C8] =	vst v0  }
0x2e3: {  	v0 =	vld [tilespmem:s0+$0xE4D8];
	_ =	sdelay $0x4  }
0x2e4: {  	[tilespmem:s4+$0xE4D8] =	vst v0  }
0x2e5: {  	v0 =	vld [tilespmem:s0+$0xE4E8];
	_ =	sdelay $0x4  }
0x2e6: {  	[tilespmem:s4+$0xE4E8] =	vst v0  }
0x2e7: {  	v0 =	vld [tilespmem:s0+$0xE4F8];
	_ =	sdelay $0x4  }
0x2e8: {  	[tilespmem:s4+$0xE4F8] =	vst v0  }
0x2e9: {  	v0 =	vld [tilespmem:s0+$0xE508];
	_ =	sdelay $0x4  }
0x2ea: {  	[tilespmem:s4+$0xE508] =	vst v0  }
0x2eb: {  	v0 =	vld [tilespmem:s0+$0xE518];
	_ =	sdelay $0x4  }
0x2ec: {  	[tilespmem:s4+$0xE518] =	vst v0  }
0x2ed: {  	v0 =	vld [tilespmem:s0+$0xE528];
	_ =	sdelay $0x4  }
0x2ee: {  	s2 =	sadd.s32 $0x1, s2;
	[tilespmem:s4+$0xE528] =	vst v0  }
.LBB2_54:
0x2ef: {  	s3 =	sadd.s32 $0x1, s3  }
0x2f0: {  	p1 =	sne.s32 s3, $0x20  }
.Ltmp38:
0x2f1: {  	_ = 	snop;
	(pc) =	sbr.rel @!p1 .LBB2_55-.Ltmp38, $1  }
0x2f2: {  	_ =	sdelay $0x3  }
.LBB2_47:
0x2f3: {  	v0 =	vld.msk [tilespmem:s3+$0xE418], $0x1;
	_ =	sdelay $0x4  }
0x2f4: {  	(v2sf) =	vpush v0, $0x0;
	_ =	sdelay $0xe  }
0x2f5: {  	s0 =	spop (v2sf)  }
0x2f6: {  	p1 =	seq.s32 s0, $0xFFFFFFFF  }
.Ltmp39:
0x2f7: {  	_ = 	snop;
	(pc) =	sbr.rel @p1 .LBB2_54-.Ltmp39, $1  }
0x2f8: {  	_ =	sdelay $0x3  }
0x2f9: {  	p1 =	slt.s32 s2, $0x1  }
.Ltmp40:
0x2fa: {  	_ = 	snop;
	(pc) =	sbr.rel @p1 .LBB2_53-.Ltmp40, $1  }
0x2fb: {  	_ =	sdelay $0x3  }
0x2fc: {  	s4 =	simm.s32 $0xE418;
	p1 =	por $0x0, $0x0  }
0x2fd: {  	v1 =	vld.msk @!p1 [tilespmem:s4+$0x0], $0x1;
	_ =	sdelay $0x4  }
0x2fe: {  	(v2sf) =	vpush @!p1 v1, $0x0;
	_ =	sdelay $0xd  }
0x2ff: {  	p3 =	sne.s32 s2, $0x1  }
.Ltmp41:
0x300: {  	s5 =	spop @!p1 (v2sf);
	(pc) =	sbr.rel @!p3 .LBB2_51-.Ltmp41, $4  }
0x301: {  	p2 =	seq.s32 @!p1 s0, s5  }
0x302: {  	s5 =	simm.s32 $0x0;
	p2 =	por !p2, p1  }
0x303: {  	s7 =	simm.s32 $0xFFFFFFFF;
	s5 =	simm.s32 @p2 $0xFFFFFFFF  }
0x304: {  	s6 =	simm.s32 $0x1;
	s5 =	smov.u32 @p1 s7  }
.LBB2_50:
0x305: {  	s7 =	smov.u32 s5;
	p1 =	sne.s32 s5, $0xFFFFFFFF  }
0x306: {  	s4 =	sadd.s32 $0x1, s4;
	s5 =	smov.u32 s6;
	s6 =	sadd.s32 $0x1, s6  }
0x307: {  	p2 =	sne.s32 s2, s6;
	v1 =	vld.msk @!p1 [tilespmem:s4+$0x0], $0x1;
	_ =	sdelay $0x4  }
0x308: {  	(v2sf) =	vpush @!p1 v1, $0x0;
	_ =	sdelay $0xe  }
.Ltmp42:
0x309: {  	s8 =	spop @!p1 (v2sf);
	(pc) =	sbr.rel @p2 .LBB2_50-.Ltmp42, $4  }
0x30a: {  	p3 =	seq.s32 @!p1 s0, s8  }
0x30b: {  	p3 =	por !p3, p1  }
0x30c: {  	s5 =	simm.s32 @p3 $0xFFFFFFFF  }
0x30d: {  	s5 =	smov.u32 @p1 s7  }
.LBB2_51:
0x30e: {  	p1 =	seq.s32 s5, $0xFFFFFFFF  }
.Ltmp43:
0x30f: {  	_ = 	snop;
	(pc) =	sbr.rel @p1 .LBB2_53-.Ltmp43, $1  }
0x310: {  	_ =	sdelay $0x3  }
0x311: {  	s0 =	sshll.u32 s3, $0x8  }
0x312: {  	s0 =	sand.u32 $0x3FFFFF00, s0  }
0x313: {  	v0 =	vld [tilespmem:s0+$0xE438];
	_ =	sdelay $0x2  }
0x314: {  	s4 =	sshll.u32 s5, $0xA  }
0x315: {  	s4 =	sshra.s32 s4, $0x2  }
0x316: {  	[tilespmem:s4+$0xE438] =	vst.add.f32.msk $0xffff, v0  }
0x317: {  	v0 =	vld [tilespmem:s0+$0xE448];
	_ =	sdelay $0x4  }
0x318: {  	[tilespmem:s4+$0xE448] =	vst.add.f32.msk $0xffff, v0  }
0x319: {  	v0 =	vld [tilespmem:s0+$0xE458];
	_ =	sdelay $0x4  }
0x31a: {  	[tilespmem:s4+$0xE458] =	vst.add.f32.msk $0xffff, v0  }
0x31b: {  	v0 =	vld [tilespmem:s0+$0xE468];
	_ =	sdelay $0x4  }
0x31c: {  	[tilespmem:s4+$0xE468] =	vst.add.f32.msk $0xffff, v0  }
0x31d: {  	v0 =	vld [tilespmem:s0+$0xE478];
	_ =	sdelay $0x4  }
0x31e: {  	[tilespmem:s4+$0xE478] =	vst.add.f32.msk $0xffff, v0  }
0x31f: {  	v0 =	vld [tilespmem:s0+$0xE488];
	_ =	sdelay $0x4  }
0x320: {  	[tilespmem:s4+$0xE488] =	vst.add.f32.msk $0xffff, v0  }
0x321: {  	v0 =	vld [tilespmem:s0+$0xE498];
	_ =	sdelay $0x4  }
0x322: {  	[tilespmem:s4+$0xE498] =	vst.add.f32.msk $0xffff, v0  }
0x323: {  	v0 =	vld [tilespmem:s0+$0xE4A8];
	_ =	sdelay $0x4  }
0x324: {  	[tilespmem:s4+$0xE4A8] =	vst.add.f32.msk $0xffff, v0  }
0x325: {  	v0 =	vld [tilespmem:s0+$0xE4B8];
	_ =	sdelay $0x4  }
0x326: {  	[tilespmem:s4+$0xE4B8] =	vst.add.f32.msk $0xffff, v0  }
0x327: {  	v0 =	vld [tilespmem:s0+$0xE4C8];
	_ =	sdelay $0x4  }
0x328: {  	[tilespmem:s4+$0xE4C8] =	vst.add.f32.msk $0xffff, v0  }
0x329: {  	v0 =	vld [tilespmem:s0+$0xE4D8];
	_ =	sdelay $0x4  }
0x32a: {  	[tilespmem:s4+$0xE4D8] =	vst.add.f32.msk $0xffff, v0  }
0x32b: {  	v0 =	vld [tilespmem:s0+$0xE4E8];
	_ =	sdelay $0x4  }
0x32c: {  	[tilespmem:s4+$0xE4E8] =	vst.add.f32.msk $0xffff, v0  }
0x32d: {  	v0 =	vld [tilespmem:s0+$0xE4F8];
	_ =	sdelay $0x4  }
0x32e: {  	[tilespmem:s4+$0xE4F8] =	vst.add.f32.msk $0xffff, v0  }
0x32f: {  	v0 =	vld [tilespmem:s0+$0xE508];
	_ =	sdelay $0x4  }
0x330: {  	[tilespmem:s4+$0xE508] =	vst.add.f32.msk $0xffff, v0  }
0x331: {  	v0 =	vld [tilespmem:s0+$0xE518];
	_ =	sdelay $0x4  }
0x332: {  	[tilespmem:s4+$0xE518] =	vst.add.f32.msk $0xffff, v0  }
0x333: {  	v0 =	vld [tilespmem:s0+$0xE528]  }
.Ltmp44:
0x334: {  	_ = 	snop;
	(pc) =	sbr.rel .LBB2_54-.Ltmp44, $2  }
0x335: {  	_ =	sdelay $0x2  }
0x336: {  	[tilespmem:s4+$0xE528] =	vst.add.f32.msk $0xffff, v0  }
.LBB2_55:
0x337: {  	p1 =	slt.s32 s2, $0x1  }
.Ltmp45:
0x338: {  	_ = 	snop;
	(pc) =	sbr.rel @p1 .LBB2_59-.Ltmp45, $3  }
0x339: {  	_ =	sdelay $0x1  }
0x33a: {  	s0 =	simm.s32 $0x8  }
0x33b: {  	s4 =	simm.s32 $0x0;
	[sflag:s0] =	ssyncpa.u1 $0x1  }
0x33c: {  	s0 =	simm.s32 $0xE418  }
0x33d: {  	v0 =	vld.msk [tilespmem:s0+$0x0], $0x1;
	_ =	sdelay $0x4  }
0x33e: {  	(v2sf) =	vpush v0, $0x0;
	_ =	sdelay $0xe  }
0x33f: {  	s0 =	sadd.s32 $0xFFFFFFFF, s2;
	s3 =	spop (v2sf)  }
0x340: {  	s6 =	simm.s32 $0xE438;
	p1 =	sne.s32 s0, $0x0;
	p2 =	sgt.u32 s3, $0x4E170  }
.Ltmp46:
0x341: {  	s2 =	simm.s32 $0xE538;
	s5 =	sand.u32 @!p2 $0x7FFF8, s3;
	(pc) =	sbr.rel @!p1 .LBB2_58-.Ltmp46, $4  }
0x342: {  	s7 =	sadd.s32 @!p2 $0x80, s3;
	s4 =	simm.s32 @!p2 $0x400;
	s8 =	sadd.s32 @!p2 s1, s5  }
0x343: {  	s5 =	sand.u32 @!p2 $0x7, s3;
	s3 =	simm.s32 $0xE419;
	s7 =	sand.u32 @!p2 $0xFFFF8, s7  }
0x344: {  	[hbm4b:s8+s5] =	stream.linear.scatter @!p2 [tilespmem:s6], [sflag:$0x7], $0x80, $0x38;
	[tilespmem:$0x1E678] =	vst v63  }
0x345: {  	s4 =	sadd.s32 $0x0, s4;
	s6 =	simm.s32 @!p2 $0xE4B8;
	s7 =	sadd.s32 @!p2 s1, s7  }
.LBB2_57:
0x346: {  	[hbm4b:s7+s5] =	stream.linear.scatter @!p2 [tilespmem:s6], [sflag:$0x7], $0x80, $0x38;
	[tilespmem:$0x1E678] =	vst v63  }
0x347: {  	s0 =	sadd.s32 $0xFFFFFFFF, s0;
	s6 =	smov.u32 s2;
	v0 =	vld.msk [tilespmem:s3+$0x0], $0x1  }
0x348: {  	p1 =	sne.s32 s0, $0x0;
	_ =	sdelay $0x3  }
0x349: {  	(v2sf) =	vpush v0, $0x0;
	_ =	sdelay $0xe  }
0x34a: {  	s2 =	sadd.s32 $0x100, s2;
	s8 =	simm.s32 $0x0;
	s5 =	spop (v2sf)  }
.Ltmp47:
0x34b: {  	s3 =	sadd.s32 $0x1, s3;
	p2 =	sgt.u32 s5, $0x4E170;
	(pc) =	sbr.rel @p1 .LBB2_57-.Ltmp47, $4  }
0x34c: {  	s8 =	simm.s32 @!p2 $0x400;
	s7 =	sand.u32 @!p2 $0x7FFF8, s5;
	s9 =	sadd.s32 @!p2 $0x80, s5  }
0x34d: {  	s5 =	sand.u32 @!p2 $0x7, s5;
	s7 =	sadd.s32 @!p2 s1, s7;
	s9 =	sand.u32 @!p2 $0xFFFF8, s9  }
0x34e: {  	[hbm4b:s7+s5] =	stream.linear.scatter @!p2 [tilespmem:s6], [sflag:$0x7], $0x80, $0x38;
	[tilespmem:$0x1E678] =	vst v63  }
0x34f: {  	s4 =	sadd.s32 s4, s8;
	s6 =	sadd.s32 @!p2 $0x80, s6;
	s7 =	sadd.s32 @!p2 s1, s9  }
.LBB2_58:
0x350: {  	[hbm4b:s7+s5] =	stream.linear.scatter @!p2 [tilespmem:s6], [sflag:$0x7], $0x80, $0x38;
	[tilespmem:$0x1E678] =	vst v63  }
0x351: {  	s4 =	sshrl.u32 s4, $0x2  }
.LBB2_59:
0x352: {  	s0 =	simm.s32 $0x7  }
0x353: {  	_ =	swait.ge [sflag:s0], s4  }
0x354: {  	s1 =	ssub.s32 $0x0, s4;
	[sflag:s0] =	ssyncset.done $0x0  }
0x355: {  	[sflag:s0] =	ssyncadd.s32 s1  }
0x356: {  	[sflag:s0] =	ssyncpa.u1 $0x1  }
.LBB2_60:
0x357: {  	_ =	sfence;
	s0 =	simm.s32 $0x1  }
0x358: {  	[sflag:s0] =	ssyncpa.u1 $0x1  }
0x359: {  	_ =	strace $0x9000004D  }
0x35a: {  	[bflag:$0x2] =	sbarrier.arrive $0xFFFF  }
0x35b: {  	s0 =	rddreg [dreg:$0x3]  }
0x35c: {  	s0 =	sadd.s32 @!p0 $0x100000, s0  }
0x35d: {  	[sflag:s0] =	ssyncadd.tile.s32 @!p0 $0x1;
	_ =	shalt  }
.Lfunc_end2:
_tile_overlayer_lowered:
.L_overlay_start_2:
0x35e: {  	(tag) =	ssettag $0x2  }
0x35f: {  	s0 =	rddreg [dreg:$0x0];
	s2 =	stileid.u32  }
0x360: {  	s1 =	rddreg [dreg:$0x1];
	p0 =	sne.s32 s2, $0x0  }
0x361: {  	s3 =	rddreg [dreg:$0x2];
	[bflag:$0x3] =	sbarrier.arrive $0xFFFF;
	s2 =	simm.s32 @!p0 $0x1C01  }
0x362: {  	[timem:s3], [sflag:s2] =	dma.local @!p0 [hbm:s0], s1  }
0x363: {  	s0 =	simm.s32 @!p0 $0x1  }
0x364: {  	_ =	swait.ge @!p0 [sflag:s0], s1  }
0x365: {  	s1 =	ssub.s32 @!p0 $0x0, s1;
	[sflag:s0] =	ssyncset.done @!p0 $0x0  }
0x366: {  	[sflag:s0] =	ssyncadd.s32 @!p0 s1  }
0x367: {  	[bflag:$0x3] =	sbarrier.arrive $0xFFFF  }
0x368: {  	_ =	shalt  }

</sc_bundles>
